<compile_context>
chip_gen: v7x
topology: tpu7x:2x2x1
jax: 0.10.2.dev20260603
libtpu: 0.0.44.dev20260713+nightly
codegen_flags: <defaults>
</compile_context>

<pallas_src>
import functools

import jax
import jax.numpy as jnp
from jax import lax
from jax.experimental import pallas as pl
from jax.experimental.pallas import tpu as pltpu
from jax.experimental.pallas import tpu_sc as plsc

_T = 4 * 4096
_D = 4096
_E = 64
_K = 8
_BT = 1024

_NW = 32
_RW = _T // _NW
_L = 16


def _logits_kernel(h_ref, wt_ref, b_ref, o_ref):
    o_ref[...] = (
        jnp.dot(h_ref[...], wt_ref[...], preferred_element_type=jnp.float32)
        + b_ref[...]
    )


def _tc_logits(hidden_states, wt, bias2):
    grid = (_T // _BT,)
    return pl.pallas_call(
        _logits_kernel,
        grid=grid,
        in_specs=[
            pl.BlockSpec((_BT, _D), lambda i: (i, 0)),
            pl.BlockSpec((_D, _E), lambda i: (0, 0)),
            pl.BlockSpec((1, _E), lambda i: (0, 0)),
        ],
        out_specs=pl.BlockSpec((_BT, _E), lambda i: (i, 0)),
        out_shape=jax.ShapeDtypeStruct((_T, _E), jnp.float32),
        compiler_params=pltpu.CompilerParams(
            dimension_semantics=("parallel",),
        ),
    )(hidden_states, wt, bias2)


def _desc(v):
    s, _ = plsc.sort_key_val(v, v, descending=True)
    return s


def _rev(v):
    return lax.rev(v, (0,))


def _route_body(logits_hbm, scale_hbm, out_hbm, in_v, scale_v,
                sem_i0, sem_i1, sem_i2, sem_i3, sem_o):
    wid = lax.axis_index("s") * 2 + lax.axis_index("c")
    base = wid * _RW
    cr = _RW // 4
    sems_in = (sem_i0, sem_i1, sem_i2, sem_i3)
    handles = [
        pltpu.async_copy(
            logits_hbm.at[pl.ds(base + c * cr, cr)],
            in_v.at[pl.ds(c * cr, cr)],
            sems_in[c],
        )
        for c in range(4)
    ]
    pltpu.sync_copy(scale_hbm, scale_v)
    scale = scale_v[...]

    out_handles = []
    for c in range(4):
        handles[c].wait()
        _chunk_rows(in_v, scale, c * cr, cr)
        out_handles.append(
            pltpu.async_copy(
                in_v.at[pl.ds(c * cr, cr)],
                out_hbm.at[pl.ds(base + c * cr, cr)],
                sem_o,
            )
        )
    for h in out_handles:
        h.wait()


def _chunk_rows(in_v, scale, row0, nrows):
    @plsc.parallel_loop(row0, row0 + nrows, unroll=2)
    def body(r):
        v0 = in_v[r, pl.ds(0, _L)]
        v1 = in_v[r, pl.ds(_L, _L)]
        v2 = in_v[r, pl.ds(2 * _L, _L)]
        v3 = in_v[r, pl.ds(3 * _L, _L)]
        c1 = _desc(jnp.maximum(_desc(v0), _rev(_desc(v1))))
        c2 = _desc(jnp.maximum(_desc(v2), _rev(_desc(v3))))
        top = _desc(jnp.maximum(c1, _rev(c2)))
        m0 = top[0]
        t8 = top[7]

        e0 = jnp.where(v0 >= t8, jnp.exp(v0 - m0), 0.0)
        e1 = jnp.where(v1 >= t8, jnp.exp(v1 - m0), 0.0)
        e2 = jnp.where(v2 >= t8, jnp.exp(v2 - m0), 0.0)
        e3 = jnp.where(v3 >= t8, jnp.exp(v3 - m0), 0.0)
        s = jnp.sum((e0 + e1) + (e2 + e3))
        sv = jnp.full((_L,), 1.0, jnp.float32) * s
        f = scale / sv
        in_v[r, pl.ds(0, _L)] = e0 * f
        in_v[r, pl.ds(_L, _L)] = e1 * f
        in_v[r, pl.ds(2 * _L, _L)] = e2 * f
        in_v[r, pl.ds(3 * _L, _L)] = e3 * f


def _sc_route(logits, scale_vec):
    mesh = plsc.VectorSubcoreMesh(core_axis_name="c", subcore_axis_name="s")
    f = functools.partial(
        pl.kernel,
        mesh=mesh,
        out_type=jax.ShapeDtypeStruct((_T, _E), jnp.float32),
        scratch_types=[
            pltpu.VMEM((_RW, _E), jnp.float32),
            pltpu.VMEM((_L,), jnp.float32),
            pltpu.SemaphoreType.DMA,
            pltpu.SemaphoreType.DMA,
            pltpu.SemaphoreType.DMA,
            pltpu.SemaphoreType.DMA,
            pltpu.SemaphoreType.DMA,
        ],
        compiler_params=pltpu.CompilerParams(needs_layout_passes=False),
    )(_route_body)
    return f(logits, scale_vec)


def kernel(hidden_states, weight, bias, top_k):
    wt = weight.T
    bias2 = bias.reshape(1, _E)
    scale_vec = jnp.full((_L,), 1.0, jnp.float32) * (
        jnp.asarray(top_k - (_K - 1), jnp.float32)
    )
    logits = _tc_logits(hidden_states, wt, bias2)
    return _sc_route(logits, scale_vec)

# --- scband reference (transcript-rebuilt; emitter-appended) ---
"""Pipeline reference for scband-gpt-oss-top-krouter-11424613007750 (READ-ONLY COPY).

The authoritative reference and input builder live on the scoring server;
editing this copy changes nothing except your own understanding.
"""

import jax, jax.numpy as jnp
import numpy as np

T = 4 * 4096
D = 4096
E = 64
TOP_K = 8


def setup_inputs(seed: int = 0) -> dict:
    key = jax.random.key(seed)
    k1, k2, k3 = jax.random.split(key, 3)
    hidden_states = jax.random.normal(k1, (T, D), dtype=jnp.float32)
    weight = jax.random.normal(k2, (E, D), dtype=jnp.float32) * 0.02
    bias = jax.random.normal(k3, (E,), dtype=jnp.float32) * 0.02
    return {"hidden_states": hidden_states, "weight": weight, "bias": bias, "top_k": TOP_K}


def reference(hidden_states, weight, bias, top_k):
    # router logits: [T, E]
    logits = hidden_states @ weight.T + bias
    # top-k selection per token
    vals, idx = jax.lax.top_k(logits, TOP_K)
    # softmax over the selected top-k logits only
    probs = jax.nn.softmax(vals, axis=-1)
    # scatter normalized probs back into a sparse [T, E] score matrix
    rows = jnp.arange(logits.shape[0])[:, None]
    scores = jnp.zeros_like(logits).at[rows, idx].set(probs)
    return scores * ((top_k - TOP_K) + 1)

if __name__ == "__main__":
    import jax
    _d = setup_inputs()
    print(jax.jit(kernel)(*tuple(_d.values())))

</pallas_src>

<mosaic_0001>
#map = affine_map<(d0, d1) -> (0, 0)>
#map1 = affine_map<(d0, d1) -> (0)>
module attributes {stable_mosaic.version = 14 : i64} {
  func.func @_route_body(%arg0: i32, %arg1: i32, %arg2: memref<16384x64xf32, #tpu.memory_space<hbm>>, %arg3: memref<16xf32, #tpu.memory_space<hbm>>, %arg4: memref<16384x64xf32, #tpu.memory_space<hbm>>, %arg5: memref<512x64xf32, #tpu.memory_space<vmem>>, %arg6: memref<16xf32, #tpu.memory_space<vmem>>, %arg7: memref<!tpu.dma_semaphore, #tpu.memory_space<semaphore_mem>>, %arg8: memref<!tpu.dma_semaphore, #tpu.memory_space<semaphore_mem>>, %arg9: memref<!tpu.dma_semaphore, #tpu.memory_space<semaphore_mem>>, %arg10: memref<!tpu.dma_semaphore, #tpu.memory_space<semaphore_mem>>, %arg11: memref<!tpu.dma_semaphore, #tpu.memory_space<semaphore_mem>>) attributes {dimension_semantics = [#tpu.dimension_semantics<core_parallel>, #tpu.dimension_semantics<subcore_parallel>], iteration_bounds = array<i64: 2, 16>, scalar_prefetch = 0 : i64, scratch_operands = 7 : i64, tpu.core_type = #tpu.core_type<sc_vector_subcore>, window_params = [{transform_indices = #map}, {transform_indices = #map1}, {transform_indices = #map}]} {
    %mul3A = arith.constant 2 : i32
    %mul3A_0 = arith.muli %arg1, %mul3A : i32
    %add3A = arith.addi %mul3A_0, %arg0 : i32
    %mul3A_1 = arith.constant 512 : i32
    %mul3A_2 = arith.muli %add3A, %mul3A_1 : i32
    %add3A_3 = arith.constant 0 : i32
    %add3A_4 = arith.addi %mul3A_2, %add3A_3 : i32
    %dma_start3A = arith.constant 0 : i32
    %dma_start3A_5 = arith.constant 0 : i32
    %dma_start3A_6 = tpu.memref_slice %arg5[%dma_start3A, %dma_start3A_5] : memref<512x64xf32, #tpu.memory_space<vmem>> -> memref<128x64xf32, #tpu.memory_space<vmem>>
    %dma_start3A_7 = arith.constant 0 : i32
    %dma_start3A_8 = tpu.memref_slice %arg2[%add3A_4, %dma_start3A_7] : memref<16384x64xf32, #tpu.memory_space<hbm>> -> memref<128x64xf32, #tpu.memory_space<hbm>>
    %dma_start3A_9 = arith.constant 0 : i32
    %dma_start3A_10 = arith.constant 0 : i32
    %dma_start3A_11 = tpu.memref_slice %arg5[%dma_start3A_9, %dma_start3A_10] : memref<512x64xf32, #tpu.memory_space<vmem>> -> memref<128x64xf32, #tpu.memory_space<vmem>>
    %dma_start3A_12 = arith.constant 0 : i32
    %dma_start3A_13 = tpu.memref_slice %arg2[%add3A_4, %dma_start3A_12] : memref<16384x64xf32, #tpu.memory_space<hbm>> -> memref<128x64xf32, #tpu.memory_space<hbm>>
    tpu.enqueue_dma source(%dma_start3A_13 : memref<128x64xf32, #tpu.memory_space<hbm>>) target(%dma_start3A_11 : memref<128x64xf32, #tpu.memory_space<vmem>>) target_semaphore(%arg7 : memref<!tpu.dma_semaphore, #tpu.memory_space<semaphore_mem>>)
    %add3A_14 = arith.constant 128 : i32
    %add3A_15 = arith.addi %mul3A_2, %add3A_14 : i32
    %dma_start3A_16 = arith.constant 128 : i32
    %dma_start3A_17 = arith.constant 0 : i32
    %dma_start3A_18 = tpu.memref_slice %arg5[%dma_start3A_16, %dma_start3A_17] : memref<512x64xf32, #tpu.memory_space<vmem>> -> memref<128x64xf32, #tpu.memory_space<vmem>>
    %dma_start3A_19 = arith.constant 0 : i32
    %dma_start3A_20 = tpu.memref_slice %arg2[%add3A_15, %dma_start3A_19] : memref<16384x64xf32, #tpu.memory_space<hbm>> -> memref<128x64xf32, #tpu.memory_space<hbm>>
    %dma_start3A_21 = arith.constant 128 : i32
    %dma_start3A_22 = arith.constant 0 : i32
    %dma_start3A_23 = tpu.memref_slice %arg5[%dma_start3A_21, %dma_start3A_22] : memref<512x64xf32, #tpu.memory_space<vmem>> -> memref<128x64xf32, #tpu.memory_space<vmem>>
    %dma_start3A_24 = arith.constant 0 : i32
    %dma_start3A_25 = tpu.memref_slice %arg2[%add3A_15, %dma_start3A_24] : memref<16384x64xf32, #tpu.memory_space<hbm>> -> memref<128x64xf32, #tpu.memory_space<hbm>>
    tpu.enqueue_dma source(%dma_start3A_25 : memref<128x64xf32, #tpu.memory_space<hbm>>) target(%dma_start3A_23 : memref<128x64xf32, #tpu.memory_space<vmem>>) target_semaphore(%arg8 : memref<!tpu.dma_semaphore, #tpu.memory_space<semaphore_mem>>)
    %add3A_26 = arith.constant 256 : i32
    %add3A_27 = arith.addi %mul3A_2, %add3A_26 : i32
    %dma_start3A_28 = arith.constant 256 : i32
    %dma_start3A_29 = arith.constant 0 : i32
    %dma_start3A_30 = tpu.memref_slice %arg5[%dma_start3A_28, %dma_start3A_29] : memref<512x64xf32, #tpu.memory_space<vmem>> -> memref<128x64xf32, #tpu.memory_space<vmem>>
    %dma_start3A_31 = arith.constant 0 : i32
    %dma_start3A_32 = tpu.memref_slice %arg2[%add3A_27, %dma_start3A_31] : memref<16384x64xf32, #tpu.memory_space<hbm>> -> memref<128x64xf32, #tpu.memory_space<hbm>>
    %dma_start3A_33 = arith.constant 256 : i32
    %dma_start3A_34 = arith.constant 0 : i32
    %dma_start3A_35 = tpu.memref_slice %arg5[%dma_start3A_33, %dma_start3A_34] : memref<512x64xf32, #tpu.memory_space<vmem>> -> memref<128x64xf32, #tpu.memory_space<vmem>>
    %dma_start3A_36 = arith.constant 0 : i32
    %dma_start3A_37 = tpu.memref_slice %arg2[%add3A_27, %dma_start3A_36] : memref<16384x64xf32, #tpu.memory_space<hbm>> -> memref<128x64xf32, #tpu.memory_space<hbm>>
    tpu.enqueue_dma source(%dma_start3A_37 : memref<128x64xf32, #tpu.memory_space<hbm>>) target(%dma_start3A_35 : memref<128x64xf32, #tpu.memory_space<vmem>>) target_semaphore(%arg9 : memref<!tpu.dma_semaphore, #tpu.memory_space<semaphore_mem>>)
    %add3A_38 = arith.constant 384 : i32
    %add3A_39 = arith.addi %mul3A_2, %add3A_38 : i32
    %dma_start3A_40 = arith.constant 384 : i32
    %dma_start3A_41 = arith.constant 0 : i32
    %dma_start3A_42 = tpu.memref_slice %arg5[%dma_start3A_40, %dma_start3A_41] : memref<512x64xf32, #tpu.memory_space<vmem>> -> memref<128x64xf32, #tpu.memory_space<vmem>>
    %dma_start3A_43 = arith.constant 0 : i32
    %dma_start3A_44 = tpu.memref_slice %arg2[%add3A_39, %dma_start3A_43] : memref<16384x64xf32, #tpu.memory_space<hbm>> -> memref<128x64xf32, #tpu.memory_space<hbm>>
    %dma_start3A_45 = arith.constant 384 : i32
    %dma_start3A_46 = arith.constant 0 : i32
    %dma_start3A_47 = tpu.memref_slice %arg5[%dma_start3A_45, %dma_start3A_46] : memref<512x64xf32, #tpu.memory_space<vmem>> -> memref<128x64xf32, #tpu.memory_space<vmem>>
    %dma_start3A_48 = arith.constant 0 : i32
    %dma_start3A_49 = tpu.memref_slice %arg2[%add3A_39, %dma_start3A_48] : memref<16384x64xf32, #tpu.memory_space<hbm>> -> memref<128x64xf32, #tpu.memory_space<hbm>>
    tpu.enqueue_dma source(%dma_start3A_49 : memref<128x64xf32, #tpu.memory_space<hbm>>) target(%dma_start3A_47 : memref<128x64xf32, #tpu.memory_space<vmem>>) target_semaphore(%arg10 : memref<!tpu.dma_semaphore, #tpu.memory_space<semaphore_mem>>)
    "tpu.region"() ({
      %run_scoped3A = tpu.sem_alloc : memref<!tpu.dma_semaphore, #tpu.memory_space<semaphore_mem>>
      tpu.enqueue_dma source(%arg3 : memref<16xf32, #tpu.memory_space<hbm>>) target(%arg6 : memref<16xf32, #tpu.memory_space<vmem>>) target_semaphore(%run_scoped3A : memref<!tpu.dma_semaphore, #tpu.memory_space<semaphore_mem>>)
      tpu.wait_dma2 semaphore(%run_scoped3A : memref<!tpu.dma_semaphore, #tpu.memory_space<semaphore_mem>>) src(%arg3 : memref<16xf32, #tpu.memory_space<hbm>>) dst(%arg6 : memref<16xf32, #tpu.memory_space<vmem>>)
      tpu.yield
    }) : () -> ()
    %get3A = arith.constant 0 : index
    %get3A_50 = tpu.vector_load %arg6[%get3A] {strides = array<i32>} : memref<16xf32, #tpu.memory_space<vmem>>, vector<16xf32>,
    %dma_wait3A = arith.constant 0 : i32
    %dma_wait3A_51 = arith.constant 0 : i32
    %dma_wait3A_52 = tpu.memref_slice %arg5[%dma_wait3A, %dma_wait3A_51] : memref<512x64xf32, #tpu.memory_space<vmem>> -> memref<128x64xf32, #tpu.memory_space<vmem>>
    %dma_wait3A_53 = arith.constant 0 : i32
    %dma_wait3A_54 = tpu.memref_slice %arg2[%add3A_4, %dma_wait3A_53] : memref<16384x64xf32, #tpu.memory_space<hbm>> -> memref<128x64xf32, #tpu.memory_space<hbm>>
    %dma_wait3A_55 = arith.constant 0 : i32
    %dma_wait3A_56 = arith.constant 0 : i32
    %dma_wait3A_57 = tpu.memref_slice %arg5[%dma_wait3A_55, %dma_wait3A_56] : memref<512x64xf32, #tpu.memory_space<vmem>> -> memref<128x64xf32, #tpu.memory_space<vmem>>
    %dma_wait3A_58 = arith.constant 0 : i32
    %dma_wait3A_59 = tpu.memref_slice %arg2[%add3A_4, %dma_wait3A_58] : memref<16384x64xf32, #tpu.memory_space<hbm>> -> memref<128x64xf32, #tpu.memory_space<hbm>>
    tpu.wait_dma2 semaphore(%arg7 : memref<!tpu.dma_semaphore, #tpu.memory_space<semaphore_mem>>) src(%dma_wait3A_59 : memref<128x64xf32, #tpu.memory_space<hbm>>) dst(%dma_wait3A_57 : memref<128x64xf32, #tpu.memory_space<vmem>>)
    %parallel_loop3A = arith.constant 0 : i32
    %parallel_loop3A_60 = arith.constant 128 : i32
    %parallel_loop3A_61 = arith.constant 1 : i32
    scf.for %parallel_loop3A_189 = %parallel_loop3A to %parallel_loop3A_60 step %parallel_loop3A_61  : i32 {
      %parallel_loop3A_190 = arith.index_cast %parallel_loop3A_189 : i32 to index
      %parallel_loop3A_191 = arith.constant 0 : index
      %parallel_loop3A_192 = tpu.vector_load %arg5[%parallel_loop3A_190, %parallel_loop3A_191] {strides = array<i32>} : memref<512x64xf32, #tpu.memory_space<vmem>>, vector<16xf32>,
      %parallel_loop3A_193 = arith.index_cast %parallel_loop3A_189 : i32 to index
      %parallel_loop3A_194 = arith.constant 16 : index
      %parallel_loop3A_195 = tpu.vector_load %arg5[%parallel_loop3A_193, %parallel_loop3A_194] {strides = array<i32>} : memref<512x64xf32, #tpu.memory_space<vmem>>, vector<16xf32>,
      %parallel_loop3A_196 = arith.index_cast %parallel_loop3A_189 : i32 to index
      %parallel_loop3A_197 = arith.constant 32 : index
      %parallel_loop3A_198 = tpu.vector_load %arg5[%parallel_loop3A_196, %parallel_loop3A_197] {strides = array<i32>} : memref<512x64xf32, #tpu.memory_space<vmem>>, vector<16xf32>,
      %parallel_loop3A_199 = arith.index_cast %parallel_loop3A_189 : i32 to index
      %parallel_loop3A_200 = arith.constant 48 : index
      %parallel_loop3A_201 = tpu.vector_load %arg5[%parallel_loop3A_199, %parallel_loop3A_200] {strides = array<i32>} : memref<512x64xf32, #tpu.memory_space<vmem>>, vector<16xf32>,
      %parallel_loop3A_202 = arith.constant dense<true> : vector<16xi1>
      %parallel_loop3A_203, %parallel_loop3A_204, %parallel_loop3A_205 = tpu.sort %parallel_loop3A_192, %parallel_loop3A_192 masked %parallel_loop3A_202 {descending = true} : (vector<16xf32>, vector<16xf32>, vector<16xi1>) -> (vector<16xi1>, vector<16xf32>, vector<16xf32>)
      %parallel_loop3A_206 = arith.constant dense<true> : vector<16xi1>
      %parallel_loop3A_207, %parallel_loop3A_208, %parallel_loop3A_209 = tpu.sort %parallel_loop3A_195, %parallel_loop3A_195 masked %parallel_loop3A_206 {descending = true} : (vector<16xf32>, vector<16xf32>, vector<16xi1>) -> (vector<16xi1>, vector<16xf32>, vector<16xf32>)
      %parallel_loop3A_210 = arith.constant 15 : i32
      %parallel_loop3A_211 = vector.broadcast %parallel_loop3A_210 : i32 to vector<16xi32>
      %parallel_loop3A_212 = tpu.iota {dimensions = array<i32: 0>} : vector<16xi32>
      %parallel_loop3A_213 = arith.subi %parallel_loop3A_211, %parallel_loop3A_212 : vector<16xi32>
      %parallel_loop3A_214 = tpu.dynamic_gather %parallel_loop3A_208[%parallel_loop3A_213] in [0] : vector<16xf32>, vector<16xi32> -> vector<16xf32>
      %parallel_loop3A_215 = arith.maximumf %parallel_loop3A_204, %parallel_loop3A_214 : vector<16xf32>
      %parallel_loop3A_216 = arith.constant dense<true> : vector<16xi1>
      %parallel_loop3A_217, %parallel_loop3A_218, %parallel_loop3A_219 = tpu.sort %parallel_loop3A_215, %parallel_loop3A_215 masked %parallel_loop3A_216 {descending = true} : (vector<16xf32>, vector<16xf32>, vector<16xi1>) -> (vector<16xi1>, vector<16xf32>, vector<16xf32>)
      %parallel_loop3A_220 = arith.constant dense<true> : vector<16xi1>
      %parallel_loop3A_221, %parallel_loop3A_222, %parallel_loop3A_223 = tpu.sort %parallel_loop3A_198, %parallel_loop3A_198 masked %parallel_loop3A_220 {descending = true} : (vector<16xf32>, vector<16xf32>, vector<16xi1>) -> (vector<16xi1>, vector<16xf32>, vector<16xf32>)
      %parallel_loop3A_224 = arith.constant dense<true> : vector<16xi1>
      %parallel_loop3A_225, %parallel_loop3A_226, %parallel_loop3A_227 = tpu.sort %parallel_loop3A_201, %parallel_loop3A_201 masked %parallel_loop3A_224 {descending = true} : (vector<16xf32>, vector<16xf32>, vector<16xi1>) -> (vector<16xi1>, vector<16xf32>, vector<16xf32>)
      %parallel_loop3A_228 = arith.constant 15 : i32
      %parallel_loop3A_229 = vector.broadcast %parallel_loop3A_228 : i32 to vector<16xi32>
      %parallel_loop3A_230 = tpu.iota {dimensions = array<i32: 0>} : vector<16xi32>
      %parallel_loop3A_231 = arith.subi %parallel_loop3A_229, %parallel_loop3A_230 : vector<16xi32>
      %parallel_loop3A_232 = tpu.dynamic_gather %parallel_loop3A_226[%parallel_loop3A_231] in [0] : vector<16xf32>, vector<16xi32> -> vector<16xf32>
      %parallel_loop3A_233 = arith.maximumf %parallel_loop3A_222, %parallel_loop3A_232 : vector<16xf32>
      %parallel_loop3A_234 = arith.constant dense<true> : vector<16xi1>
      %parallel_loop3A_235, %parallel_loop3A_236, %parallel_loop3A_237 = tpu.sort %parallel_loop3A_233, %parallel_loop3A_233 masked %parallel_loop3A_234 {descending = true} : (vector<16xf32>, vector<16xf32>, vector<16xi1>) -> (vector<16xi1>, vector<16xf32>, vector<16xf32>)
      %parallel_loop3A_238 = arith.constant 15 : i32
      %parallel_loop3A_239 = vector.broadcast %parallel_loop3A_238 : i32 to vector<16xi32>
      %parallel_loop3A_240 = tpu.iota {dimensions = array<i32: 0>} : vector<16xi32>
      %parallel_loop3A_241 = arith.subi %parallel_loop3A_239, %parallel_loop3A_240 : vector<16xi32>
      %parallel_loop3A_242 = tpu.dynamic_gather %parallel_loop3A_236[%parallel_loop3A_241] in [0] : vector<16xf32>, vector<16xi32> -> vector<16xf32>
      %parallel_loop3A_243 = arith.maximumf %parallel_loop3A_218, %parallel_loop3A_242 : vector<16xf32>
      %parallel_loop3A_244 = arith.constant dense<true> : vector<16xi1>
      %parallel_loop3A_245, %parallel_loop3A_246, %parallel_loop3A_247 = tpu.sort %parallel_loop3A_243, %parallel_loop3A_243 masked %parallel_loop3A_244 {descending = true} : (vector<16xf32>, vector<16xf32>, vector<16xi1>) -> (vector<16xi1>, vector<16xf32>, vector<16xf32>)
      %parallel_loop3A_248 = vector.extract_strided_slice %parallel_loop3A_246 {offsets = [0], sizes = [1], strides = [1]} : vector<16xf32> to vector<1xf32>
      %parallel_loop3A_249 = vector.extract %parallel_loop3A_248[0] : f32 from vector<1xf32>
      %parallel_loop3A_250 = vector.extract_strided_slice %parallel_loop3A_246 {offsets = [7], sizes = [1], strides = [1]} : vector<16xf32> to vector<1xf32>
      %parallel_loop3A_251 = vector.extract %parallel_loop3A_250[0] : f32 from vector<1xf32>
      %parallel_loop3A_252 = vector.broadcast %parallel_loop3A_251 : f32 to vector<16xf32>
      %parallel_loop3A_253 = arith.cmpf oge, %parallel_loop3A_192, %parallel_loop3A_252 : vector<16xf32>
      %parallel_loop3A_254 = vector.broadcast %parallel_loop3A_249 : f32 to vector<16xf32>
      %parallel_loop3A_255 = arith.subf %parallel_loop3A_192, %parallel_loop3A_254 : vector<16xf32>
      %parallel_loop3A_256 = math.exp %parallel_loop3A_255 : vector<16xf32>
      %parallel_loop3A_257 = arith.constant 0.000000e+00 : f32
      %parallel_loop3A_258 = vector.broadcast %parallel_loop3A_257 : f32 to vector<16xf32>
      %parallel_loop3A_259 = arith.select %parallel_loop3A_253, %parallel_loop3A_256, %parallel_loop3A_258 : vector<16xi1>, vector<16xf32>
      %parallel_loop3A_260 = vector.broadcast %parallel_loop3A_251 : f32 to vector<16xf32>
      %parallel_loop3A_261 = arith.cmpf oge, %parallel_loop3A_195, %parallel_loop3A_260 : vector<16xf32>
      %parallel_loop3A_262 = vector.broadcast %parallel_loop3A_249 : f32 to vector<16xf32>
      %parallel_loop3A_263 = arith.subf %parallel_loop3A_195, %parallel_loop3A_262 : vector<16xf32>
      %parallel_loop3A_264 = math.exp %parallel_loop3A_263 : vector<16xf32>
      %parallel_loop3A_265 = arith.constant 0.000000e+00 : f32
      %parallel_loop3A_266 = vector.broadcast %parallel_loop3A_265 : f32 to vector<16xf32>
      %parallel_loop3A_267 = arith.select %parallel_loop3A_261, %parallel_loop3A_264, %parallel_loop3A_266 : vector<16xi1>, vector<16xf32>
      %parallel_loop3A_268 = vector.broadcast %parallel_loop3A_251 : f32 to vector<16xf32>
      %parallel_loop3A_269 = arith.cmpf oge, %parallel_loop3A_198, %parallel_loop3A_268 : vector<16xf32>
      %parallel_loop3A_270 = vector.broadcast %parallel_loop3A_249 : f32 to vector<16xf32>
      %parallel_loop3A_271 = arith.subf %parallel_loop3A_198, %parallel_loop3A_270 : vector<16xf32>
      %parallel_loop3A_272 = math.exp %parallel_loop3A_271 : vector<16xf32>
      %parallel_loop3A_273 = arith.constant 0.000000e+00 : f32
      %parallel_loop3A_274 = vector.broadcast %parallel_loop3A_273 : f32 to vector<16xf32>
      %parallel_loop3A_275 = arith.select %parallel_loop3A_269, %parallel_loop3A_272, %parallel_loop3A_274 : vector<16xi1>, vector<16xf32>
      %parallel_loop3A_276 = vector.broadcast %parallel_loop3A_251 : f32 to vector<16xf32>
      %parallel_loop3A_277 = arith.cmpf oge, %parallel_loop3A_201, %parallel_loop3A_276 : vector<16xf32>
      %parallel_loop3A_278 = vector.broadcast %parallel_loop3A_249 : f32 to vector<16xf32>
      %parallel_loop3A_279 = arith.subf %parallel_loop3A_201, %parallel_loop3A_278 : vector<16xf32>
      %parallel_loop3A_280 = math.exp %parallel_loop3A_279 : vector<16xf32>
      %parallel_loop3A_281 = arith.constant 0.000000e+00 : f32
      %parallel_loop3A_282 = vector.broadcast %parallel_loop3A_281 : f32 to vector<16xf32>
      %parallel_loop3A_283 = arith.select %parallel_loop3A_277, %parallel_loop3A_280, %parallel_loop3A_282 : vector<16xi1>, vector<16xf32>
      %parallel_loop3A_284 = arith.addf %parallel_loop3A_259, %parallel_loop3A_267 : vector<16xf32>
      %parallel_loop3A_285 = arith.addf %parallel_loop3A_275, %parallel_loop3A_283 : vector<16xf32>
      %parallel_loop3A_286 = arith.addf %parallel_loop3A_284, %parallel_loop3A_285 : vector<16xf32>
      %parallel_loop3A_287 = arith.constant true
      %parallel_loop3A_288 = vector.broadcast %parallel_loop3A_287 : i1 to vector<16xi1>
      %parallel_loop3A_289 = tpu.scan <sum>, %parallel_loop3A_286 masked %parallel_loop3A_288 : vector<16xf32>, vector<16xi1> -> vector<16xf32>
      %parallel_loop3A_290 = vector.extract %parallel_loop3A_289[15] : f32 from vector<16xf32>
      %parallel_loop3A_291 = arith.constant 1.000000e+00 : f32
      %parallel_loop3A_292 = vector.broadcast %parallel_loop3A_291 : f32 to vector<16xf32>
      %parallel_loop3A_293 = vector.broadcast %parallel_loop3A_290 : f32 to vector<16xf32>
      %parallel_loop3A_294 = arith.mulf %parallel_loop3A_292, %parallel_loop3A_293 : vector<16xf32>
      %parallel_loop3A_295 = arith.divf %get3A_50, %parallel_loop3A_294 : vector<16xf32>
      %parallel_loop3A_296 = arith.mulf %parallel_loop3A_259, %parallel_loop3A_295 : vector<16xf32>
      %parallel_loop3A_297 = arith.index_cast %parallel_loop3A_189 : i32 to index
      %parallel_loop3A_298 = arith.constant 0 : index
      %parallel_loop3A_299 = tpu.vector_load %arg5[%parallel_loop3A_297, %parallel_loop3A_298] {strides = array<i32>} : memref<512x64xf32, #tpu.memory_space<vmem>>, vector<16xf32>,
      tpu.vector_store %arg5[%parallel_loop3A_297, %parallel_loop3A_298], %parallel_loop3A_296 {strides = array<i32>} : memref<512x64xf32, #tpu.memory_space<vmem>>, vector<16xf32>,
      %parallel_loop3A_300 = arith.mulf %parallel_loop3A_267, %parallel_loop3A_295 : vector<16xf32>
      %parallel_loop3A_301 = arith.index_cast %parallel_loop3A_189 : i32 to index
      %parallel_loop3A_302 = arith.constant 16 : index
      %parallel_loop3A_303 = tpu.vector_load %arg5[%parallel_loop3A_301, %parallel_loop3A_302] {strides = array<i32>} : memref<512x64xf32, #tpu.memory_space<vmem>>, vector<16xf32>,
      tpu.vector_store %arg5[%parallel_loop3A_301, %parallel_loop3A_302], %parallel_loop3A_300 {strides = array<i32>} : memref<512x64xf32, #tpu.memory_space<vmem>>, vector<16xf32>,
      %parallel_loop3A_304 = arith.mulf %parallel_loop3A_275, %parallel_loop3A_295 : vector<16xf32>
      %parallel_loop3A_305 = arith.index_cast %parallel_loop3A_189 : i32 to index
      %parallel_loop3A_306 = arith.constant 32 : index
      %parallel_loop3A_307 = tpu.vector_load %arg5[%parallel_loop3A_305, %parallel_loop3A_306] {strides = array<i32>} : memref<512x64xf32, #tpu.memory_space<vmem>>, vector<16xf32>,
      tpu.vector_store %arg5[%parallel_loop3A_305, %parallel_loop3A_306], %parallel_loop3A_304 {strides = array<i32>} : memref<512x64xf32, #tpu.memory_space<vmem>>, vector<16xf32>,
      %parallel_loop3A_308 = arith.mulf %parallel_loop3A_283, %parallel_loop3A_295 : vector<16xf32>
      %parallel_loop3A_309 = arith.index_cast %parallel_loop3A_189 : i32 to index
      %parallel_loop3A_310 = arith.constant 48 : index
      %parallel_loop3A_311 = tpu.vector_load %arg5[%parallel_loop3A_309, %parallel_loop3A_310] {strides = array<i32>} : memref<512x64xf32, #tpu.memory_space<vmem>>, vector<16xf32>,
      tpu.vector_store %arg5[%parallel_loop3A_309, %parallel_loop3A_310], %parallel_loop3A_308 {strides = array<i32>} : memref<512x64xf32, #tpu.memory_space<vmem>>, vector<16xf32>,
    } {sc.loop_unroll_factor = 2 : i64, sc.parallel_access}
    %add3A_62 = arith.constant 0 : i32
    %add3A_63 = arith.addi %mul3A_2, %add3A_62 : i32
    %dma_start3A_64 = arith.constant 0 : i32
    %dma_start3A_65 = arith.constant 0 : i32
    %dma_start3A_66 = tpu.memref_slice %arg5[%dma_start3A_64, %dma_start3A_65] : memref<512x64xf32, #tpu.memory_space<vmem>> -> memref<128x64xf32, #tpu.memory_space<vmem>>
    %dma_start3A_67 = arith.constant 0 : i32
    %dma_start3A_68 = tpu.memref_slice %arg4[%add3A_63, %dma_start3A_67] : memref<16384x64xf32, #tpu.memory_space<hbm>> -> memref<128x64xf32, #tpu.memory_space<hbm>>
    %dma_start3A_69 = arith.constant 0 : i32
    %dma_start3A_70 = tpu.memref_slice %arg4[%add3A_63, %dma_start3A_69] : memref<16384x64xf32, #tpu.memory_space<hbm>> -> memref<128x64xf32, #tpu.memory_space<hbm>>
    %dma_start3A_71 = arith.constant 0 : i32
    %dma_start3A_72 = arith.constant 0 : i32
    %dma_start3A_73 = tpu.memref_slice %arg5[%dma_start3A_71, %dma_start3A_72] : memref<512x64xf32, #tpu.memory_space<vmem>> -> memref<128x64xf32, #tpu.memory_space<vmem>>
    tpu.enqueue_dma source(%dma_start3A_73 : memref<128x64xf32, #tpu.memory_space<vmem>>) target(%dma_start3A_70 : memref<128x64xf32, #tpu.memory_space<hbm>>) target_semaphore(%arg11 : memref<!tpu.dma_semaphore, #tpu.memory_space<semaphore_mem>>)
    %dma_wait3A_74 = arith.constant 128 : i32
    %dma_wait3A_75 = arith.constant 0 : i32
    %dma_wait3A_76 = tpu.memref_slice %arg5[%dma_wait3A_74, %dma_wait3A_75] : memref<512x64xf32, #tpu.memory_space<vmem>> -> memref<128x64xf32, #tpu.memory_space<vmem>>
    %dma_wait3A_77 = arith.constant 0 : i32
    %dma_wait3A_78 = tpu.memref_slice %arg2[%add3A_15, %dma_wait3A_77] : memref<16384x64xf32, #tpu.memory_space<hbm>> -> memref<128x64xf32, #tpu.memory_space<hbm>>
    %dma_wait3A_79 = arith.constant 128 : i32
    %dma_wait3A_80 = arith.constant 0 : i32
    %dma_wait3A_81 = tpu.memref_slice %arg5[%dma_wait3A_79, %dma_wait3A_80] : memref<512x64xf32, #tpu.memory_space<vmem>> -> memref<128x64xf32, #tpu.memory_space<vmem>>
    %dma_wait3A_82 = arith.constant 0 : i32
    %dma_wait3A_83 = tpu.memref_slice %arg2[%add3A_15, %dma_wait3A_82] : memref<16384x64xf32, #tpu.memory_space<hbm>> -> memref<128x64xf32, #tpu.memory_space<hbm>>
    tpu.wait_dma2 semaphore(%arg8 : memref<!tpu.dma_semaphore, #tpu.memory_space<semaphore_mem>>) src(%dma_wait3A_83 : memref<128x64xf32, #tpu.memory_space<hbm>>) dst(%dma_wait3A_81 : memref<128x64xf32, #tpu.memory_space<vmem>>)
    %parallel_loop3A_84 = arith.constant 128 : i32
    %parallel_loop3A_85 = arith.constant 256 : i32
    %parallel_loop3A_86 = arith.constant 1 : i32
    scf.for %parallel_loop3A_189 = %parallel_loop3A_84 to %parallel_loop3A_85 step %parallel_loop3A_86  : i32 {
      %parallel_loop3A_190 = arith.index_cast %parallel_loop3A_189 : i32 to index
      %parallel_loop3A_191 = arith.constant 0 : index
      %parallel_loop3A_192 = tpu.vector_load %arg5[%parallel_loop3A_190, %parallel_loop3A_191] {strides = array<i32>} : memref<512x64xf32, #tpu.memory_space<vmem>>, vector<16xf32>,
      %parallel_loop3A_193 = arith.index_cast %parallel_loop3A_189 : i32 to index
      %parallel_loop3A_194 = arith.constant 16 : index
      %parallel_loop3A_195 = tpu.vector_load %arg5[%parallel_loop3A_193, %parallel_loop3A_194] {strides = array<i32>} : memref<512x64xf32, #tpu.memory_space<vmem>>, vector<16xf32>,
      %parallel_loop3A_196 = arith.index_cast %parallel_loop3A_189 : i32 to index
      %parallel_loop3A_197 = arith.constant 32 : index
      %parallel_loop3A_198 = tpu.vector_load %arg5[%parallel_loop3A_196, %parallel_loop3A_197] {strides = array<i32>} : memref<512x64xf32, #tpu.memory_space<vmem>>, vector<16xf32>,
      %parallel_loop3A_199 = arith.index_cast %parallel_loop3A_189 : i32 to index
      %parallel_loop3A_200 = arith.constant 48 : index
      %parallel_loop3A_201 = tpu.vector_load %arg5[%parallel_loop3A_199, %parallel_loop3A_200] {strides = array<i32>} : memref<512x64xf32, #tpu.memory_space<vmem>>, vector<16xf32>,
      %parallel_loop3A_202 = arith.constant dense<true> : vector<16xi1>
      %parallel_loop3A_203, %parallel_loop3A_204, %parallel_loop3A_205 = tpu.sort %parallel_loop3A_192, %parallel_loop3A_192 masked %parallel_loop3A_202 {descending = true} : (vector<16xf32>, vector<16xf32>, vector<16xi1>) -> (vector<16xi1>, vector<16xf32>, vector<16xf32>)
      %parallel_loop3A_206 = arith.constant dense<true> : vector<16xi1>
      %parallel_loop3A_207, %parallel_loop3A_208, %parallel_loop3A_209 = tpu.sort %parallel_loop3A_195, %parallel_loop3A_195 masked %parallel_loop3A_206 {descending = true} : (vector<16xf32>, vector<16xf32>, vector<16xi1>) -> (vector<16xi1>, vector<16xf32>, vector<16xf32>)
      %parallel_loop3A_210 = arith.constant 15 : i32
      %parallel_loop3A_211 = vector.broadcast %parallel_loop3A_210 : i32 to vector<16xi32>
      %parallel_loop3A_212 = tpu.iota {dimensions = array<i32: 0>} : vector<16xi32>
      %parallel_loop3A_213 = arith.subi %parallel_loop3A_211, %parallel_loop3A_212 : vector<16xi32>
      %parallel_loop3A_214 = tpu.dynamic_gather %parallel_loop3A_208[%parallel_loop3A_213] in [0] : vector<16xf32>, vector<16xi32> -> vector<16xf32>
      %parallel_loop3A_215 = arith.maximumf %parallel_loop3A_204, %parallel_loop3A_214 : vector<16xf32>
      %parallel_loop3A_216 = arith.constant dense<true> : vector<16xi1>
      %parallel_loop3A_217, %parallel_loop3A_218, %parallel_loop3A_219 = tpu.sort %parallel_loop3A_215, %parallel_loop3A_215 masked %parallel_loop3A_216 {descending = true} : (vector<16xf32>, vector<16xf32>, vector<16xi1>) -> (vector<16xi1>, vector<16xf32>, vector<16xf32>)
      %parallel_loop3A_220 = arith.constant dense<true> : vector<16xi1>
      %parallel_loop3A_221, %parallel_loop3A_222, %parallel_loop3A_223 = tpu.sort %parallel_loop3A_198, %parallel_loop3A_198 masked %parallel_loop3A_220 {descending = true} : (vector<16xf32>, vector<16xf32>, vector<16xi1>) -> (vector<16xi1>, vector<16xf32>, vector<16xf32>)
      %parallel_loop3A_224 = arith.constant dense<true> : vector<16xi1>
      %parallel_loop3A_225, %parallel_loop3A_226, %parallel_loop3A_227 = tpu.sort %parallel_loop3A_201, %parallel_loop3A_201 masked %parallel_loop3A_224 {descending = true} : (vector<16xf32>, vector<16xf32>, vector<16xi1>) -> (vector<16xi1>, vector<16xf32>, vector<16xf32>)
      %parallel_loop3A_228 = arith.constant 15 : i32
      %parallel_loop3A_229 = vector.broadcast %parallel_loop3A_228 : i32 to vector<16xi32>
      %parallel_loop3A_230 = tpu.iota {dimensions = array<i32: 0>} : vector<16xi32>
      %parallel_loop3A_231 = arith.subi %parallel_loop3A_229, %parallel_loop3A_230 : vector<16xi32>
      %parallel_loop3A_232 = tpu.dynamic_gather %parallel_loop3A_226[%parallel_loop3A_231] in [0] : vector<16xf32>, vector<16xi32> -> vector<16xf32>
      %parallel_loop3A_233 = arith.maximumf %parallel_loop3A_222, %parallel_loop3A_232 : vector<16xf32>
      %parallel_loop3A_234 = arith.constant dense<true> : vector<16xi1>
      %parallel_loop3A_235, %parallel_loop3A_236, %parallel_loop3A_237 = tpu.sort %parallel_loop3A_233, %parallel_loop3A_233 masked %parallel_loop3A_234 {descending = true} : (vector<16xf32>, vector<16xf32>, vector<16xi1>) -> (vector<16xi1>, vector<16xf32>, vector<16xf32>)
      %parallel_loop3A_238 = arith.constant 15 : i32
      %parallel_loop3A_239 = vector.broadcast %parallel_loop3A_238 : i32 to vector<16xi32>
      %parallel_loop3A_240 = tpu.iota {dimensions = array<i32: 0>} : vector<16xi32>
      %parallel_loop3A_241 = arith.subi %parallel_loop3A_239, %parallel_loop3A_240 : vector<16xi32>
      %parallel_loop3A_242 = tpu.dynamic_gather %parallel_loop3A_236[%parallel_loop3A_241] in [0] : vector<16xf32>, vector<16xi32> -> vector<16xf32>
      %parallel_loop3A_243 = arith.maximumf %parallel_loop3A_218, %parallel_loop3A_242 : vector<16xf32>
      %parallel_loop3A_244 = arith.constant dense<true> : vector<16xi1>
      %parallel_loop3A_245, %parallel_loop3A_246, %parallel_loop3A_247 = tpu.sort %parallel_loop3A_243, %parallel_loop3A_243 masked %parallel_loop3A_244 {descending = true} : (vector<16xf32>, vector<16xf32>, vector<16xi1>) -> (vector<16xi1>, vector<16xf32>, vector<16xf32>)
      %parallel_loop3A_248 = vector.extract_strided_slice %parallel_loop3A_246 {offsets = [0], sizes = [1], strides = [1]} : vector<16xf32> to vector<1xf32>
      %parallel_loop3A_249 = vector.extract %parallel_loop3A_248[0] : f32 from vector<1xf32>
      %parallel_loop3A_250 = vector.extract_strided_slice %parallel_loop3A_246 {offsets = [7], sizes = [1], strides = [1]} : vector<16xf32> to vector<1xf32>
      %parallel_loop3A_251 = vector.extract %parallel_loop3A_250[0] : f32 from vector<1xf32>
      %parallel_loop3A_252 = vector.broadcast %parallel_loop3A_251 : f32 to vector<16xf32>
      %parallel_loop3A_253 = arith.cmpf oge, %parallel_loop3A_192, %parallel_loop3A_252 : vector<16xf32>
      %parallel_loop3A_254 = vector.broadcast %parallel_loop3A_249 : f32 to vector<16xf32>
      %parallel_loop3A_255 = arith.subf %parallel_loop3A_192, %parallel_loop3A_254 : vector<16xf32>
      %parallel_loop3A_256 = math.exp %parallel_loop3A_255 : vector<16xf32>
      %parallel_loop3A_257 = arith.constant 0.000000e+00 : f32
      %parallel_loop3A_258 = vector.broadcast %parallel_loop3A_257 : f32 to vector<16xf32>
      %parallel_loop3A_259 = arith.select %parallel_loop3A_253, %parallel_loop3A_256, %parallel_loop3A_258 : vector<16xi1>, vector<16xf32>
      %parallel_loop3A_260 = vector.broadcast %parallel_loop3A_251 : f32 to vector<16xf32>
      %parallel_loop3A_261 = arith.cmpf oge, %parallel_loop3A_195, %parallel_loop3A_260 : vector<16xf32>
      %parallel_loop3A_262 = vector.broadcast %parallel_loop3A_249 : f32 to vector<16xf32>
      %parallel_loop3A_263 = arith.subf %parallel_loop3A_195, %parallel_loop3A_262 : vector<16xf32>
      %parallel_loop3A_264 = math.exp %parallel_loop3A_263 : vector<16xf32>
      %parallel_loop3A_265 = arith.constant 0.000000e+00 : f32
      %parallel_loop3A_266 = vector.broadcast %parallel_loop3A_265 : f32 to vector<16xf32>
      %parallel_loop3A_267 = arith.select %parallel_loop3A_261, %parallel_loop3A_264, %parallel_loop3A_266 : vector<16xi1>, vector<16xf32>
      %parallel_loop3A_268 = vector.broadcast %parallel_loop3A_251 : f32 to vector<16xf32>
      %parallel_loop3A_269 = arith.cmpf oge, %parallel_loop3A_198, %parallel_loop3A_268 : vector<16xf32>
      %parallel_loop3A_270 = vector.broadcast %parallel_loop3A_249 : f32 to vector<16xf32>
      %parallel_loop3A_271 = arith.subf %parallel_loop3A_198, %parallel_loop3A_270 : vector<16xf32>
      %parallel_loop3A_272 = math.exp %parallel_loop3A_271 : vector<16xf32>
      %parallel_loop3A_273 = arith.constant 0.000000e+00 : f32
      %parallel_loop3A_274 = vector.broadcast %parallel_loop3A_273 : f32 to vector<16xf32>
      %parallel_loop3A_275 = arith.select %parallel_loop3A_269, %parallel_loop3A_272, %parallel_loop3A_274 : vector<16xi1>, vector<16xf32>
      %parallel_loop3A_276 = vector.broadcast %parallel_loop3A_251 : f32 to vector<16xf32>
      %parallel_loop3A_277 = arith.cmpf oge, %parallel_loop3A_201, %parallel_loop3A_276 : vector<16xf32>
      %parallel_loop3A_278 = vector.broadcast %parallel_loop3A_249 : f32 to vector<16xf32>
      %parallel_loop3A_279 = arith.subf %parallel_loop3A_201, %parallel_loop3A_278 : vector<16xf32>
      %parallel_loop3A_280 = math.exp %parallel_loop3A_279 : vector<16xf32>
      %parallel_loop3A_281 = arith.constant 0.000000e+00 : f32
      %parallel_loop3A_282 = vector.broadcast %parallel_loop3A_281 : f32 to vector<16xf32>
      %parallel_loop3A_283 = arith.select %parallel_loop3A_277, %parallel_loop3A_280, %parallel_loop3A_282 : vector<16xi1>, vector<16xf32>
      %parallel_loop3A_284 = arith.addf %parallel_loop3A_259, %parallel_loop3A_267 : vector<16xf32>
      %parallel_loop3A_285 = arith.addf %parallel_loop3A_275, %parallel_loop3A_283 : vector<16xf32>
      %parallel_loop3A_286 = arith.addf %parallel_loop3A_284, %parallel_loop3A_285 : vector<16xf32>
      %parallel_loop3A_287 = arith.constant true
      %parallel_loop3A_288 = vector.broadcast %parallel_loop3A_287 : i1 to vector<16xi1>
      %parallel_loop3A_289 = tpu.scan <sum>, %parallel_loop3A_286 masked %parallel_loop3A_288 : vector<16xf32>, vector<16xi1> -> vector<16xf32>
      %parallel_loop3A_290 = vector.extract %parallel_loop3A_289[15] : f32 from vector<16xf32>
      %parallel_loop3A_291 = arith.constant 1.000000e+00 : f32
      %parallel_loop3A_292 = vector.broadcast %parallel_loop3A_291 : f32 to vector<16xf32>
      %parallel_loop3A_293 = vector.broadcast %parallel_loop3A_290 : f32 to vector<16xf32>
      %parallel_loop3A_294 = arith.mulf %parallel_loop3A_292, %parallel_loop3A_293 : vector<16xf32>
      %parallel_loop3A_295 = arith.divf %get3A_50, %parallel_loop3A_294 : vector<16xf32>
      %parallel_loop3A_296 = arith.mulf %parallel_loop3A_259, %parallel_loop3A_295 : vector<16xf32>
      %parallel_loop3A_297 = arith.index_cast %parallel_loop3A_189 : i32 to index
      %parallel_loop3A_298 = arith.constant 0 : index
      %parallel_loop3A_299 = tpu.vector_load %arg5[%parallel_loop3A_297, %parallel_loop3A_298] {strides = array<i32>} : memref<512x64xf32, #tpu.memory_space<vmem>>, vector<16xf32>,
      tpu.vector_store %arg5[%parallel_loop3A_297, %parallel_loop3A_298], %parallel_loop3A_296 {strides = array<i32>} : memref<512x64xf32, #tpu.memory_space<vmem>>, vector<16xf32>,
      %parallel_loop3A_300 = arith.mulf %parallel_loop3A_267, %parallel_loop3A_295 : vector<16xf32>
      %parallel_loop3A_301 = arith.index_cast %parallel_loop3A_189 : i32 to index
      %parallel_loop3A_302 = arith.constant 16 : index
      %parallel_loop3A_303 = tpu.vector_load %arg5[%parallel_loop3A_301, %parallel_loop3A_302] {strides = array<i32>} : memref<512x64xf32, #tpu.memory_space<vmem>>, vector<16xf32>,
      tpu.vector_store %arg5[%parallel_loop3A_301, %parallel_loop3A_302], %parallel_loop3A_300 {strides = array<i32>} : memref<512x64xf32, #tpu.memory_space<vmem>>, vector<16xf32>,
      %parallel_loop3A_304 = arith.mulf %parallel_loop3A_275, %parallel_loop3A_295 : vector<16xf32>
      %parallel_loop3A_305 = arith.index_cast %parallel_loop3A_189 : i32 to index
      %parallel_loop3A_306 = arith.constant 32 : index
      %parallel_loop3A_307 = tpu.vector_load %arg5[%parallel_loop3A_305, %parallel_loop3A_306] {strides = array<i32>} : memref<512x64xf32, #tpu.memory_space<vmem>>, vector<16xf32>,
      tpu.vector_store %arg5[%parallel_loop3A_305, %parallel_loop3A_306], %parallel_loop3A_304 {strides = array<i32>} : memref<512x64xf32, #tpu.memory_space<vmem>>, vector<16xf32>,
      %parallel_loop3A_308 = arith.mulf %parallel_loop3A_283, %parallel_loop3A_295 : vector<16xf32>
      %parallel_loop3A_309 = arith.index_cast %parallel_loop3A_189 : i32 to index
      %parallel_loop3A_310 = arith.constant 48 : index
      %parallel_loop3A_311 = tpu.vector_load %arg5[%parallel_loop3A_309, %parallel_loop3A_310] {strides = array<i32>} : memref<512x64xf32, #tpu.memory_space<vmem>>, vector<16xf32>,
      tpu.vector_store %arg5[%parallel_loop3A_309, %parallel_loop3A_310], %parallel_loop3A_308 {strides = array<i32>} : memref<512x64xf32, #tpu.memory_space<vmem>>, vector<16xf32>,
    } {sc.loop_unroll_factor = 2 : i64, sc.parallel_access}
    %add3A_87 = arith.constant 128 : i32
    %add3A_88 = arith.addi %mul3A_2, %add3A_87 : i32
    %dma_start3A_89 = arith.constant 128 : i32
    %dma_start3A_90 = arith.constant 0 : i32
    %dma_start3A_91 = tpu.memref_slice %arg5[%dma_start3A_89, %dma_start3A_90] : memref<512x64xf32, #tpu.memory_space<vmem>> -> memref<128x64xf32, #tpu.memory_space<vmem>>
    %dma_start3A_92 = arith.constant 0 : i32
    %dma_start3A_93 = tpu.memref_slice %arg4[%add3A_88, %dma_start3A_92] : memref<16384x64xf32, #tpu.memory_space<hbm>> -> memref<128x64xf32, #tpu.memory_space<hbm>>
    %dma_start3A_94 = arith.constant 0 : i32
    %dma_start3A_95 = tpu.memref_slice %arg4[%add3A_88, %dma_start3A_94] : memref<16384x64xf32, #tpu.memory_space<hbm>> -> memref<128x64xf32, #tpu.memory_space<hbm>>
    %dma_start3A_96 = arith.constant 128 : i32
    %dma_start3A_97 = arith.constant 0 : i32
    %dma_start3A_98 = tpu.memref_slice %arg5[%dma_start3A_96, %dma_start3A_97] : memref<512x64xf32, #tpu.memory_space<vmem>> -> memref<128x64xf32, #tpu.memory_space<vmem>>
    tpu.enqueue_dma source(%dma_start3A_98 : memref<128x64xf32, #tpu.memory_space<vmem>>) target(%dma_start3A_95 : memref<128x64xf32, #tpu.memory_space<hbm>>) target_semaphore(%arg11 : memref<!tpu.dma_semaphore, #tpu.memory_space<semaphore_mem>>)
    %dma_wait3A_99 = arith.constant 256 : i32
    %dma_wait3A_100 = arith.constant 0 : i32
    %dma_wait3A_101 = tpu.memref_slice %arg5[%dma_wait3A_99, %dma_wait3A_100] : memref<512x64xf32, #tpu.memory_space<vmem>> -> memref<128x64xf32, #tpu.memory_space<vmem>>
    %dma_wait3A_102 = arith.constant 0 : i32
    %dma_wait3A_103 = tpu.memref_slice %arg2[%add3A_27, %dma_wait3A_102] : memref<16384x64xf32, #tpu.memory_space<hbm>> -> memref<128x64xf32, #tpu.memory_space<hbm>>
    %dma_wait3A_104 = arith.constant 256 : i32
    %dma_wait3A_105 = arith.constant 0 : i32
    %dma_wait3A_106 = tpu.memref_slice %arg5[%dma_wait3A_104, %dma_wait3A_105] : memref<512x64xf32, #tpu.memory_space<vmem>> -> memref<128x64xf32, #tpu.memory_space<vmem>>
    %dma_wait3A_107 = arith.constant 0 : i32
    %dma_wait3A_108 = tpu.memref_slice %arg2[%add3A_27, %dma_wait3A_107] : memref<16384x64xf32, #tpu.memory_space<hbm>> -> memref<128x64xf32, #tpu.memory_space<hbm>>
    tpu.wait_dma2 semaphore(%arg9 : memref<!tpu.dma_semaphore, #tpu.memory_space<semaphore_mem>>) src(%dma_wait3A_108 : memref<128x64xf32, #tpu.memory_space<hbm>>) dst(%dma_wait3A_106 : memref<128x64xf32, #tpu.memory_space<vmem>>)
    %parallel_loop3A_109 = arith.constant 256 : i32
    %parallel_loop3A_110 = arith.constant 384 : i32
    %parallel_loop3A_111 = arith.constant 1 : i32
    scf.for %parallel_loop3A_189 = %parallel_loop3A_109 to %parallel_loop3A_110 step %parallel_loop3A_111  : i32 {
      %parallel_loop3A_190 = arith.index_cast %parallel_loop3A_189 : i32 to index
      %parallel_loop3A_191 = arith.constant 0 : index
      %parallel_loop3A_192 = tpu.vector_load %arg5[%parallel_loop3A_190, %parallel_loop3A_191] {strides = array<i32>} : memref<512x64xf32, #tpu.memory_space<vmem>>, vector<16xf32>,
      %parallel_loop3A_193 = arith.index_cast %parallel_loop3A_189 : i32 to index
      %parallel_loop3A_194 = arith.constant 16 : index
      %parallel_loop3A_195 = tpu.vector_load %arg5[%parallel_loop3A_193, %parallel_loop3A_194] {strides = array<i32>} : memref<512x64xf32, #tpu.memory_space<vmem>>, vector<16xf32>,
      %parallel_loop3A_196 = arith.index_cast %parallel_loop3A_189 : i32 to index
      %parallel_loop3A_197 = arith.constant 32 : index
      %parallel_loop3A_198 = tpu.vector_load %arg5[%parallel_loop3A_196, %parallel_loop3A_197] {strides = array<i32>} : memref<512x64xf32, #tpu.memory_space<vmem>>, vector<16xf32>,
      %parallel_loop3A_199 = arith.index_cast %parallel_loop3A_189 : i32 to index
      %parallel_loop3A_200 = arith.constant 48 : index
      %parallel_loop3A_201 = tpu.vector_load %arg5[%parallel_loop3A_199, %parallel_loop3A_200] {strides = array<i32>} : memref<512x64xf32, #tpu.memory_space<vmem>>, vector<16xf32>,
      %parallel_loop3A_202 = arith.constant dense<true> : vector<16xi1>
      %parallel_loop3A_203, %parallel_loop3A_204, %parallel_loop3A_205 = tpu.sort %parallel_loop3A_192, %parallel_loop3A_192 masked %parallel_loop3A_202 {descending = true} : (vector<16xf32>, vector<16xf32>, vector<16xi1>) -> (vector<16xi1>, vector<16xf32>, vector<16xf32>)
      %parallel_loop3A_206 = arith.constant dense<true> : vector<16xi1>
      %parallel_loop3A_207, %parallel_loop3A_208, %parallel_loop3A_209 = tpu.sort %parallel_loop3A_195, %parallel_loop3A_195 masked %parallel_loop3A_206 {descending = true} : (vector<16xf32>, vector<16xf32>, vector<16xi1>) -> (vector<16xi1>, vector<16xf32>, vector<16xf32>)
      %parallel_loop3A_210 = arith.constant 15 : i32
      %parallel_loop3A_211 = vector.broadcast %parallel_loop3A_210 : i32 to vector<16xi32>
      %parallel_loop3A_212 = tpu.iota {dimensions = array<i32: 0>} : vector<16xi32>
      %parallel_loop3A_213 = arith.subi %parallel_loop3A_211, %parallel_loop3A_212 : vector<16xi32>
      %parallel_loop3A_214 = tpu.dynamic_gather %parallel_loop3A_208[%parallel_loop3A_213] in [0] : vector<16xf32>, vector<16xi32> -> vector<16xf32>
      %parallel_loop3A_215 = arith.maximumf %parallel_loop3A_204, %parallel_loop3A_214 : vector<16xf32>
      %parallel_loop3A_216 = arith.constant dense<true> : vector<16xi1>
      %parallel_loop3A_217, %parallel_loop3A_218, %parallel_loop3A_219 = tpu.sort %parallel_loop3A_215, %parallel_loop3A_215 masked %parallel_loop3A_216 {descending = true} : (vector<16xf32>, vector<16xf32>, vector<16xi1>) -> (vector<16xi1>, vector<16xf32>, vector<16xf32>)
      %parallel_loop3A_220 = arith.constant dense<true> : vector<16xi1>
      %parallel_loop3A_221, %parallel_loop3A_222, %parallel_loop3A_223 = tpu.sort %parallel_loop3A_198, %parallel_loop3A_198 masked %parallel_loop3A_220 {descending = true} : (vector<16xf32>, vector<16xf32>, vector<16xi1>) -> (vector<16xi1>, vector<16xf32>, vector<16xf32>)
      %parallel_loop3A_224 = arith.constant dense<true> : vector<16xi1>
      %parallel_loop3A_225, %parallel_loop3A_226, %parallel_loop3A_227 = tpu.sort %parallel_loop3A_201, %parallel_loop3A_201 masked %parallel_loop3A_224 {descending = true} : (vector<16xf32>, vector<16xf32>, vector<16xi1>) -> (vector<16xi1>, vector<16xf32>, vector<16xf32>)
      %parallel_loop3A_228 = arith.constant 15 : i32
      %parallel_loop3A_229 = vector.broadcast %parallel_loop3A_228 : i32 to vector<16xi32>
      %parallel_loop3A_230 = tpu.iota {dimensions = array<i32: 0>} : vector<16xi32>
      %parallel_loop3A_231 = arith.subi %parallel_loop3A_229, %parallel_loop3A_230 : vector<16xi32>
      %parallel_loop3A_232 = tpu.dynamic_gather %parallel_loop3A_226[%parallel_loop3A_231] in [0] : vector<16xf32>, vector<16xi32> -> vector<16xf32>
      %parallel_loop3A_233 = arith.maximumf %parallel_loop3A_222, %parallel_loop3A_232 : vector<16xf32>
      %parallel_loop3A_234 = arith.constant dense<true> : vector<16xi1>
      %parallel_loop3A_235, %parallel_loop3A_236, %parallel_loop3A_237 = tpu.sort %parallel_loop3A_233, %parallel_loop3A_233 masked %parallel_loop3A_234 {descending = true} : (vector<16xf32>, vector<16xf32>, vector<16xi1>) -> (vector<16xi1>, vector<16xf32>, vector<16xf32>)
      %parallel_loop3A_238 = arith.constant 15 : i32
      %parallel_loop3A_239 = vector.broadcast %parallel_loop3A_238 : i32 to vector<16xi32>
      %parallel_loop3A_240 = tpu.iota {dimensions = array<i32: 0>} : vector<16xi32>
      %parallel_loop3A_241 = arith.subi %parallel_loop3A_239, %parallel_loop3A_240 : vector<16xi32>
      %parallel_loop3A_242 = tpu.dynamic_gather %parallel_loop3A_236[%parallel_loop3A_241] in [0] : vector<16xf32>, vector<16xi32> -> vector<16xf32>
      %parallel_loop3A_243 = arith.maximumf %parallel_loop3A_218, %parallel_loop3A_242 : vector<16xf32>
      %parallel_loop3A_244 = arith.constant dense<true> : vector<16xi1>
      %parallel_loop3A_245, %parallel_loop3A_246, %parallel_loop3A_247 = tpu.sort %parallel_loop3A_243, %parallel_loop3A_243 masked %parallel_loop3A_244 {descending = true} : (vector<16xf32>, vector<16xf32>, vector<16xi1>) -> (vector<16xi1>, vector<16xf32>, vector<16xf32>)
      %parallel_loop3A_248 = vector.extract_strided_slice %parallel_loop3A_246 {offsets = [0], sizes = [1], strides = [1]} : vector<16xf32> to vector<1xf32>
      %parallel_loop3A_249 = vector.extract %parallel_loop3A_248[0] : f32 from vector<1xf32>
      %parallel_loop3A_250 = vector.extract_strided_slice %parallel_loop3A_246 {offsets = [7], sizes = [1], strides = [1]} : vector<16xf32> to vector<1xf32>
      %parallel_loop3A_251 = vector.extract %parallel_loop3A_250[0] : f32 from vector<1xf32>
      %parallel_loop3A_252 = vector.broadcast %parallel_loop3A_251 : f32 to vector<16xf32>
      %parallel_loop3A_253 = arith.cmpf oge, %parallel_loop3A_192, %parallel_loop3A_252 : vector<16xf32>
      %parallel_loop3A_254 = vector.broadcast %parallel_loop3A_249 : f32 to vector<16xf32>
      %parallel_loop3A_255 = arith.subf %parallel_loop3A_192, %parallel_loop3A_254 : vector<16xf32>
      %parallel_loop3A_256 = math.exp %parallel_loop3A_255 : vector<16xf32>
      %parallel_loop3A_257 = arith.constant 0.000000e+00 : f32
      %parallel_loop3A_258 = vector.broadcast %parallel_loop3A_257 : f32 to vector<16xf32>
      %parallel_loop3A_259 = arith.select %parallel_loop3A_253, %parallel_loop3A_256, %parallel_loop3A_258 : vector<16xi1>, vector<16xf32>
      %parallel_loop3A_260 = vector.broadcast %parallel_loop3A_251 : f32 to vector<16xf32>
      %parallel_loop3A_261 = arith.cmpf oge, %parallel_loop3A_195, %parallel_loop3A_260 : vector<16xf32>
      %parallel_loop3A_262 = vector.broadcast %parallel_loop3A_249 : f32 to vector<16xf32>
      %parallel_loop3A_263 = arith.subf %parallel_loop3A_195, %parallel_loop3A_262 : vector<16xf32>
      %parallel_loop3A_264 = math.exp %parallel_loop3A_263 : vector<16xf32>
      %parallel_loop3A_265 = arith.constant 0.000000e+00 : f32
      %parallel_loop3A_266 = vector.broadcast %parallel_loop3A_265 : f32 to vector<16xf32>
      %parallel_loop3A_267 = arith.select %parallel_loop3A_261, %parallel_loop3A_264, %parallel_loop3A_266 : vector<16xi1>, vector<16xf32>
      %parallel_loop3A_268 = vector.broadcast %parallel_loop3A_251 : f32 to vector<16xf32>
      %parallel_loop3A_269 = arith.cmpf oge, %parallel_loop3A_198, %parallel_loop3A_268 : vector<16xf32>
      %parallel_loop3A_270 = vector.broadcast %parallel_loop3A_249 : f32 to vector<16xf32>
      %parallel_loop3A_271 = arith.subf %parallel_loop3A_198, %parallel_loop3A_270 : vector<16xf32>
      %parallel_loop3A_272 = math.exp %parallel_loop3A_271 : vector<16xf32>
      %parallel_loop3A_273 = arith.constant 0.000000e+00 : f32
      %parallel_loop3A_274 = vector.broadcast %parallel_loop3A_273 : f32 to vector<16xf32>
      %parallel_loop3A_275 = arith.select %parallel_loop3A_269, %parallel_loop3A_272, %parallel_loop3A_274 : vector<16xi1>, vector<16xf32>
      %parallel_loop3A_276 = vector.broadcast %parallel_loop3A_251 : f32 to vector<16xf32>
      %parallel_loop3A_277 = arith.cmpf oge, %parallel_loop3A_201, %parallel_loop3A_276 : vector<16xf32>
      %parallel_loop3A_278 = vector.broadcast %parallel_loop3A_249 : f32 to vector<16xf32>
      %parallel_loop3A_279 = arith.subf %parallel_loop3A_201, %parallel_loop3A_278 : vector<16xf32>
      %parallel_loop3A_280 = math.exp %parallel_loop3A_279 : vector<16xf32>
      %parallel_loop3A_281 = arith.constant 0.000000e+00 : f32
      %parallel_loop3A_282 = vector.broadcast %parallel_loop3A_281 : f32 to vector<16xf32>
      %parallel_loop3A_283 = arith.select %parallel_loop3A_277, %parallel_loop3A_280, %parallel_loop3A_282 : vector<16xi1>, vector<16xf32>
      %parallel_loop3A_284 = arith.addf %parallel_loop3A_259, %parallel_loop3A_267 : vector<16xf32>
      %parallel_loop3A_285 = arith.addf %parallel_loop3A_275, %parallel_loop3A_283 : vector<16xf32>
      %parallel_loop3A_286 = arith.addf %parallel_loop3A_284, %parallel_loop3A_285 : vector<16xf32>
      %parallel_loop3A_287 = arith.constant true
      %parallel_loop3A_288 = vector.broadcast %parallel_loop3A_287 : i1 to vector<16xi1>
      %parallel_loop3A_289 = tpu.scan <sum>, %parallel_loop3A_286 masked %parallel_loop3A_288 : vector<16xf32>, vector<16xi1> -> vector<16xf32>
      %parallel_loop3A_290 = vector.extract %parallel_loop3A_289[15] : f32 from vector<16xf32>
      %parallel_loop3A_291 = arith.constant 1.000000e+00 : f32
      %parallel_loop3A_292 = vector.broadcast %parallel_loop3A_291 : f32 to vector<16xf32>
      %parallel_loop3A_293 = vector.broadcast %parallel_loop3A_290 : f32 to vector<16xf32>
      %parallel_loop3A_294 = arith.mulf %parallel_loop3A_292, %parallel_loop3A_293 : vector<16xf32>
      %parallel_loop3A_295 = arith.divf %get3A_50, %parallel_loop3A_294 : vector<16xf32>
      %parallel_loop3A_296 = arith.mulf %parallel_loop3A_259, %parallel_loop3A_295 : vector<16xf32>
      %parallel_loop3A_297 = arith.index_cast %parallel_loop3A_189 : i32 to index
      %parallel_loop3A_298 = arith.constant 0 : index
      %parallel_loop3A_299 = tpu.vector_load %arg5[%parallel_loop3A_297, %parallel_loop3A_298] {strides = array<i32>} : memref<512x64xf32, #tpu.memory_space<vmem>>, vector<16xf32>,
      tpu.vector_store %arg5[%parallel_loop3A_297, %parallel_loop3A_298], %parallel_loop3A_296 {strides = array<i32>} : memref<512x64xf32, #tpu.memory_space<vmem>>, vector<16xf32>,
      %parallel_loop3A_300 = arith.mulf %parallel_loop3A_267, %parallel_loop3A_295 : vector<16xf32>
      %parallel_loop3A_301 = arith.index_cast %parallel_loop3A_189 : i32 to index
      %parallel_loop3A_302 = arith.constant 16 : index
      %parallel_loop3A_303 = tpu.vector_load %arg5[%parallel_loop3A_301, %parallel_loop3A_302] {strides = array<i32>} : memref<512x64xf32, #tpu.memory_space<vmem>>, vector<16xf32>,
      tpu.vector_store %arg5[%parallel_loop3A_301, %parallel_loop3A_302], %parallel_loop3A_300 {strides = array<i32>} : memref<512x64xf32, #tpu.memory_space<vmem>>, vector<16xf32>,
      %parallel_loop3A_304 = arith.mulf %parallel_loop3A_275, %parallel_loop3A_295 : vector<16xf32>
      %parallel_loop3A_305 = arith.index_cast %parallel_loop3A_189 : i32 to index
      %parallel_loop3A_306 = arith.constant 32 : index
      %parallel_loop3A_307 = tpu.vector_load %arg5[%parallel_loop3A_305, %parallel_loop3A_306] {strides = array<i32>} : memref<512x64xf32, #tpu.memory_space<vmem>>, vector<16xf32>,
      tpu.vector_store %arg5[%parallel_loop3A_305, %parallel_loop3A_306], %parallel_loop3A_304 {strides = array<i32>} : memref<512x64xf32, #tpu.memory_space<vmem>>, vector<16xf32>,
      %parallel_loop3A_308 = arith.mulf %parallel_loop3A_283, %parallel_loop3A_295 : vector<16xf32>
      %parallel_loop3A_309 = arith.index_cast %parallel_loop3A_189 : i32 to index
      %parallel_loop3A_310 = arith.constant 48 : index
      %parallel_loop3A_311 = tpu.vector_load %arg5[%parallel_loop3A_309, %parallel_loop3A_310] {strides = array<i32>} : memref<512x64xf32, #tpu.memory_space<vmem>>, vector<16xf32>,
      tpu.vector_store %arg5[%parallel_loop3A_309, %parallel_loop3A_310], %parallel_loop3A_308 {strides = array<i32>} : memref<512x64xf32, #tpu.memory_space<vmem>>, vector<16xf32>,
    } {sc.loop_unroll_factor = 2 : i64, sc.parallel_access}
    %add3A_112 = arith.constant 256 : i32
    %add3A_113 = arith.addi %mul3A_2, %add3A_112 : i32
    %dma_start3A_114 = arith.constant 256 : i32
    %dma_start3A_115 = arith.constant 0 : i32
    %dma_start3A_116 = tpu.memref_slice %arg5[%dma_start3A_114, %dma_start3A_115] : memref<512x64xf32, #tpu.memory_space<vmem>> -> memref<128x64xf32, #tpu.memory_space<vmem>>
    %dma_start3A_117 = arith.constant 0 : i32
    %dma_start3A_118 = tpu.memref_slice %arg4[%add3A_113, %dma_start3A_117] : memref<16384x64xf32, #tpu.memory_space<hbm>> -> memref<128x64xf32, #tpu.memory_space<hbm>>
    %dma_start3A_119 = arith.constant 0 : i32
    %dma_start3A_120 = tpu.memref_slice %arg4[%add3A_113, %dma_start3A_119] : memref<16384x64xf32, #tpu.memory_space<hbm>> -> memref<128x64xf32, #tpu.memory_space<hbm>>
    %dma_start3A_121 = arith.constant 256 : i32
    %dma_start3A_122 = arith.constant 0 : i32
    %dma_start3A_123 = tpu.memref_slice %arg5[%dma_start3A_121, %dma_start3A_122] : memref<512x64xf32, #tpu.memory_space<vmem>> -> memref<128x64xf32, #tpu.memory_space<vmem>>
    tpu.enqueue_dma source(%dma_start3A_123 : memref<128x64xf32, #tpu.memory_space<vmem>>) target(%dma_start3A_120 : memref<128x64xf32, #tpu.memory_space<hbm>>) target_semaphore(%arg11 : memref<!tpu.dma_semaphore, #tpu.memory_space<semaphore_mem>>)
    %dma_wait3A_124 = arith.constant 384 : i32
    %dma_wait3A_125 = arith.constant 0 : i32
    %dma_wait3A_126 = tpu.memref_slice %arg5[%dma_wait3A_124, %dma_wait3A_125] : memref<512x64xf32, #tpu.memory_space<vmem>> -> memref<128x64xf32, #tpu.memory_space<vmem>>
    %dma_wait3A_127 = arith.constant 0 : i32
    %dma_wait3A_128 = tpu.memref_slice %arg2[%add3A_39, %dma_wait3A_127] : memref<16384x64xf32, #tpu.memory_space<hbm>> -> memref<128x64xf32, #tpu.memory_space<hbm>>
    %dma_wait3A_129 = arith.constant 384 : i32
    %dma_wait3A_130 = arith.constant 0 : i32
    %dma_wait3A_131 = tpu.memref_slice %arg5[%dma_wait3A_129, %dma_wait3A_130] : memref<512x64xf32, #tpu.memory_space<vmem>> -> memref<128x64xf32, #tpu.memory_space<vmem>>
    %dma_wait3A_132 = arith.constant 0 : i32
    %dma_wait3A_133 = tpu.memref_slice %arg2[%add3A_39, %dma_wait3A_132] : memref<16384x64xf32, #tpu.memory_space<hbm>> -> memref<128x64xf32, #tpu.memory_space<hbm>>
    tpu.wait_dma2 semaphore(%arg10 : memref<!tpu.dma_semaphore, #tpu.memory_space<semaphore_mem>>) src(%dma_wait3A_133 : memref<128x64xf32, #tpu.memory_space<hbm>>) dst(%dma_wait3A_131 : memref<128x64xf32, #tpu.memory_space<vmem>>)
    %parallel_loop3A_134 = arith.constant 384 : i32
    %parallel_loop3A_135 = arith.constant 512 : i32
    %parallel_loop3A_136 = arith.constant 1 : i32
    scf.for %parallel_loop3A_189 = %parallel_loop3A_134 to %parallel_loop3A_135 step %parallel_loop3A_136  : i32 {
      %parallel_loop3A_190 = arith.index_cast %parallel_loop3A_189 : i32 to index
      %parallel_loop3A_191 = arith.constant 0 : index
      %parallel_loop3A_192 = tpu.vector_load %arg5[%parallel_loop3A_190, %parallel_loop3A_191] {strides = array<i32>} : memref<512x64xf32, #tpu.memory_space<vmem>>, vector<16xf32>,
      %parallel_loop3A_193 = arith.index_cast %parallel_loop3A_189 : i32 to index
      %parallel_loop3A_194 = arith.constant 16 : index
      %parallel_loop3A_195 = tpu.vector_load %arg5[%parallel_loop3A_193, %parallel_loop3A_194] {strides = array<i32>} : memref<512x64xf32, #tpu.memory_space<vmem>>, vector<16xf32>,
      %parallel_loop3A_196 = arith.index_cast %parallel_loop3A_189 : i32 to index
      %parallel_loop3A_197 = arith.constant 32 : index
      %parallel_loop3A_198 = tpu.vector_load %arg5[%parallel_loop3A_196, %parallel_loop3A_197] {strides = array<i32>} : memref<512x64xf32, #tpu.memory_space<vmem>>, vector<16xf32>,
      %parallel_loop3A_199 = arith.index_cast %parallel_loop3A_189 : i32 to index
      %parallel_loop3A_200 = arith.constant 48 : index
      %parallel_loop3A_201 = tpu.vector_load %arg5[%parallel_loop3A_199, %parallel_loop3A_200] {strides = array<i32>} : memref<512x64xf32, #tpu.memory_space<vmem>>, vector<16xf32>,
      %parallel_loop3A_202 = arith.constant dense<true> : vector<16xi1>
      %parallel_loop3A_203, %parallel_loop3A_204, %parallel_loop3A_205 = tpu.sort %parallel_loop3A_192, %parallel_loop3A_192 masked %parallel_loop3A_202 {descending = true} : (vector<16xf32>, vector<16xf32>, vector<16xi1>) -> (vector<16xi1>, vector<16xf32>, vector<16xf32>)
      %parallel_loop3A_206 = arith.constant dense<true> : vector<16xi1>
      %parallel_loop3A_207, %parallel_loop3A_208, %parallel_loop3A_209 = tpu.sort %parallel_loop3A_195, %parallel_loop3A_195 masked %parallel_loop3A_206 {descending = true} : (vector<16xf32>, vector<16xf32>, vector<16xi1>) -> (vector<16xi1>, vector<16xf32>, vector<16xf32>)
      %parallel_loop3A_210 = arith.constant 15 : i32
      %parallel_loop3A_211 = vector.broadcast %parallel_loop3A_210 : i32 to vector<16xi32>
      %parallel_loop3A_212 = tpu.iota {dimensions = array<i32: 0>} : vector<16xi32>
      %parallel_loop3A_213 = arith.subi %parallel_loop3A_211, %parallel_loop3A_212 : vector<16xi32>
      %parallel_loop3A_214 = tpu.dynamic_gather %parallel_loop3A_208[%parallel_loop3A_213] in [0] : vector<16xf32>, vector<16xi32> -> vector<16xf32>
      %parallel_loop3A_215 = arith.maximumf %parallel_loop3A_204, %parallel_loop3A_214 : vector<16xf32>
      %parallel_loop3A_216 = arith.constant dense<true> : vector<16xi1>
      %parallel_loop3A_217, %parallel_loop3A_218, %parallel_loop3A_219 = tpu.sort %parallel_loop3A_215, %parallel_loop3A_215 masked %parallel_loop3A_216 {descending = true} : (vector<16xf32>, vector<16xf32>, vector<16xi1>) -> (vector<16xi1>, vector<16xf32>, vector<16xf32>)
      %parallel_loop3A_220 = arith.constant dense<true> : vector<16xi1>
      %parallel_loop3A_221, %parallel_loop3A_222, %parallel_loop3A_223 = tpu.sort %parallel_loop3A_198, %parallel_loop3A_198 masked %parallel_loop3A_220 {descending = true} : (vector<16xf32>, vector<16xf32>, vector<16xi1>) -> (vector<16xi1>, vector<16xf32>, vector<16xf32>)
      %parallel_loop3A_224 = arith.constant dense<true> : vector<16xi1>
      %parallel_loop3A_225, %parallel_loop3A_226, %parallel_loop3A_227 = tpu.sort %parallel_loop3A_201, %parallel_loop3A_201 masked %parallel_loop3A_224 {descending = true} : (vector<16xf32>, vector<16xf32>, vector<16xi1>) -> (vector<16xi1>, vector<16xf32>, vector<16xf32>)
      %parallel_loop3A_228 = arith.constant 15 : i32
      %parallel_loop3A_229 = vector.broadcast %parallel_loop3A_228 : i32 to vector<16xi32>
      %parallel_loop3A_230 = tpu.iota {dimensions = array<i32: 0>} : vector<16xi32>
      %parallel_loop3A_231 = arith.subi %parallel_loop3A_229, %parallel_loop3A_230 : vector<16xi32>
      %parallel_loop3A_232 = tpu.dynamic_gather %parallel_loop3A_226[%parallel_loop3A_231] in [0] : vector<16xf32>, vector<16xi32> -> vector<16xf32>
      %parallel_loop3A_233 = arith.maximumf %parallel_loop3A_222, %parallel_loop3A_232 : vector<16xf32>
      %parallel_loop3A_234 = arith.constant dense<true> : vector<16xi1>
      %parallel_loop3A_235, %parallel_loop3A_236, %parallel_loop3A_237 = tpu.sort %parallel_loop3A_233, %parallel_loop3A_233 masked %parallel_loop3A_234 {descending = true} : (vector<16xf32>, vector<16xf32>, vector<16xi1>) -> (vector<16xi1>, vector<16xf32>, vector<16xf32>)
      %parallel_loop3A_238 = arith.constant 15 : i32
      %parallel_loop3A_239 = vector.broadcast %parallel_loop3A_238 : i32 to vector<16xi32>
      %parallel_loop3A_240 = tpu.iota {dimensions = array<i32: 0>} : vector<16xi32>
      %parallel_loop3A_241 = arith.subi %parallel_loop3A_239, %parallel_loop3A_240 : vector<16xi32>
      %parallel_loop3A_242 = tpu.dynamic_gather %parallel_loop3A_236[%parallel_loop3A_241] in [0] : vector<16xf32>, vector<16xi32> -> vector<16xf32>
      %parallel_loop3A_243 = arith.maximumf %parallel_loop3A_218, %parallel_loop3A_242 : vector<16xf32>
      %parallel_loop3A_244 = arith.constant dense<true> : vector<16xi1>
      %parallel_loop3A_245, %parallel_loop3A_246, %parallel_loop3A_247 = tpu.sort %parallel_loop3A_243, %parallel_loop3A_243 masked %parallel_loop3A_244 {descending = true} : (vector<16xf32>, vector<16xf32>, vector<16xi1>) -> (vector<16xi1>, vector<16xf32>, vector<16xf32>)
      %parallel_loop3A_248 = vector.extract_strided_slice %parallel_loop3A_246 {offsets = [0], sizes = [1], strides = [1]} : vector<16xf32> to vector<1xf32>
      %parallel_loop3A_249 = vector.extract %parallel_loop3A_248[0] : f32 from vector<1xf32>
      %parallel_loop3A_250 = vector.extract_strided_slice %parallel_loop3A_246 {offsets = [7], sizes = [1], strides = [1]} : vector<16xf32> to vector<1xf32>
      %parallel_loop3A_251 = vector.extract %parallel_loop3A_250[0] : f32 from vector<1xf32>
      %parallel_loop3A_252 = vector.broadcast %parallel_loop3A_251 : f32 to vector<16xf32>
      %parallel_loop3A_253 = arith.cmpf oge, %parallel_loop3A_192, %parallel_loop3A_252 : vector<16xf32>
      %parallel_loop3A_254 = vector.broadcast %parallel_loop3A_249 : f32 to vector<16xf32>
      %parallel_loop3A_255 = arith.subf %parallel_loop3A_192, %parallel_loop3A_254 : vector<16xf32>
      %parallel_loop3A_256 = math.exp %parallel_loop3A_255 : vector<16xf32>
      %parallel_loop3A_257 = arith.constant 0.000000e+00 : f32
      %parallel_loop3A_258 = vector.broadcast %parallel_loop3A_257 : f32 to vector<16xf32>
      %parallel_loop3A_259 = arith.select %parallel_loop3A_253, %parallel_loop3A_256, %parallel_loop3A_258 : vector<16xi1>, vector<16xf32>
      %parallel_loop3A_260 = vector.broadcast %parallel_loop3A_251 : f32 to vector<16xf32>
      %parallel_loop3A_261 = arith.cmpf oge, %parallel_loop3A_195, %parallel_loop3A_260 : vector<16xf32>
      %parallel_loop3A_262 = vector.broadcast %parallel_loop3A_249 : f32 to vector<16xf32>
      %parallel_loop3A_263 = arith.subf %parallel_loop3A_195, %parallel_loop3A_262 : vector<16xf32>
      %parallel_loop3A_264 = math.exp %parallel_loop3A_263 : vector<16xf32>
      %parallel_loop3A_265 = arith.constant 0.000000e+00 : f32
      %parallel_loop3A_266 = vector.broadcast %parallel_loop3A_265 : f32 to vector<16xf32>
      %parallel_loop3A_267 = arith.select %parallel_loop3A_261, %parallel_loop3A_264, %parallel_loop3A_266 : vector<16xi1>, vector<16xf32>
      %parallel_loop3A_268 = vector.broadcast %parallel_loop3A_251 : f32 to vector<16xf32>
      %parallel_loop3A_269 = arith.cmpf oge, %parallel_loop3A_198, %parallel_loop3A_268 : vector<16xf32>
      %parallel_loop3A_270 = vector.broadcast %parallel_loop3A_249 : f32 to vector<16xf32>
      %parallel_loop3A_271 = arith.subf %parallel_loop3A_198, %parallel_loop3A_270 : vector<16xf32>
      %parallel_loop3A_272 = math.exp %parallel_loop3A_271 : vector<16xf32>
      %parallel_loop3A_273 = arith.constant 0.000000e+00 : f32
      %parallel_loop3A_274 = vector.broadcast %parallel_loop3A_273 : f32 to vector<16xf32>
      %parallel_loop3A_275 = arith.select %parallel_loop3A_269, %parallel_loop3A_272, %parallel_loop3A_274 : vector<16xi1>, vector<16xf32>
      %parallel_loop3A_276 = vector.broadcast %parallel_loop3A_251 : f32 to vector<16xf32>
      %parallel_loop3A_277 = arith.cmpf oge, %parallel_loop3A_201, %parallel_loop3A_276 : vector<16xf32>
      %parallel_loop3A_278 = vector.broadcast %parallel_loop3A_249 : f32 to vector<16xf32>
      %parallel_loop3A_279 = arith.subf %parallel_loop3A_201, %parallel_loop3A_278 : vector<16xf32>
      %parallel_loop3A_280 = math.exp %parallel_loop3A_279 : vector<16xf32>
      %parallel_loop3A_281 = arith.constant 0.000000e+00 : f32
      %parallel_loop3A_282 = vector.broadcast %parallel_loop3A_281 : f32 to vector<16xf32>
      %parallel_loop3A_283 = arith.select %parallel_loop3A_277, %parallel_loop3A_280, %parallel_loop3A_282 : vector<16xi1>, vector<16xf32>
      %parallel_loop3A_284 = arith.addf %parallel_loop3A_259, %parallel_loop3A_267 : vector<16xf32>
      %parallel_loop3A_285 = arith.addf %parallel_loop3A_275, %parallel_loop3A_283 : vector<16xf32>
      %parallel_loop3A_286 = arith.addf %parallel_loop3A_284, %parallel_loop3A_285 : vector<16xf32>
      %parallel_loop3A_287 = arith.constant true
      %parallel_loop3A_288 = vector.broadcast %parallel_loop3A_287 : i1 to vector<16xi1>
      %parallel_loop3A_289 = tpu.scan <sum>, %parallel_loop3A_286 masked %parallel_loop3A_288 : vector<16xf32>, vector<16xi1> -> vector<16xf32>
      %parallel_loop3A_290 = vector.extract %parallel_loop3A_289[15] : f32 from vector<16xf32>
      %parallel_loop3A_291 = arith.constant 1.000000e+00 : f32
      %parallel_loop3A_292 = vector.broadcast %parallel_loop3A_291 : f32 to vector<16xf32>
      %parallel_loop3A_293 = vector.broadcast %parallel_loop3A_290 : f32 to vector<16xf32>
      %parallel_loop3A_294 = arith.mulf %parallel_loop3A_292, %parallel_loop3A_293 : vector<16xf32>
      %parallel_loop3A_295 = arith.divf %get3A_50, %parallel_loop3A_294 : vector<16xf32>
      %parallel_loop3A_296 = arith.mulf %parallel_loop3A_259, %parallel_loop3A_295 : vector<16xf32>
      %parallel_loop3A_297 = arith.index_cast %parallel_loop3A_189 : i32 to index
      %parallel_loop3A_298 = arith.constant 0 : index
      %parallel_loop3A_299 = tpu.vector_load %arg5[%parallel_loop3A_297, %parallel_loop3A_298] {strides = array<i32>} : memref<512x64xf32, #tpu.memory_space<vmem>>, vector<16xf32>,
      tpu.vector_store %arg5[%parallel_loop3A_297, %parallel_loop3A_298], %parallel_loop3A_296 {strides = array<i32>} : memref<512x64xf32, #tpu.memory_space<vmem>>, vector<16xf32>,
      %parallel_loop3A_300 = arith.mulf %parallel_loop3A_267, %parallel_loop3A_295 : vector<16xf32>
      %parallel_loop3A_301 = arith.index_cast %parallel_loop3A_189 : i32 to index
      %parallel_loop3A_302 = arith.constant 16 : index
      %parallel_loop3A_303 = tpu.vector_load %arg5[%parallel_loop3A_301, %parallel_loop3A_302] {strides = array<i32>} : memref<512x64xf32, #tpu.memory_space<vmem>>, vector<16xf32>,
      tpu.vector_store %arg5[%parallel_loop3A_301, %parallel_loop3A_302], %parallel_loop3A_300 {strides = array<i32>} : memref<512x64xf32, #tpu.memory_space<vmem>>, vector<16xf32>,
      %parallel_loop3A_304 = arith.mulf %parallel_loop3A_275, %parallel_loop3A_295 : vector<16xf32>
      %parallel_loop3A_305 = arith.index_cast %parallel_loop3A_189 : i32 to index
      %parallel_loop3A_306 = arith.constant 32 : index
      %parallel_loop3A_307 = tpu.vector_load %arg5[%parallel_loop3A_305, %parallel_loop3A_306] {strides = array<i32>} : memref<512x64xf32, #tpu.memory_space<vmem>>, vector<16xf32>,
      tpu.vector_store %arg5[%parallel_loop3A_305, %parallel_loop3A_306], %parallel_loop3A_304 {strides = array<i32>} : memref<512x64xf32, #tpu.memory_space<vmem>>, vector<16xf32>,
      %parallel_loop3A_308 = arith.mulf %parallel_loop3A_283, %parallel_loop3A_295 : vector<16xf32>
      %parallel_loop3A_309 = arith.index_cast %parallel_loop3A_189 : i32 to index
      %parallel_loop3A_310 = arith.constant 48 : index
      %parallel_loop3A_311 = tpu.vector_load %arg5[%parallel_loop3A_309, %parallel_loop3A_310] {strides = array<i32>} : memref<512x64xf32, #tpu.memory_space<vmem>>, vector<16xf32>,
      tpu.vector_store %arg5[%parallel_loop3A_309, %parallel_loop3A_310], %parallel_loop3A_308 {strides = array<i32>} : memref<512x64xf32, #tpu.memory_space<vmem>>, vector<16xf32>,
    } {sc.loop_unroll_factor = 2 : i64, sc.parallel_access}
    %add3A_137 = arith.constant 384 : i32
    %add3A_138 = arith.addi %mul3A_2, %add3A_137 : i32
    %dma_start3A_139 = arith.constant 384 : i32
    %dma_start3A_140 = arith.constant 0 : i32
    %dma_start3A_141 = tpu.memref_slice %arg5[%dma_start3A_139, %dma_start3A_140] : memref<512x64xf32, #tpu.memory_space<vmem>> -> memref<128x64xf32, #tpu.memory_space<vmem>>
    %dma_start3A_142 = arith.constant 0 : i32
    %dma_start3A_143 = tpu.memref_slice %arg4[%add3A_138, %dma_start3A_142] : memref<16384x64xf32, #tpu.memory_space<hbm>> -> memref<128x64xf32, #tpu.memory_space<hbm>>
    %dma_start3A_144 = arith.constant 0 : i32
    %dma_start3A_145 = tpu.memref_slice %arg4[%add3A_138, %dma_start3A_144] : memref<16384x64xf32, #tpu.memory_space<hbm>> -> memref<128x64xf32, #tpu.memory_space<hbm>>
    %dma_start3A_146 = arith.constant 384 : i32
    %dma_start3A_147 = arith.constant 0 : i32
    %dma_start3A_148 = tpu.memref_slice %arg5[%dma_start3A_146, %dma_start3A_147] : memref<512x64xf32, #tpu.memory_space<vmem>> -> memref<128x64xf32, #tpu.memory_space<vmem>>
    tpu.enqueue_dma source(%dma_start3A_148 : memref<128x64xf32, #tpu.memory_space<vmem>>) target(%dma_start3A_145 : memref<128x64xf32, #tpu.memory_space<hbm>>) target_semaphore(%arg11 : memref<!tpu.dma_semaphore, #tpu.memory_space<semaphore_mem>>)
    %dma_wait3A_149 = arith.constant 0 : i32
    %dma_wait3A_150 = arith.constant 0 : i32
    %dma_wait3A_151 = tpu.memref_slice %arg5[%dma_wait3A_149, %dma_wait3A_150] : memref<512x64xf32, #tpu.memory_space<vmem>> -> memref<128x64xf32, #tpu.memory_space<vmem>>
    %dma_wait3A_152 = arith.constant 0 : i32
    %dma_wait3A_153 = tpu.memref_slice %arg4[%add3A_63, %dma_wait3A_152] : memref<16384x64xf32, #tpu.memory_space<hbm>> -> memref<128x64xf32, #tpu.memory_space<hbm>>
    %dma_wait3A_154 = arith.constant 0 : i32
    %dma_wait3A_155 = tpu.memref_slice %arg4[%add3A_63, %dma_wait3A_154] : memref<16384x64xf32, #tpu.memory_space<hbm>> -> memref<128x64xf32, #tpu.memory_space<hbm>>
    %dma_wait3A_156 = arith.constant 0 : i32
    %dma_wait3A_157 = arith.constant 0 : i32
    %dma_wait3A_158 = tpu.memref_slice %arg5[%dma_wait3A_156, %dma_wait3A_157] : memref<512x64xf32, #tpu.memory_space<vmem>> -> memref<128x64xf32, #tpu.memory_space<vmem>>
    tpu.wait_dma2 semaphore(%arg11 : memref<!tpu.dma_semaphore, #tpu.memory_space<semaphore_mem>>) src(%dma_wait3A_158 : memref<128x64xf32, #tpu.memory_space<vmem>>) dst(%dma_wait3A_155 : memref<128x64xf32, #tpu.memory_space<hbm>>)
    %dma_wait3A_159 = arith.constant 128 : i32
    %dma_wait3A_160 = arith.constant 0 : i32
    %dma_wait3A_161 = tpu.memref_slice %arg5[%dma_wait3A_159, %dma_wait3A_160] : memref<512x64xf32, #tpu.memory_space<vmem>> -> memref<128x64xf32, #tpu.memory_space<vmem>>
    %dma_wait3A_162 = arith.constant 0 : i32
    %dma_wait3A_163 = tpu.memref_slice %arg4[%add3A_88, %dma_wait3A_162] : memref<16384x64xf32, #tpu.memory_space<hbm>> -> memref<128x64xf32, #tpu.memory_space<hbm>>
    %dma_wait3A_164 = arith.constant 0 : i32
    %dma_wait3A_165 = tpu.memref_slice %arg4[%add3A_88, %dma_wait3A_164] : memref<16384x64xf32, #tpu.memory_space<hbm>> -> memref<128x64xf32, #tpu.memory_space<hbm>>
    %dma_wait3A_166 = arith.constant 128 : i32
    %dma_wait3A_167 = arith.constant 0 : i32
    %dma_wait3A_168 = tpu.memref_slice %arg5[%dma_wait3A_166, %dma_wait3A_167] : memref<512x64xf32, #tpu.memory_space<vmem>> -> memref<128x64xf32, #tpu.memory_space<vmem>>
    tpu.wait_dma2 semaphore(%arg11 : memref<!tpu.dma_semaphore, #tpu.memory_space<semaphore_mem>>) src(%dma_wait3A_168 : memref<128x64xf32, #tpu.memory_space<vmem>>) dst(%dma_wait3A_165 : memref<128x64xf32, #tpu.memory_space<hbm>>)
    %dma_wait3A_169 = arith.constant 256 : i32
    %dma_wait3A_170 = arith.constant 0 : i32
    %dma_wait3A_171 = tpu.memref_slice %arg5[%dma_wait3A_169, %dma_wait3A_170] : memref<512x64xf32, #tpu.memory_space<vmem>> -> memref<128x64xf32, #tpu.memory_space<vmem>>
    %dma_wait3A_172 = arith.constant 0 : i32
    %dma_wait3A_173 = tpu.memref_slice %arg4[%add3A_113, %dma_wait3A_172] : memref<16384x64xf32, #tpu.memory_space<hbm>> -> memref<128x64xf32, #tpu.memory_space<hbm>>
    %dma_wait3A_174 = arith.constant 0 : i32
    %dma_wait3A_175 = tpu.memref_slice %arg4[%add3A_113, %dma_wait3A_174] : memref<16384x64xf32, #tpu.memory_space<hbm>> -> memref<128x64xf32, #tpu.memory_space<hbm>>
    %dma_wait3A_176 = arith.constant 256 : i32
    %dma_wait3A_177 = arith.constant 0 : i32
    %dma_wait3A_178 = tpu.memref_slice %arg5[%dma_wait3A_176, %dma_wait3A_177] : memref<512x64xf32, #tpu.memory_space<vmem>> -> memref<128x64xf32, #tpu.memory_space<vmem>>
    tpu.wait_dma2 semaphore(%arg11 : memref<!tpu.dma_semaphore, #tpu.memory_space<semaphore_mem>>) src(%dma_wait3A_178 : memref<128x64xf32, #tpu.memory_space<vmem>>) dst(%dma_wait3A_175 : memref<128x64xf32, #tpu.memory_space<hbm>>)
    %dma_wait3A_179 = arith.constant 384 : i32
    %dma_wait3A_180 = arith.constant 0 : i32
    %dma_wait3A_181 = tpu.memref_slice %arg5[%dma_wait3A_179, %dma_wait3A_180] : memref<512x64xf32, #tpu.memory_space<vmem>> -> memref<128x64xf32, #tpu.memory_space<vmem>>
    %dma_wait3A_182 = arith.constant 0 : i32
    %dma_wait3A_183 = tpu.memref_slice %arg4[%add3A_138, %dma_wait3A_182] : memref<16384x64xf32, #tpu.memory_space<hbm>> -> memref<128x64xf32, #tpu.memory_space<hbm>>
    %dma_wait3A_184 = arith.constant 0 : i32
    %dma_wait3A_185 = tpu.memref_slice %arg4[%add3A_138, %dma_wait3A_184] : memref<16384x64xf32, #tpu.memory_space<hbm>> -> memref<128x64xf32, #tpu.memory_space<hbm>>
    %dma_wait3A_186 = arith.constant 384 : i32
    %dma_wait3A_187 = arith.constant 0 : i32
    %dma_wait3A_188 = tpu.memref_slice %arg5[%dma_wait3A_186, %dma_wait3A_187] : memref<512x64xf32, #tpu.memory_space<vmem>> -> memref<128x64xf32, #tpu.memory_space<vmem>>
    tpu.wait_dma2 semaphore(%arg11 : memref<!tpu.dma_semaphore, #tpu.memory_space<semaphore_mem>>) src(%dma_wait3A_188 : memref<128x64xf32, #tpu.memory_space<vmem>>) dst(%dma_wait3A_185 : memref<128x64xf32, #tpu.memory_space<hbm>>)
    return
  }
}

module attributes {stable_mosaic.version = 14 : i64} {
  func.func @_logits_kernel(%arg0: i32, %arg1: memref<1024x4096xf32, #tpu.memory_space<vmem>>, %arg2: memref<4096x64xf32, #tpu.memory_space<vmem>>, %arg3: memref<1x64xf32, #tpu.memory_space<vmem>>, %arg4: memref<1024x64xf32, #tpu.memory_space<vmem>>) attributes {dimension_semantics = [#tpu.dimension_semantics<parallel>], iteration_bounds = array<i64: 16>, scalar_prefetch = 0 : i64, scratch_operands = 0 : i64, tpu.core_type = #tpu.core_type<tc>, window_params = [{transform_indices = @transform_0, window_bounds = array<i64: 1024, 4096>}, {pipeline_mode = #tpu.pipeline_mode<synchronous>, transform_indices = @transform_1, window_bounds = array<i64: 4096, 64>}, {pipeline_mode = #tpu.pipeline_mode<synchronous>, transform_indices = @transform_2, window_bounds = array<i64: 1, 64>}, {transform_indices = @transform_3, window_bounds = array<i64: 1024, 64>}]} {
    %get3A = arith.constant 0 : index
    %get3A_0 = arith.constant 0 : index
    %get3A_1 = vector.load %arg1[%get3A, %get3A_0] : memref<1024x4096xf32, #tpu.memory_space<vmem>>, vector<1024x4096xf32>
    %get3A_2 = arith.constant 0 : index
    %get3A_3 = arith.constant 0 : index
    %get3A_4 = vector.load %arg2[%get3A_2, %get3A_3] : memref<4096x64xf32, #tpu.memory_space<vmem>>, vector<4096x64xf32>
    %dot_general3A = arith.constant dense<0.000000e+00> : vector<1024x64xf32>
    %dot_general3A_5 = tpu.matmul %get3A_1, %get3A_4, %dot_general3A {dimension_numbers = #tpu.dot_dimension_numbers<[1], [0], [0], [1], [0, 0, 1, 1], [], []>, transpose_lhs_hint = false} : vector<1024x4096xf32>, vector<4096x64xf32>, vector<1024x64xf32> -> vector<1024x64xf32>
    %get3A_6 = arith.constant 0 : index
    %get3A_7 = arith.constant 0 : index
    %get3A_8 = vector.load %arg3[%get3A_6, %get3A_7] : memref<1x64xf32, #tpu.memory_space<vmem>>, vector<1x64xf32>
    %add3A = vector.broadcast %get3A_8 : vector<1x64xf32> to vector<1024x64xf32>
    %add3A_9 = arith.addf %dot_general3A_5, %add3A : vector<1024x64xf32>
    %swap3A = arith.constant 0 : index
    %swap3A_10 = arith.constant 0 : index
    %swap3A_11 = vector.load %arg4[%swap3A, %swap3A_10] : memref<1024x64xf32, #tpu.memory_space<vmem>>, vector<1024x64xf32>
    tpu.vector_store %arg4[%swap3A, %swap3A_10], %add3A_9 {strides = array<i32>} : memref<1024x64xf32, #tpu.memory_space<vmem>>, vector<1024x64xf32>,
    return
  }
  func.func @transform_0(%arg0: i32) -> (i32, i32) {
    %c0_i32 = arith.constant 0 : i32
    %c0_i32_0 = arith.constant 0 : i32
    return %arg0, %c0_i32 : i32, i32
  }
  func.func @transform_1(%arg0: i32) -> (i32, i32) {
    %c0_i32 = arith.constant 0 : i32
    %c0_i32_0 = arith.constant 0 : i32
    %c0_i32_1 = arith.constant 0 : i32
    return %c0_i32, %c0_i32_0 : i32, i32
  }
  func.func @transform_2(%arg0: i32) -> (i32, i32) {
    %c0_i32 = arith.constant 0 : i32
    %c0_i32_0 = arith.constant 0 : i32
    %c0_i32_1 = arith.constant 0 : i32
    return %c0_i32, %c0_i32_0 : i32, i32
  }
  func.func @transform_3(%arg0: i32) -> (i32, i32) {
    %c0_i32 = arith.constant 0 : i32
    %c0_i32_0 = arith.constant 0 : i32
    return %arg0, %c0_i32 : i32, i32
  }
}

</mosaic_0001>

<sc_bundles>
// kernel: kernel.4.cloned.1.call-start
scs
__scs_entry_jumppad:
0x0: {  	(pc) =	sbr.rel $0x88, $3  }
0x1: {  	(tag) =	ssettag $0x0;
	lr =	simm.s32 $0x1  }
0x2: {  	[smem:$0x3F9D] =	sst lr;
	_ =	strace $0xD0000000  }
0x3: {  	_ = 	snop  }
0x4: {  	_ = 	snop  }
0x5: {  	_ = 	snop  }
0x6: {  	_ = 	snop  }
0x7: {  	_ = 	snop  }
__scs_overlays_trampoline_lowered:
0x8: {  	[smem:$0x3FAC] =	sst s0  }
0x9: {  	[smem:$0x3FAD] =	sst s1  }
0xa: {  	[smem:$0x3FAE] =	sst s2  }
0xb: {  	[smem:$0x3FAF] =	sst s3  }
0xc: {  	[smem:$0x3FB0] =	sst s4  }
0xd: {  	[smem:$0x3FB1] =	sst s5  }
0xe: {  	[smem:$0x3FB2] =	sst s6  }
0xf: {  	[smem:$0x3FB3] =	sst s7  }
0x10: {  	[smem:$0x3FB4] =	sst s8  }
0x11: {  	[smem:$0x3FB5] =	sst s9;
	s0 =	simm.s32 @!p0 $0x0  }
0x12: {  	s1 =	sld [smem:$0x3F9B];
	s0 =	simm.s32 @p0 $0x1  }
0x13: {  	[smem:$0x3FB6] =	sst s0;
	s0 =	simm.s32 @!p1 $0x0  }
0x14: {  	s2 =	sld [smem:$0x3F9A];
	s0 =	simm.s32 @p1 $0x1  }
0x15: {  	[smem:$0x3FB7] =	sst s0;
	s0 =	simm.s32 @!p2 $0x0  }
0x16: {  	s3 =	sld [smem:$0x3FDB];
	s0 =	simm.s32 @p2 $0x1  }
0x17: {  	s4 =	simm.s32 $0x1BF5;
	[smem:$0x3FB9] =	sst s0  }
0x18: {  	s0 =	sld [smem:$0x3F9C];
	_ =	swait.ge [sflag:s4], $0x0  }
0x19: {  	s7 =	sld [smem:$0x3F9D]  }
0x1a: {  	s8 =	sadd.s32 $0xFFFFE003, lr  }
0x1b: {  	s9 =	sadd.s32 $0xFFFFFEF7, lr;
	s5 =	simm.s32 $0xFFFFFFFF;
	p2 =	slt.u32 s8, $0xFFFFF086  }
0x1c: {  	p1 =	slt.u32 s9, $0xF7A;
	s5 =	simm.s32 @!p2 $0x0  }
0x1d: {  	s5 =	simm.s32 @p1 $0x1;
	p0 =	seq.s32 s7, s2  }
0x1e: {  	s7 =	smul.u32 @!p0 $0xF7A, s2;
	p2 =	seq.s32 @!p0 s5, $0x0  }
0x1f: {  	s9 =	smul.u32 $0xF7A, s1;
	s8 =	simm.s32 @!p0 $0x1BF5;
	p2 =	por !p2, p0  }
0x20: {  	[sflag:s8] =	ssyncset.s32 @!p0 $0xFFFFF086;
	s6 =	sadd.s32 @!p0 s3, s7;
	s7 =	simm.s32 @!p0 $0x108  }
0x21: {  	s3 =	sadd.s32 s3, s9;
	s6 =	sadd.s32 @!p0 $0x88, s6;
	s7 =	simm.s32 @p2 $0x1082  }
0x22: {  	[simem:s7], [sflag:s8] =	dma.local @!p0 [hbm:s6], $0xF7A  }
0x23: {  	s9 =	sor.u32 $0xD0000000, s2;
	s6 =	simm.s32 $0x108;
	_ =	swait.ge @!p0 [sflag:s8], $0x0  }
0x24: {  	s3 =	sadd.s32 $0x88, s3;
	s6 =	simm.s32 @!p1 $0x1082;
	[sflag:s4] =	ssyncset.s32 $0xFFFFF086  }
0x25: {  	[simem:s6], [sflag:s4] =	dma.local [hbm:s3], $0xF7A  }
0x26: {  	[smem:$0x3F9D] =	sst s1;
	(tag) =	ssettag s2;
	_ =	strace s9  }
0x27: {  	s1 =	sld [smem:$0x3FAD]  }
0x28: {  	s2 =	sld [smem:$0x3FAE]  }
0x29: {  	s4 =	sld [smem:$0x3FB0]  }
0x2a: {  	p0 =	seq.s32 s5, $0x0;
	s5 =	sld [smem:$0x3FB1]  }
0x2b: {  	s6 =	sld [smem:$0x3FB2]  }
0x2c: {  	s7 =	sld [smem:$0x3FB3]  }
0x2d: {  	s3 =	simm.s32 $0x108;
	s8 =	sld [smem:$0x3FB4]  }
0x2e: {  	s3 =	simm.s32 @!p0 $0x1082;
	s9 =	sld [smem:$0x3FB5]  }
0x2f: {  	lr =	sadd.s32 s0, s3;
	s0 =	sld [smem:$0x3FAC]  }
0x30: {  	s3 =	sld [smem:$0x3FAF]  }
0x31: {  	[smem:$0x3FB8] =	sst s10  }
0x32: {  	s10 =	sld [smem:$0x3FB6];
	_ =	sdelay $0x3  }
0x33: {  	p0 =	seq.s32 s10, $0x1;
	s10 =	sld [smem:$0x3FB8];
	_ =	sdelay $0x3  }
0x34: {  	[smem:$0x3FB8] =	sst s10  }
0x35: {  	s10 =	sld [smem:$0x3FB7];
	_ =	sdelay $0x3  }
0x36: {  	p1 =	seq.s32 s10, $0x1;
	s10 =	sld [smem:$0x3FB8];
	_ =	sdelay $0x3  }
0x37: {  	[smem:$0x3FB8] =	sst s10  }
0x38: {  	s10 =	sld [smem:$0x3FB9]  }
0x39: {  	_ = 	snop;
	(pc) =	sbr.ind lr, $3  }
0x3a: {  	_ = 	snop  }
0x3b: {  	_ = 	snop  }
0x3c: {  	p2 =	seq.s32 s10, $0x1;
	s10 =	sld [smem:$0x3FB8]  }
0x3d: {  	_ =	shalt  }
0x3e: {  	_ =	shalt  }
0x3f: {  	_ =	shalt  }
0x40: {  	_ =	shalt  }
0x41: {  	_ =	shalt  }
0x42: {  	_ =	shalt  }
0x43: {  	_ =	shalt  }
0x44: {  	_ =	shalt  }
0x45: {  	_ =	shalt  }
0x46: {  	_ =	shalt  }
0x47: {  	_ =	shalt  }
0x48: {  	_ =	shalt  }
0x49: {  	_ =	shalt  }
0x4a: {  	_ =	shalt  }
0x4b: {  	_ =	shalt  }
0x4c: {  	_ =	shalt  }
0x4d: {  	_ =	shalt  }
0x4e: {  	_ =	shalt  }
0x4f: {  	_ =	shalt  }
0x50: {  	_ =	shalt  }
0x51: {  	_ =	shalt  }
0x52: {  	_ =	shalt  }
0x53: {  	_ =	shalt  }
0x54: {  	_ =	shalt  }
0x55: {  	_ =	shalt  }
0x56: {  	_ =	shalt  }
0x57: {  	_ =	shalt  }
0x58: {  	_ =	shalt  }
0x59: {  	_ =	shalt  }
0x5a: {  	_ =	shalt  }
0x5b: {  	_ =	shalt  }
0x5c: {  	_ =	shalt  }
0x5d: {  	_ =	shalt  }
0x5e: {  	_ =	shalt  }
0x5f: {  	_ =	shalt  }
0x60: {  	_ =	shalt  }
0x61: {  	_ =	shalt  }
0x62: {  	_ =	shalt  }
0x63: {  	_ =	shalt  }
0x64: {  	_ =	shalt  }
0x65: {  	_ =	shalt  }
0x66: {  	_ =	shalt  }
0x67: {  	_ =	shalt  }
0x68: {  	_ =	shalt  }
0x69: {  	_ =	shalt  }
0x6a: {  	_ =	shalt  }
0x6b: {  	_ =	shalt  }
0x6c: {  	_ =	shalt  }
0x6d: {  	_ =	shalt  }
0x6e: {  	_ =	shalt  }
0x6f: {  	_ =	shalt  }
0x70: {  	_ =	shalt  }
0x71: {  	_ =	shalt  }
0x72: {  	_ =	shalt  }
0x73: {  	_ =	shalt  }
0x74: {  	_ =	shalt  }
0x75: {  	_ =	shalt  }
0x76: {  	_ =	shalt  }
0x77: {  	_ =	shalt  }
0x78: {  	_ =	shalt  }
0x79: {  	_ =	shalt  }
0x7a: {  	_ =	shalt  }
0x7b: {  	_ =	shalt  }
0x7c: {  	_ =	shalt  }
0x7d: {  	_ =	shalt  }
0x7e: {  	_ =	shalt  }
0x7f: {  	_ =	shalt  }
0x80: {  	_ =	shalt  }
0x81: {  	_ =	shalt  }
0x82: {  	_ =	shalt  }
0x83: {  	_ =	shalt  }
0x84: {  	_ =	shalt  }
0x85: {  	_ =	shalt  }
0x86: {  	_ =	shalt  }
0x87: {  	_ =	shalt  }
.Lfunc_end0:
.L_simem_size_0:
called_computation_lowered:
.L_overlay_start_0:
0x88: {  	s2 =	sld [smem:$0x3FD9]  }
0x89: {  	s3 =	sld [smem:$0x3FFE];
	_ =	sdelay $0x1  }
0x8a: {  	s1 =	srdreg.scid  }
0x8b: {  	s0 =	sand.u32 $0x1, s1  }
0x8c: {  	s17 =	sshll.u32 s0, $0xA;
	s2 =	sadd.s32 s3, s2  }
0x8d: {  	s2 =	sadd.s32 s2, s17  }
0x8e: {  	[smem:$0x3FC4] =	sst s2  }
0x8f: {  	_ = 	snop  }
0x90: {  	s2 =	sld [smem:$0x3FD0];
	(tm) =	ssettm $0x1  }
0x91: {  	s18 =	sld [smem:$0x3FFB];
	_ =	sdelay $0x3  }
0x92: {  	_ =	strace s18  }
0x93: {  	s3 =	sld [smem:$0x3FFC];
	_ =	sdelay $0x3  }
0x94: {  	_ =	strace s3  }
0x95: {  	s3 =	sld [smem:$0x3FFD];
	_ =	sdelay $0x3  }
0x96: {  	_ =	strace s3  }
0x97: {  	_ =	strace $0x8FFFFFFF  }
0x98: {  	s19 =	sld [smem:$0x3FDB];
	_ =	sdelay $0x1  }
0x99: {  	s4 =	simm.s32 $_scs_section_size  }
0x9a: {  	s5 =	simm.s32 $_size__tile_overlayer_lowered;
	s6 =	simm.s32 $_tile_overlayer_lowered  }
0x9b: {  	s22 =	simm.s32 $0x1BFF;
	s21 =	sshll.u32 s6, $0x1;
	s3 =	sadd.s32 s4, s19  }
0x9c: {  	s7 =	simm.s32 $0x0;
	s20 =	sshll.u32 s5, $0x1;
	s5 =	sadd.s32 s21, s3  }
0x9d: {  	[timem:s7], [sflag:s22] =	dma.local [hbm:s5], s20  }
0x9e: {  	_ =	swait.ge [sflag:s22], s20  }
0x9f: {  	s4 =	ssub.s32 $0x0, s20;
	[sflag:s22] =	ssyncset.done $0x0  }
0xa0: {  	[sflag:s22] =	ssyncadd.s32 s4;
	_ =	sdelay $0x1  }
0xa1: {  	s23 =	simm.s32 $0x1B8B  }
0xa2: {  	_ =	swait.ge [sflag:s23], $0x1  }
0xa3: {  	[sflag:s23] =	ssyncset.done $0x0  }
0xa4: {  	s25 =	simm.s32 $0x1B8E;
	s24 =	sld [smem:$0x3FFE];
	[sflag:s23] =	ssyncadd.s32 $0xFFFFFFFF  }
0xa5: {  	s26 =	simm.s32 $execute0_lowered;
	[smem:$0x3FD2] =	sst s25  }
0xa6: {  	s5 =	sshll.u32 s26, $0x1;
	_ =	strace $0x80000046;
	[dreg:$0x1] =	wrdreg $0xFFFFFFFF  }
0xa7: {  	s28 =	simm.s32 $_size_execute0_lowered;
	s3 =	sadd.s32 s3, s5;
	[dreg:$0x0] =	wrdreg $0x0  }
0xa8: {  	s5 =	sshll.u32 s28, $0x1;
	[dreg:$0x2] =	wrdreg s3  }
0xa9: {  	[dreg:$0x3] =	wrdreg s5  }
0xaa: {  	[dreg:$0x4] =	wrdreg $0xC0  }
0xab: {  	_ =	task [dreg:s7], $0x5FFFF  }
0xac: {  	[dreg:$0x1] =	wrdreg $0xFFFFFFFF  }
0xad: {  	[dreg:$0x0] =	wrdreg $0x60  }
0xae: {  	[dreg:$0x2] =	wrdreg s24  }
0xaf: {  	[dreg:$0x3] =	wrdreg s2  }
0xb0: {  	[dreg:$0x4] =	wrdreg $0x9  }
0xb1: {  	_ =	task.clear_ibuf [dreg:s7], $0x5FFFF;
	_ =	strace $0x90000046  }
0xb2: {  	s29 =	simm.s32 $0x9;
	_ =	strace $0x80000048  }
0xb3: {  	_ =	swait.ge [sflag:s29], $0x1  }
0xb4: {  	[sflag:s29] =	ssyncadd.s32 $0xFFFFFFFF  }
0xb5: {  	_ =	strace $0x90000048  }
0xb6: {  	_ =	sfence  }
0xb7: {  	s30 =	sld [smem:$0x0];
	_ =	sdelay $0x2  }
0xb8: {  	s31 =	sshll.u32 s1, $0xD;
	s1 =	sshrl.u32 s1, $0x2  }
0xb9: {  	s3 =	sand.u32 $0x4000, s31;
	s1 =	sadd.s32 s1, s30  }
0xba: {  	s0 =	sor.u32 s3, s0;
	s1 =	sshll.u32 s1, $0x11  }
0xbb: {  	s0 =	sor.u32 s1, s0  }
0xbc: {  	s0 =	sadd.s32 $0x8F2B, s0  }
0xbd: {  	[sflag:s0] =	ssyncadd.remote.s32 $0x1  }
0xbe: {  	_ =	sfence.sel $0xFFFF  }
0xbf: {  	[dreg:$0x0] =	wrdreg $0xFFFFFFFF;
	(pc) =	sbr.abs _section_cstart, $3  }
0xc0: {  	[dreg:$0x1] =	wrdreg $0xFFFFFFFF  }
0xc1: {  	_ =	task.clear_ibuf [dreg:s7], $0x2FFFF;
	_ =	strace $0x9FFFFFFF  }
0xc2: {  	(tm) =	ssettm $0x7FFFFFFF  }
0xc3: {  	_ =	shalt  }
tec
execute0_lowered:
.L_overlay_start_1:
0x0: {  	(tag) =	ssettag $0x1  }
0x1: {  	s4 =	rddreg [dreg:$0x0]  }
0x2: {  	s1 =	rddreg [dreg:$0x1]  }
0x3: {  	s0 =	rddreg [dreg:$0x2];
	s2 =	simm.s32 $0x0  }
0x4: {  	s5 =	srdreg.scid;
	s3 =	stileid.u32;
	s14 =	simm.s32 $0x8000  }
0x5: {  	s15 =	simm.s32 $0xC000;
	s16 =	simm.s32 $0x10000;
	s17 =	simm.s32 $0x6  }
0x6: {  	s18 =	simm.s32 $0x1;
	s19 =	simm.s32 $0x2;
	s20 =	simm.s32 $0x3  }
0x7: {  	s21 =	simm.s32 $0x4;
	s22 =	simm.s32 $0x5;
	s23 =	simm.s32 $0x0  }
0x8: {  	[smem:$0x7FF] =	sst s2;
	s7 =	sadd.s32 $0x800, s4;
	s5 =	sand.u32 $0x1, s5  }
0x9: {  	s8 =	sshll.u32 s3, $0xE;
	s6 =	ssub.s32 $0x2, s5;
	s5 =	sshll.u32 s5, $0xD  }
0xa: {  	s11 =	sadd.s32 $0x40800, s4;
	s31 =	sshrl.u32 s6, $0x1;
	s8 =	sor.u32 s5, s8  }
0xb: {  	_ =	strace $0x80000047;
	s12 =	ssub.s32 s6, s31;
	s4 =	sadd.s32 s7, s8  }
0xc: {  	v0 =	vlaneseq.u32;
	s9 =	sor.u32 $0x800, s8;
	s10 =	sor.u32 $0x1000, s8;
	s13 =	sor.u32 $0x1800, s8  }
0xd: {  	v0 =	vmul.u32 $0xFFFFFFFF, v0;
	s8 =	sadd.s32 s11, s8;
	s5 =	sadd.s32 s7, s9;
	s6 =	sadd.s32 s7, s10  }
0xe: {  	s7 =	sadd.s32 s7, s13;
	s9 =	sadd.s32 s11, s9;
	s10 =	sadd.s32 s11, s10  }
0xf: {  	v0 =	vadd.s32 $0xF, v0;
	s11 =	sadd.s32 s11, s13;
	s12 =	smax.u32 s12, $0x1;
	s13 =	simm.s32 $0x4000  }
.LBB2_1:
0x10: {  	[tilespmem:s2], [sflag:$0x1] =	stream.linear.gather [hbm4b:s4+s2], $0x4000, $0x38;
	[tilespmem:$0x10080] =	vst v63  }
0x11: {  	_ = 	snop  }
0x12: {  	[tilespmem:s13], [sflag:$0x2] =	stream.linear.gather [hbm4b:s5+s2], $0x4000, $0x38;
	[tilespmem:$0x10080] =	vst v63  }
0x13: {  	_ = 	snop  }
0x14: {  	[tilespmem:s14], [sflag:$0x3] =	stream.linear.gather [hbm4b:s6+s2], $0x4000, $0x38;
	[tilespmem:$0x10080] =	vst v63  }
0x15: {  	_ = 	snop  }
0x16: {  	[tilespmem:s15], [sflag:$0x4] =	stream.linear.gather [hbm4b:s7+s2], $0x4000, $0x38;
	[tilespmem:$0x10080] =	vst v63  }
0x17: {  	_ = 	snop  }
0x18: {  	[tilespmem:s16], [sflag:$0x6] =	stream.linear.gather [hbm4b:s1+s2], $0x80, $0x38;
	[tilespmem:$0x10080] =	vst v63  }
0x19: {  	_ =	swait.ge [sflag:s17], $0x80  }
0x1a: {  	[sflag:s17] =	ssyncset.done $0x0  }
0x1b: {  	[sflag:s17] =	ssyncadd.s32 $0xFFFFFF80  }
0x1c: {  	v1 =	vld [tilespmem:$0x10000];
	_ =	swait.ge [sflag:s18], $0x4000  }
0x1d: {  	[sflag:s18] =	ssyncset.done $0x0  }
0x1e: {  	s24 =	simm.s32 $0x80;
	[sflag:s18] =	ssyncadd.s32 $0xFFFFC000  }
0x1f: {  	v5 =	vld [tilespmem:s24+$0x30]  }
0x20: {  	v11 =	vld [tilespmem:s24+$0x10]  }
0x21: {  	v10 =	vld [tilespmem:s24+$0x20]  }
0x22: {  	v12 =	vld [tilespmem:s24+$0x0];
	_ =	sdelay $0x1  }
0x23: {  	(xrf1) =	vsort.dscd.msk.f32 $0xffff, v5, v5  }
0x24: {  	(xrf1) =	vsort.dscd.msk.f32 $0xffff, v11, v11  }
0x25: {  	v2 =	vld [tilespmem:s24+$0xFFFFFFB0];
	(xrf1) =	vsort.dscd.msk.f32 $0xffff, v10, v10  }
0x26: {  	v7 =	vld [tilespmem:s24+$0xFFFFFF90];
	(xrf1) =	vsort.dscd.msk.f32 $0xffff, v12, v12  }
0x27: {  	v3 =	vld [tilespmem:s24+$0xFFFFFFA0];
	_ =	sdelay $0x1  }
0x28: {  	v8 =	vld [tilespmem:s24+$0xFFFFFF80]  }
0x29: {  	(xrf1) =	vsort.dscd.msk.f32 $0xffff, v2, v2  }
0x2a: {  	(xrf1) =	vsort.dscd.msk.f32 $0xffff, v7, v7  }
0x2b: {  	(xrf1) =	vsort.dscd.msk.f32 $0xffff, v3, v3;
	_ =	sdelay $0x1  }
0x2c: {  	(xrf1) =	vsort.dscd.msk.f32 $0xffff, v8, v8;
	_ =	sdelay $0x2  }
0x2d: {  	v4, _, _ =	vpop (xrf1)  }
0x2e: {  	v4 =	vperm.xlane v4, v0;
	v6, _, _ =	vpop (xrf1)  }
0x2f: {  	v9, _, _ =	vpop (xrf1);
	v6 =	vperm.xlane v6, v0  }
0x30: {  	v4 =	vmax.f32 v9, v4;
	v9, _, _ =	vpop (xrf1)  }
0x31: {  	(xrf1) =	vsort.dscd.msk.f32 $0xffff, v4, v4;
	v4 =	vmax.f32 v9, v6;
	_ =	sdelay $0x1  }
0x32: {  	(xrf1) =	vsort.dscd.msk.f32 $0xffff, v4, v4  }
0x33: {  	v4, _, _ =	vpop (xrf1)  }
0x34: {  	v4 =	vperm.xlane v4, v0;
	v6, _, _ =	vpop (xrf1)  }
0x35: {  	v9, _, _ =	vpop (xrf1)  }
0x36: {  	v6 =	vperm.xlane v6, v0;
	v4 =	vmax.f32 v9, v4  }
0x37: {  	s25 =	simm.s32 $0x180;
	v9, _, _ =	vpop (xrf1);
	(xrf1) =	vsort.dscd.msk.f32 $0xffff, v4, v4  }
0x38: {  	v16 =	vld [tilespmem:s25+$0x30];
	v4 =	vmax.f32 v9, v6  }
0x39: {  	v20 =	vld [tilespmem:s25+$0x10];
	(xrf1) =	vsort.dscd.msk.f32 $0xffff, v4, v4  }
0x3a: {  	v19 =	vld [tilespmem:s25+$0x20];
	_ =	sdelay $0x1  }
0x3b: {  	v21 =	vld [tilespmem:s25+$0x0]  }
0x3c: {  	(xrf1) =	vsort.dscd.msk.f32 $0xffff, v16, v16  }
0x3d: {  	(xrf1) =	vsort.dscd.msk.f32 $0xffff, v20, v20;
	v4, _, _ =	vpop (xrf1)  }
0x3e: {  	(xrf1) =	vsort.dscd.msk.f32 $0xffff, v19, v19;
	v4 =	vperm.xlane v4, v0  }
0x3f: {  	v6, _, _ =	vpop (xrf1)  }
0x40: {  	v15 =	vld [tilespmem:s25+$0xFFFFFFB0];
	(xrf1) =	vsort.dscd.msk.f32 $0xffff, v21, v21;
	v4 =	vmax.f32 v6, v4  }
0x41: {  	v28 =	vld [tilespmem:s25+$0xFFFFFF90];
	(xrf1) =	vsort.dscd.msk.f32 $0xffff, v4, v4  }
0x42: {  	v27 =	vld [tilespmem:s25+$0xFFFFFFA0]  }
0x43: {  	v29 =	vld [tilespmem:s25+$0xFFFFFF80]  }
0x44: {  	v4, _, _ =	vpop (xrf1)  }
0x45: {  	(xrf1) =	vsort.dscd.msk.f32 $0xffff, v15, v15;
	v4 =	vperm.xlane v4, v0  }
0x46: {  	(xrf1) =	vsort.dscd.msk.f32 $0xffff, v28, v28;
	v6, _, _ =	vpop (xrf1)  }
0x47: {  	(xrf1) =	vsort.dscd.msk.f32 $0xffff, v27, v27;
	v4 =	vmax.f32 v6, v4  }
0x48: {  	(xrf1) =	vsort.dscd.msk.f32 $0xffff, v29, v29  }
0x49: {  	(xrf1) =	vsort.dscd.msk.f32 $0xffff, v4, v4  }
0x4a: {  	v4, _, _ =	vpop (xrf1)  }
0x4b: {  	v4 =	vperm.xlane v4, v0;
	v6, _, _ =	vpop (xrf1)  }
0x4c: {  	v9, _, _ =	vpop (xrf1)  }
0x4d: {  	v6 =	vperm.xlane v6, v0;
	v4 =	vmax.f32 v9, v4  }
0x4e: {  	v9, _, _ =	vpop (xrf1);
	(xrf1) =	vsort.dscd.msk.f32 $0xffff, v4, v4  }
0x4f: {  	v4 =	vmax.f32 v9, v6;
	v13, _, _ =	vpop (xrf1)  }
0x50: {  	(xrf1) =	vsort.dscd.msk.f32 $0xffff, v4, v4;
	v4 =	vbroadcast v13, $0x0;
	_ =	sdelay $0x1  }
0x51: {  	v6 =	vsub.f32 v12, v4  }
0x52: {  	v9, _, _ =	vpop (xrf1);
	v14 =	vsub.f32 v11, v4  }
0x53: {  	v9 =	vperm.xlane v9, v0;
	v17, _, _ =	vpop (xrf1);
	v6 =	vmul.f32 $1.442695020e+00, v6  }
0x54: {  	v17 =	vperm.xlane v17, v0;
	v22, _, _ =	vpop (xrf1);
	v14 =	vmul.f32 $1.442695020e+00, v14  }
0x55: {  	v18 =	vsub.f32 v10, v4;
	v23, _, _ =	vpop (xrf1);
	v9 =	vmax.f32 v22, v9;
	(erf) = vpow2.f32 v6  }
0x56: {  	v4 =	vsub.f32 v5, v4;
	(xrf1) =	vsort.dscd.msk.f32 $0xffff, v9, v9;
	v22, _, _ =	vpop (xrf1);
	(erf) = vpow2.f32 v14;
	v14 =	vmax.f32 v23, v17  }
0x57: {  	s26 =	simm.s32 $0x280;
	v18 =	vmul.f32 $1.442695020e+00, v18;
	(xrf1) =	vsort.dscd.msk.f32 $0xffff, v14, v14;
	v14 =	vbroadcast v22, $0x0  }
0x58: {  	v4 =	vmul.f32 $1.442695020e+00, v4;
	v6 =	vld [tilespmem:s26+$0x30]  }
0x59: {  	v9 =	vld [tilespmem:s26+$0x10];
	(erf) = vpow2.f32 v18;
	v23 =	vsub.f32 v7, v14  }
0x5a: {  	v17 =	vld [tilespmem:s26+$0x20];
	(erf) = vpow2.f32 v4;
	v18 =	vsub.f32 v8, v14  }
0x5b: {  	v24 =	vld [tilespmem:s26+$0x0];
	v25, _, _ =	vpop (xrf1)  }
0x5c: {  	v18 =	vmul.f32 $1.442695020e+00, v18;
	v25 =	vperm.xlane v25, v0  }
0x5d: {  	(xrf1) =	vsort.dscd.msk.f32 $0xffff, v6, v6;
	v26 =	vmul.f32 $1.442695020e+00, v23;
	v23, _, _ =	vpop (xrf1)  }
0x5e: {  	(xrf1) =	vsort.dscd.msk.f32 $0xffff, v9, v9;
	(erf) = vpow2.f32 v18;
	v18 =	vmax.f32 v23, v25  }
0x5f: {  	v13 =	vbroadcast v13, $0x7;
	v4 =	vld [tilespmem:s26+$0xFFFFFFB0];
	v34 =	vsub.f32 v3, v14;
	(xrf1) =	vsort.dscd.msk.f32 $0xffff, v17, v17  }
0x60: {  	(xrf1) =	vsort.dscd.msk.f32 $0xffff, v24, v24;
	v30 =	vpop (erf)  }
0x61: {  	vm0 =	vge.f32 v12, v13;
	vm4 =	vge.f32 v10, v13;
	v10 =	vmul.f32 $1.442695020e+00, v34;
	(xrf1) =	vsort.dscd.msk.f32 $0xffff, v18, v18;
	v18 =	vpop (erf)  }
0x62: {  	vm1 =	vge.f32 v11, v13;
	vm2 =	vge.f32 v5, v13;
	(erf) = vpow2.f32 v26;
	v11 =	vpop (erf)  }
0x63: {  	v14 =	vsub.f32 v2, v14;
	v23 =	vld [tilespmem:s26+$0xFFFFFF90];
	v32 =	vnsel vm0, $0x0, v30;
	v5 =	vpop (erf);
	(erf) = vpow2.f32 v10  }
0x64: {  	(xrf1) =	vsort.dscd.msk.f32 $0xffff, v4, v4;
	v31 =	vnsel vm1, $0x0, v18;
	v30 =	vnsel vm4, $0x0, v11;
	v33 =	vnsel vm2, $0x0, v5  }
0x65: {  	v25 =	vld [tilespmem:s26+$0xFFFFFFA0];
	v11 =	vadd.f32 v31, v32;
	v12 =	vadd.f32 v33, v30;
	_ =	sdelay $0x1  }
0x66: {  	v13 =	vmul.f32 $1.442695020e+00, v14;
	v14, _, _ =	vpop (xrf1);
	v5 =	vld [tilespmem:s26+$0xFFFFFF80];
	v11 =	vadd.f32 v12, v11  }
0x67: {  	(xrf1) =	vsort.dscd.msk.f32 $0xffff, v23, v23;
	v10 =	vperm.xlane v14, v0  }
0x68: {  	v12, _, _ =	vpop (xrf1);
	(xrf2) =	vadd.scan.msk.f32 $0xffff, v11  }
0x69: {  	v22 =	vbroadcast v22, $0x7;
	(xrf1) =	vsort.dscd.msk.f32 $0xffff, v25, v25;
	v14 =	vpop (erf);
	v10 =	vmax.f32 v12, v10  }
0x6a: {  	v11 =	vpop (erf)  }
0x6b: {  	vm6 =	vge.f32 v7, v22;
	(xrf1) =	vsort.dscd.msk.f32 $0xffff, v5, v5;
	v7 =	vpop (erf)  }
0x6c: {  	(erf) = vpow2.f32 v13;
	(xrf1) =	vsort.dscd.msk.f32 $0xffff, v10, v10;
	v10, _, _ =	vpop (xrf1)  }
0x6d: {  	v10 =	vperm.xlane v10, v0;
	v12, _, _ =	vpop (xrf1)  }
0x6e: {  	v12 =	vperm.xlane v12, v0;
	v13, _, _ =	vpop (xrf1)  }
0x6f: {  	v10 =	vmax.f32 v13, v10;
	v13, _, _ =	vpop (xrf1)  }
0x70: {  	vm5 =	vge.f32 v8, v22;
	v12 =	vmax.f32 v13, v12;
	v13, _, _ =	vpop (xrf1)  }
0x71: {  	vm7 =	vge.f32 v3, v22;
	(xrf1) =	vsort.dscd.msk.f32 $0xffff, v10, v10;
	v10 =	vnsel vm6, $0x0, v11;
	v8, _, _ =	vpop (xrf1);
	v11 =	vbroadcast v13, $0x0  }
0x72: {  	vm8 =	vge.f32 v2, v22;
	v18 =	vnsel vm5, $0x0, v14;
	v2 =	vnsel vm7, $0x0, v7;
	v14, _, _ =	vpop (xrf2)  }
0x73: {  	v7 =	vperm.xlane v8, v0;
	v8 =	vsub.f32 v21, v11;
	v14 =	vbroadcast v14, $0xF  }
0x74: {  	(xrf1) =	vsort.dscd.msk.f32 $0xffff, v12, v12  }
0x75: {  	v3 =	vpop (erf);
	v8 =	vmul.f32 $1.442695020e+00, v8  }
0x76: {  	v3 =	vnsel vm8, $0x0, v3;
	v22, _, _ =	vpop (xrf1)  }
0x77: {  	v26 =	vsub.f32 v20, v11;
	v22 =	vperm.xlane v22, v0;
	(erf) = vrcp.f32 v14;
	v14, _, _ =	vpop (xrf1)  }
0x78: {  	v57 =	vsub.f32 v19, v11;
	v11 =	vsub.f32 v16, v11;
	v14 =	vmax.f32 v14, v7  }
0x79: {  	s28 =	simm.s32 $0x380;
	v35 =	vadd.f32 v3, v2;
	v26 =	vmul.f32 $1.442695020e+00, v26;
	(erf) = vpow2.f32 v8;
	v8, _, _ =	vpop (xrf1);
	(xrf1) =	vsort.dscd.msk.f32 $0xffff, v14, v14  }
0x7a: {  	v12 =	vadd.f32 v10, v18;
	v34 =	vmul.f32 $1.442695020e+00, v57;
	v11 =	vmul.f32 $1.442695020e+00, v11;
	v7 =	vld [tilespmem:s28+$0x30];
	v36, _, _ =	vpop (xrf1)  }
0x7b: {  	(erf) = vpow2.f32 v26;
	v14 =	vld [tilespmem:s28+$0x10];
	v8 =	vmax.f32 v8, v22;
	v22 =	vbroadcast v36, $0x0  }
0x7c: {  	v26 =	vadd.f32 v35, v12;
	(erf) = vpow2.f32 v34;
	(xrf1) =	vsort.dscd.msk.f32 $0xffff, v8, v8  }
0x7d: {  	(erf) = vpow2.f32 v11;
	v8 =	vld [tilespmem:s28+$0x20];
	v11 =	vsub.f32 v29, v22  }
0x7e: {  	v12 =	vld [tilespmem:s28+$0x0];
	(xrf2) =	vadd.scan.msk.f32 $0xffff, v26  }
0x7f: {  	v58 =	vsub.f32 v28, v22;
	(xrf1) =	vsort.dscd.msk.f32 $0xffff, v7, v7;
	v59, _, _ =	vpop (xrf1);
	v11 =	vmul.f32 $1.442695020e+00, v11  }
0x80: {  	v26 =	vld [tilespmem:s28+$0xFFFFFFB0];
	(xrf1) =	vsort.dscd.msk.f32 $0xffff, v14, v14;
	v35 =	vperm.xlane v59, v0  }
0x81: {  	v38 =	vpop (erf);
	v34 =	vmul.f32 $1.442695020e+00, v58;
	(erf) = vpow2.f32 v11;
	v11 =	vld [tilespmem:s28+$0xFFFFFF90]  }
0x82: {  	v60 =	vbroadcast v13, $0x7;
	v13 =	vld [tilespmem:s28+$0xFFFFFFA0];
	v40 =	vsub.f32 v27, v22;
	v37, _, _ =	vpop (xrf1);
	(xrf1) =	vsort.dscd.msk.f32 $0xffff, v8, v8  }
0x83: {  	v39 =	vpop (erf);
	(xrf1) =	vsort.dscd.msk.f32 $0xffff, v12, v12;
	v35 =	vmax.f32 v37, v35;
	(erf) = vpow2.f32 v34  }
0x84: {  	vm9 =	vge.f32 v21, v60;
	vm10 =	vge.f32 v20, v60;
	v63 =	vmul.f32 $1.442695020e+00, v40;
	v61 =	vpop (erf);
	(xrf1) =	vsort.dscd.msk.f32 $0xffff, v35, v35  }
0x85: {  	vm11 =	vge.f32 v19, v60;
	vm12 =	vge.f32 v16, v60;
	v21 =	vpop (erf);
	(xrf1) =	vsort.dscd.msk.f32 $0xffff, v26, v26  }
0x86: {  	v62 =	vsub.f32 v15, v22;
	v22 =	vnsel vm9, $0x0, v39;
	v16 =	vpop (erf);
	(erf) = vpow2.f32 v63;
	(xrf1) =	vsort.dscd.msk.f32 $0xffff, v11, v11  }
0x87: {  	v19 =	vnsel vm10, $0x0, v61;
	v21 =	vnsel vm11, $0x0, v21;
	v16 =	vnsel vm12, $0x0, v16;
	v41, _, _ =	vpop (xrf1);
	(xrf1) =	vsort.dscd.msk.f32 $0xffff, v13, v13  }
0x88: {  	v20 =	vld [tilespmem:s28+$0xFFFFFF80];
	v44 =	vadd.f32 v19, v22;
	v45 =	vadd.f32 v16, v21  }
0x89: {  	v49 =	vbroadcast v36, $0x7;
	v46, _, _ =	vpop (xrf2)  }
0x8a: {  	v37 =	vadd.f32 v45, v44;
	v47, _, _ =	vpop (xrf1)  }
0x8b: {  	vm15 =	vge.f32 v27, v49;
	v27 =	vperm.xlane v41, v0;
	v48 =	vpop (erf)  }
0x8c: {  	vm14 =	vge.f32 v28, v49;
	(xrf2) =	vadd.scan.msk.f32 $0xffff, v37;
	v50 =	vpop (erf)  }
0x8d: {  	v35 =	vmul.f32 $1.442695020e+00, v62;
	v28 =	vbroadcast v46, $0xF;
	(xrf1) =	vsort.dscd.msk.f32 $0xffff, v20, v20;
	v34 =	vmax.f32 v47, v27;
	v52, _, _ =	vpop (xrf1)  }
0x8e: {  	vm13 =	vge.f32 v29, v49;
	v51 =	vmul.f32 v38, v1;
	v29, _, _ =	vpop (xrf1);
	(xrf1) =	vsort.dscd.msk.f32 $0xffff, v34, v34  }
0x8f: {  	(erf) = vpow2.f32 v35;
	v56 =	vpop (erf)  }
0x90: {  	v31 =	vmul.f32 v51, v31;
	v30 =	vmul.f32 v51, v30;
	v53, _, _ =	vpop (xrf1)  }
0x91: {  	(erf) = vrcp.f32 v28;
	v55 =	vperm.xlane v52, v0;
	v28, _, _ =	vpop (xrf1)  }
0x92: {  	v54 =	vmul.f32 v51, v32;
	v29 =	vperm.xlane v29, v0;
	v32, _, _ =	vpop (xrf1)  }
0x93: {  	vm3 =	vge.f32 v15, v49;
	[tilespmem:s24+$0x10] =	vst v31;
	v36 =	vmax.f32 v53, v55;
	v57, _, _ =	vpop (xrf1)  }
0x94: {  	v33 =	vmul.f32 v51, v33;
	[tilespmem:s24+$0x20] =	vst v30;
	v59 =	vmax.f32 v28, v29;
	(xrf1) =	vsort.dscd.msk.f32 $0xffff, v36, v36;
	v31, _, _ =	vpop (xrf1)  }
0x95: {  	v15 =	vnsel vm13, $0x0, v48;
	v27 =	vnsel vm14, $0x0, v50;
	v58 =	vbroadcast v32, $0x0;
	v30, _, _ =	vpop (xrf1);
	(xrf1) =	vsort.dscd.msk.f32 $0xffff, v59, v59  }
0x96: {  	[tilespmem:s24+$0x30] =	vst v33;
	v33 =	vadd.f32 v27, v15;
	v28 =	vnsel vm15, $0x0, v56;
	v62, _, _ =	vpop (xrf2)  }
0x97: {  	v61 =	vsub.f32 v24, v58;
	v63 =	vsub.f32 v9, v58;
	v37 =	vbroadcast v62, $0xF  }
0x98: {  	v60 =	vperm.xlane v57, v0;
	v29 =	vpop (erf);
	v43 =	vsub.f32 v17, v58;
	v38 =	vsub.f32 v6, v58  }
0x99: {  	v29 =	vnsel vm3, $0x0, v29;
	v31 =	vperm.xlane v31, v0;
	v42 =	vmul.f32 $1.442695020e+00, v61  }
0x9a: {  	v35 =	vmul.f32 $1.442695020e+00, v63;
	(erf) = vrcp.f32 v37;
	v39 =	vmax.f32 v30, v60;
	v30 =	vpop (erf)  }
0x9b: {  	s29 =	simm.s32 $0x6;
	s30 =	simm.s32 $0x480;
	[tilespmem:s24+$0x0] =	vst v54;
	v34 =	vadd.f32 v29, v28;
	v36 =	vmul.f32 $1.442695020e+00, v43;
	(erf) = vpow2.f32 v42;
	v37, _, _ =	vpop (xrf1)  }
.LBB2_2:
0x9c: {  	v37 =	vmax.f32 v37, v31;
	(xrf1) =	vsort.dscd.msk.f32 $0xffff, v39, v39;
	v38 =	vmul.f32 $1.442695020e+00, v38;
	v39, _, _ =	vpop (xrf1);
	(erf) = vpow2.f32 v35  }
0x9d: {  	v40 =	vld [tilespmem:s30+$0x30];
	v31 =	vmovc v27;
	v27 =	vmovc v2;
	v2 =	vmov v28;
	v28 =	vmov v3;
	v3 =	vmov v29  }
0x9e: {  	v33 =	vadd.f32 v34, v33;
	v29 =	vld [tilespmem:s30+$0x10];
	(xrf1) =	vsort.dscd.msk.f32 $0xffff, v37, v37;
	v35 =	vbroadcast v39, $0x0;
	(erf) = vpow2.f32 v36  }
0x9f: {  	v36 =	vbroadcast v39, $0x7;
	v34 =	vld [tilespmem:s30+$0x20];
	(erf) = vpow2.f32 v38  }
0xa0: {  	v30 =	vmul.f32 v30, v1;
	v37 =	vld [tilespmem:s30+$0x0];
	v38 =	vsub.f32 v5, v35;
	v39 =	vsub.f32 v23, v35;
	(xrf2) =	vadd.scan.msk.f32 $0xffff, v33  }
0xa1: {  	s29 =	sadd.s32 $0x2, s29;
	vm3 =	vge.f32 v5, v36;
	v33 =	vsub.f32 v25, v35;
	v35 =	vsub.f32 v4, v35;
	v5 =	vmovc v20;
	v41 =	vld [tilespmem:s30+$0xFFFFFFB0]  }
0xa2: {  	p0 =	slt.u32 s29, $0x7E;
	vm2 =	vge.f32 v23, v36;
	v42 =	vld [tilespmem:s30+$0xFFFFFF90];
	(xrf1) =	vsort.dscd.msk.f32 $0xffff, v40, v40;
	v20, _, _ =	vpop (xrf1);
	v38 =	vmul.f32 $1.442695020e+00, v38;
	v23 =	vmul.f32 $1.442695020e+00, v39  }
0xa3: {  	vm1 =	vge.f32 v25, v36;
	v25 =	vmul.f32 $1.442695020e+00, v33;
	v39 =	vld [tilespmem:s30+$0xFFFFFFA0];
	(xrf1) =	vsort.dscd.msk.f32 $0xffff, v29, v29;
	v43 =	vperm.xlane v20, v0;
	v44, _, _ =	vpop (xrf1)  }
0xa4: {  	vm0 =	vge.f32 v4, v36;
	v33 =	vmul.f32 $1.442695020e+00, v35;
	v20 =	vld [tilespmem:s30+$0xFFFFFF80];
	(xrf1) =	vsort.dscd.msk.f32 $0xffff, v34, v34;
	(erf) = vpow2.f32 v38;
	v4 =	vpop (erf)  }
0xa5: {  	v32 =	vbroadcast v32, $0x7;
	(xrf1) =	vsort.dscd.msk.f32 $0xffff, v37, v37;
	v35 =	vmax.f32 v44, v43;
	v36 =	vpop (erf);
	v38 =	vmul.f32 v4, v1  }
0xa6: {  	v18 =	vmul.f32 v30, v18;
	v4 =	vmov v26;
	(xrf1) =	vsort.dscd.msk.f32 $0xffff, v35, v35;
	(erf) = vpow2.f32 v23;
	v23 =	vpop (erf)  }
0xa7: {  	vm4 =	vge.f32 v24, v32;
	vm5 =	vge.f32 v9, v32;
	v9 =	vpop (erf);
	v24 =	vmul.f32 v38, v16  }
0xa8: {  	vm6 =	vge.f32 v6, v32;
	v35 =	vnsel vm4, $0x0, v36;
	vm4 =	vge.f32 v17, v32;
	(xrf1) =	vsort.dscd.msk.f32 $0xffff, v41, v41;
	v6 =	vpop (erf)  }
0xa9: {  	v36 =	vnsel vm5, $0x0, v23;
	v43 =	vnsel vm4, $0x0, v9;
	v16 =	vnsel vm6, $0x0, v6;
	[tilespmem:s25+$0x30] =	vst v24;
	v6 =	vmovc v7;
	v7 =	vmovc v40  }
0xaa: {  	v10 =	vmul.f32 v30, v10;
	v17 =	vadd.f32 v36, v35;
	v26 =	vadd.f32 v16, v43;
	v9, _, _ =	vpop (xrf2);
	[tilespmem:s24+$0xFFFFFF80] =	vst v18  }
0xab: {  	v24 =	vmul.f32 v30, v27;
	(xrf1) =	vsort.dscd.msk.f32 $0xffff, v42, v42;
	v18, _, _ =	vpop (xrf1);
	v32 =	vbroadcast v9, $0xF;
	v9 =	vmov v14  }
0xac: {  	(xrf1) =	vsort.dscd.msk.f32 $0xffff, v39, v39;
	v27 =	vperm.xlane v18, v0;
	v18, _, _ =	vpop (xrf1);
	v26 =	vadd.f32 v26, v17;
	(erf) = vpow2.f32 v25  }
0xad: {  	v22 =	vmul.f32 v38, v22;
	(xrf1) =	vsort.dscd.msk.f32 $0xffff, v20, v20;
	v23 =	vpop (erf);
	[tilespmem:s24+$0xFFFFFF90] =	vst v10;
	v10 =	vmul.f32 v30, v28  }
0xae: {  	v14 =	vmovc v29;
	v18 =	vmax.f32 v18, v27;
	v30 =	vnsel vm3, $0x0, v23;
	(erf) = vpow2.f32 v33;
	(xrf2) =	vadd.scan.msk.f32 $0xffff, v26  }
0xaf: {  	(xrf1) =	vsort.dscd.msk.f32 $0xffff, v18, v18;
	v17 =	vpop (erf);
	v18 =	vmul.f32 v38, v19;
	v19 =	vmul.f32 v38, v21;
	[tilespmem:s24+$0xFFFFFFA0] =	vst v24  }
0xb0: {  	v21, _, _ =	vpop (xrf1);
	v27 =	vnsel vm2, $0x0, v17;
	[tilespmem:s24+$0xFFFFFFB0] =	vst v10;
	v17 =	vmov v8;
	v8 =	vmov v34;
	s24 =	smov.u32 s25;
	s25 =	smov.u32 s26;
	s26 =	smov.u32 s28  }
0xb1: {  	v24 =	vmov v12;
	s28 =	smov.u32 s30;
	v10 =	vperm.xlane v21, v0;
	v21, _, _ =	vpop (xrf1);
	v33 =	vadd.f32 v27, v30;
	[tilespmem:s24+$0x0] =	vst v22  }
0xb2: {  	v12 =	vmov v37;
	v26 =	vmov v41;
	v21 =	vperm.xlane v21, v0;
	v22, _, _ =	vpop (xrf1);
	[tilespmem:s24+$0x10] =	vst v18  }
0xb3: {  	v23 =	vmov v11;
	v28 =	vmax.f32 v22, v10;
	v18, _, _ =	vpop (xrf1);
	[tilespmem:s24+$0x20] =	vst v19;
	(erf) = vrcp.f32 v32  }
0xb4: {  	v25 =	vmov v13;
	v11 =	vmov v42;
	v29 =	vmax.f32 v18, v21;
	(xrf1) =	vsort.dscd.msk.f32 $0xffff, v28, v28;
	v32, _, _ =	vpop (xrf1)  }
0xb5: {  	v13 =	vmov v39;
	v22 =	vmov v35;
	v19 =	vmov v36;
	(xrf1) =	vsort.dscd.msk.f32 $0xffff, v29, v29;
	v10 =	vpop (erf)  }
0xb6: {  	v36 =	vbroadcast v32, $0x0;
	v18, _, _ =	vpop (xrf1);
	v28 =	vnsel vm1, $0x0, v10;
	v21 =	vmov v43  }
0xb7: {  	v39 =	vperm.xlane v18, v0;
	v10 =	vpop (erf);
	v18 =	vmov v15;
	v15 =	vmov v30  }
.Ltmp0:
0xb8: {  	v30 =	vsub.f32 v24, v36;
	v29 =	vnsel vm0, $0x0, v10;
	v35, _, _ =	vpop (xrf2);
	v10 =	vmov v31;
	(pc) =	sbr.rel @p0 .LBB2_2-.Ltmp0, $4  }
0xb9: {  	v38 =	vsub.f32 v9, v36;
	v31, _, _ =	vpop (xrf1);
	v34 =	vadd.f32 v29, v28;
	v40 =	vbroadcast v35, $0xF  }
0xba: {  	v42 =	vsub.f32 v17, v36;
	v43 =	vmul.f32 $1.442695020e+00, v30;
	v31 =	vperm.xlane v31, v0;
	v41, _, _ =	vpop (xrf1)  }
0xbb: {  	v35 =	vmul.f32 $1.442695020e+00, v38;
	v38 =	vsub.f32 v6, v36;
	v37, _, _ =	vpop (xrf1);
	(erf) = vrcp.f32 v40  }
0xbc: {  	s30 =	sadd.s32 $0x100, s30;
	v36 =	vmul.f32 $1.442695020e+00, v42;
	v39 =	vmax.f32 v41, v39;
	(erf) = vpow2.f32 v43;
	v30 =	vpop (erf)  }
0xbd: {  	(xrf1) =	vsort.dscd.msk.f32 $0xffff, v39, v39  }
0xbe: {  	v31 =	vmax.f32 v37, v31  }
0xbf: {  	v38 =	vmul.f32 $1.442695020e+00, v38;
	(erf) = vpow2.f32 v35;
	(xrf1) =	vsort.dscd.msk.f32 $0xffff, v31, v31  }
0xc0: {  	(erf) = vpow2.f32 v36  }
0xc1: {  	(erf) = vpow2.f32 v38;
	_ =	sdelay $0x1  }
0xc2: {  	v31, _, _ =	vpop (xrf1)  }
0xc3: {  	v42, _, _ =	vpop (xrf1)  }
0xc4: {  	v43, _, _ =	vpop (xrf1)  }
0xc5: {  	v35 =	vperm.xlane v42, v0;
	v37 =	vpop (erf)  }
0xc6: {  	v32 =	vbroadcast v32, $0x7;
	v44 =	vpop (erf)  }
0xc7: {  	v33 =	vadd.f32 v34, v33;
	v35 =	vmax.f32 v43, v35;
	v45 =	vpop (erf)  }
0xc8: {  	vm0 =	vge.f32 v24, v32;
	vm1 =	vge.f32 v9, v32;
	(xrf1) =	vsort.dscd.msk.f32 $0xffff, v35, v35;
	v24 =	vpop (erf)  }
0xc9: {  	vm12 =	vge.f32 v17, v32;
	vm2 =	vge.f32 v6, v32;
	v9 =	vnsel vm0, $0x0, v44;
	v46 =	vpop (erf)  }
0xca: {  	v17 =	vnsel vm1, $0x0, v45;
	v6 =	vnsel vm12, $0x0, v24;
	v24 =	vnsel vm2, $0x0, v46;
	v49, _, _ =	vpop (xrf1)  }
0xcb: {  	v47 =	vadd.f32 v17, v9;
	v48 =	vadd.f32 v24, v6;
	v34 =	vperm.xlane v49, v0  }
0xcc: {  	v50, _, _ =	vpop (xrf1)  }
0xcd: {  	(xrf2) =	vadd.scan.msk.f32 $0xffff, v33;
	v32 =	vadd.f32 v48, v47;
	v33 =	vmax.f32 v50, v34  }
0xce: {  	(xrf1) =	vsort.dscd.msk.f32 $0xffff, v33, v33  }
0xcf: {  	(xrf2) =	vadd.scan.msk.f32 $0xffff, v32  }
0xd0: {  	v51 =	vbroadcast v31, $0x0;
	_ =	sdelay $0x1  }
0xd1: {  	v52 =	vsub.f32 v5, v51  }
0xd2: {  	v53 =	vsub.f32 v23, v51;
	v54 =	vsub.f32 v25, v51  }
0xd3: {  	v31 =	vbroadcast v31, $0x7;
	v32 =	vsub.f32 v4, v51;
	v33 =	vmul.f32 $1.442695020e+00, v52  }
0xd4: {  	v35 =	vmul.f32 $1.442695020e+00, v54;
	v34 =	vmul.f32 $1.442695020e+00, v53  }
0xd5: {  	v32 =	vmul.f32 $1.442695020e+00, v32;
	(erf) = vpow2.f32 v33;
	v55, _, _ =	vpop (xrf1)  }
0xd6: {  	v57, _, _ =	vpop (xrf2);
	(erf) = vpow2.f32 v34;
	v56 =	vbroadcast v55, $0x0  }
0xd7: {  	v34 =	vbroadcast v57, $0xF;
	(erf) = vpow2.f32 v35  }
0xd8: {  	(erf) = vpow2.f32 v32;
	v58 =	vsub.f32 v12, v56;
	v60 =	vsub.f32 v14, v56;
	v59, _, _ =	vpop (xrf2)  }
0xd9: {  	(erf) = vrcp.f32 v34;
	v62 =	vsub.f32 v8, v56;
	v38 =	vbroadcast v59, $0xF  }
0xda: {  	v61 =	vmul.f32 $1.442695020e+00, v58;
	v32 =	vmul.f32 $1.442695020e+00, v60  }
0xdb: {  	v33 =	vsub.f32 v7, v56;
	v35 =	vmul.f32 $1.442695020e+00, v62;
	(erf) = vrcp.f32 v38;
	v63, _, _ =	vpop (xrf1)  }
0xdc: {  	(erf) = vpow2.f32 v61;
	v41 =	vbroadcast v63, $0x0  }
0xdd: {  	v33 =	vmul.f32 $1.442695020e+00, v33;
	(erf) = vpow2.f32 v32  }
0xde: {  	vm14 =	vge.f32 v23, v31;
	(erf) = vpow2.f32 v35;
	v23 =	vsub.f32 v20, v41  }
0xdf: {  	vm13 =	vge.f32 v5, v31;
	v5 =	vpop (erf);
	(erf) = vpow2.f32 v33  }
0xe0: {  	v36 =	vbroadcast v55, $0x7;
	v42 =	vpop (erf);
	v23 =	vmul.f32 $1.442695020e+00, v23  }
0xe1: {  	vm15 =	vge.f32 v25, v31;
	vm3 =	vge.f32 v4, v31;
	v25 =	vpop (erf)  }
0xe2: {  	vm4 =	vge.f32 v12, v36;
	vm5 =	vge.f32 v14, v36;
	v43 =	vpop (erf);
	v4 =	vsub.f32 v11, v41  }
0xe3: {  	vm6 =	vge.f32 v8, v36;
	vm7 =	vge.f32 v7, v36;
	v44 =	vpop (erf);
	v31 =	vsub.f32 v13, v41  }
0xe4: {  	v32 =	vsub.f32 v26, v41;
	v4 =	vmul.f32 $1.442695020e+00, v4;
	(erf) = vpow2.f32 v23;
	v23 =	vpop (erf)  }
0xe5: {  	v5 =	vnsel vm13, $0x0, v5;
	v25 =	vnsel vm15, $0x0, v25;
	v31 =	vmul.f32 $1.442695020e+00, v31;
	v45 =	vpop (erf)  }
0xe6: {  	v35 =	vnsel vm3, $0x0, v43;
	v32 =	vmul.f32 $1.442695020e+00, v32;
	(erf) = vpow2.f32 v4;
	v41 =	vpop (erf)  }
0xe7: {  	v33 =	vnsel vm14, $0x0, v42;
	v40 =	vadd.f32 v35, v25;
	(erf) = vpow2.f32 v31;
	v12 =	vpop (erf)  }
0xe8: {  	v4 =	vadd.f32 v33, v5;
	(erf) = vpow2.f32 v32;
	v14 =	vnsel vm4, $0x0, v45;
	v7 =	vpop (erf)  }
0xe9: {  	v8 =	vnsel vm5, $0x0, v41;
	v12 =	vnsel vm6, $0x0, v12;
	v7 =	vnsel vm7, $0x0, v7  }
0xea: {  	v31 =	vadd.f32 v8, v14;
	v46 =	vadd.f32 v7, v12  }
0xeb: {  	v4 =	vadd.f32 v40, v4  }
0xec: {  	v31 =	vadd.f32 v46, v31;
	_ =	sdelay $0x2  }
0xed: {  	v47 =	vbroadcast v63, $0x7;
	(xrf2) =	vadd.scan.msk.f32 $0xffff, v4;
	v4 =	vpop (erf)  }
0xee: {  	(xrf2) =	vadd.scan.msk.f32 $0xffff, v31;
	v31 =	vpop (erf)  }
0xef: {  	vm8 =	vge.f32 v20, v47;
	vm9 =	vge.f32 v11, v47;
	v11 =	vpop (erf)  }
0xf0: {  	vm10 =	vge.f32 v13, v47;
	vm11 =	vge.f32 v26, v47;
	v4 =	vnsel vm8, $0x0, v4;
	v13 =	vpop (erf)  }
0xf1: {  	v20 =	vnsel vm9, $0x0, v31;
	v11 =	vnsel vm10, $0x0, v11;
	v13 =	vnsel vm11, $0x0, v13  }
0xf2: {  	v26 =	vadd.f32 v20, v4;
	v31 =	vadd.f32 v13, v11;
	_ =	sdelay $0x1  }
0xf3: {  	v26 =	vadd.f32 v31, v26  }
0xf4: {  	v30 =	vmul.f32 v30, v1;
	_ =	sdelay $0x1  }
0xf5: {  	v10 =	vmul.f32 v30, v10;
	v31 =	vmul.f32 v37, v1;
	(xrf2) =	vadd.scan.msk.f32 $0xffff, v26  }
0xf6: {  	v2 =	vmul.f32 v30, v2;
	v26, _, _ =	vpop (xrf2)  }
0xf7: {  	[tilespmem:s24+$0xFFFFFF90] =	vst v10;
	v16 =	vmul.f32 v31, v16;
	v26 =	vbroadcast v26, $0xF  }
0xf8: {  	v3 =	vmul.f32 v30, v3;
	[tilespmem:s24+$0xFFFFFFA0] =	vst v2;
	v10 =	vmul.f32 v31, v22;
	v48, _, _ =	vpop (xrf2)  }
0xf9: {  	[tilespmem:s25+$0x30] =	vst v16;
	v16 =	vbroadcast v48, $0xF;
	(erf) = vrcp.f32 v26  }
0xfa: {  	[tilespmem:s24+$0xFFFFFFB0] =	vst v3;
	v3 =	vmul.f32 v23, v1;
	v2 =	vmul.f32 v31, v19  }
0xfb: {  	[tilespmem:s25+$0x0] =	vst v10;
	(erf) = vrcp.f32 v16;
	v16 =	vmul.f32 v31, v21  }
0xfc: {  	v10 =	vmul.f32 v44, v1;
	[tilespmem:s25+$0x10] =	vst v2;
	v2 =	vmul.f32 v3, v24;
	_ =	sdelay $0x1  }
0xfd: {  	v15 =	vmul.f32 v10, v15;
	[tilespmem:s26+$0x30] =	vst v2  }
0xfe: {  	v18 =	vmul.f32 v30, v18;
	v2 =	vmul.f32 v10, v27;
	[tilespmem:s25+$0x20] =	vst v16;
	v16, _, _ =	vpop (xrf2)  }
0xff: {  	v9 =	vmul.f32 v3, v9;
	[tilespmem:s25+$0xFFFFFF80] =	vst v15;
	v16 =	vbroadcast v16, $0xF  }
0x100: {  	v15 =	vmul.f32 v10, v28;
	[tilespmem:s25+$0xFFFFFF90] =	vst v2;
	v2 =	vmul.f32 v10, v29  }
0x101: {  	[tilespmem:s24+$0xFFFFFF80] =	vst v18;
	(erf) = vrcp.f32 v16;
	v16 =	vmul.f32 v3, v17;
	v10 =	vpop (erf)  }
0x102: {  	[tilespmem:s26+$0x0] =	vst v9;
	v3 =	vmul.f32 v3, v6;
	v6 =	vmul.f32 v10, v1  }
0x103: {  	[tilespmem:s25+$0xFFFFFFA0] =	vst v15  }
0x104: {  	v15 =	vpop (erf);
	[tilespmem:s26+$0x20] =	vst v3;
	v3 =	vmul.f32 v6, v5  }
0x105: {  	[tilespmem:s25+$0xFFFFFFB0] =	vst v2;
	v2 =	vmul.f32 v15, v1  }
0x106: {  	v5 =	vmul.f32 v6, v33;
	[tilespmem:s26+$0xFFFFFF80] =	vst v3;
	v3 =	vmul.f32 v6, v25  }
0x107: {  	[tilespmem:s26+$0x10] =	vst v16;
	v7 =	vmul.f32 v2, v7  }
0x108: {  	[tilespmem:s26+$0xFFFFFF90] =	vst v5  }
0x109: {  	v5 =	vmul.f32 v6, v35;
	[tilespmem:s28+$0x30] =	vst v7  }
0x10a: {  	v6 =	vmul.f32 v2, v14;
	[tilespmem:s26+$0xFFFFFFA0] =	vst v3;
	v3 =	vpop (erf)  }
0x10b: {  	v7 =	vmul.f32 v2, v8;
	[tilespmem:s26+$0xFFFFFFB0] =	vst v5;
	v3 =	vmul.f32 v3, v1  }
0x10c: {  	v2 =	vmul.f32 v2, v12;
	[tilespmem:s28+$0x0] =	vst v6  }
0x10d: {  	[tilespmem:s28+$0x10] =	vst v7;
	v4 =	vmul.f32 v3, v4  }
0x10e: {  	[tilespmem:s28+$0x20] =	vst v2;
	v2 =	vmul.f32 v3, v20  }
0x10f: {  	[tilespmem:s28+$0xFFFFFF80] =	vst v4;
	v4 =	vmul.f32 v3, v11  }
0x110: {  	[tilespmem:s28+$0xFFFFFF90] =	vst v2;
	v2 =	vmul.f32 v3, v13  }
0x111: {  	[tilespmem:s28+$0xFFFFFFA0] =	vst v4  }
0x112: {  	[tilespmem:s28+$0xFFFFFFB0] =	vst v2  }
0x113: {  	[hbm4b:s8+s2] =	stream.linear.scatter [tilespmem:s2], [sflag:$0x5], $0x4000, $0x38;
	[tilespmem:$0x10080] =	vst v63  }
0x114: {  	_ =	swait.ge [sflag:s19], $0x4000  }
0x115: {  	[sflag:s19] =	ssyncset.done $0x0  }
0x116: {  	s24 =	simm.s32 $0x4000;
	[sflag:s19] =	ssyncadd.s32 $0xFFFFC000  }
0x117: {  	v5 =	vld [tilespmem:s24+$0xB0]  }
0x118: {  	v11 =	vld [tilespmem:s24+$0x90]  }
0x119: {  	v10 =	vld [tilespmem:s24+$0xA0]  }
0x11a: {  	v12 =	vld [tilespmem:s24+$0x80];
	_ =	sdelay $0x1  }
0x11b: {  	(xrf1) =	vsort.dscd.msk.f32 $0xffff, v5, v5  }
0x11c: {  	(xrf1) =	vsort.dscd.msk.f32 $0xffff, v11, v11  }
0x11d: {  	v2 =	vld [tilespmem:s24+$0x30];
	(xrf1) =	vsort.dscd.msk.f32 $0xffff, v10, v10  }
0x11e: {  	v7 =	vld [tilespmem:s24+$0x10];
	(xrf1) =	vsort.dscd.msk.f32 $0xffff, v12, v12  }
0x11f: {  	v3 =	vld [tilespmem:s24+$0x20];
	_ =	sdelay $0x1  }
0x120: {  	v8 =	vld [tilespmem:s24+$0x0]  }
0x121: {  	(xrf1) =	vsort.dscd.msk.f32 $0xffff, v2, v2  }
0x122: {  	(xrf1) =	vsort.dscd.msk.f32 $0xffff, v7, v7  }
0x123: {  	(xrf1) =	vsort.dscd.msk.f32 $0xffff, v3, v3;
	_ =	sdelay $0x1  }
0x124: {  	(xrf1) =	vsort.dscd.msk.f32 $0xffff, v8, v8;
	_ =	sdelay $0x2  }
0x125: {  	v4, _, _ =	vpop (xrf1)  }
0x126: {  	v4 =	vperm.xlane v4, v0;
	v6, _, _ =	vpop (xrf1)  }
0x127: {  	v9, _, _ =	vpop (xrf1);
	v6 =	vperm.xlane v6, v0  }
0x128: {  	v4 =	vmax.f32 v9, v4;
	v9, _, _ =	vpop (xrf1)  }
0x129: {  	(xrf1) =	vsort.dscd.msk.f32 $0xffff, v4, v4;
	v4 =	vmax.f32 v9, v6;
	_ =	sdelay $0x1  }
0x12a: {  	(xrf1) =	vsort.dscd.msk.f32 $0xffff, v4, v4  }
0x12b: {  	v4, _, _ =	vpop (xrf1)  }
0x12c: {  	v4 =	vperm.xlane v4, v0;
	v6, _, _ =	vpop (xrf1)  }
0x12d: {  	v9, _, _ =	vpop (xrf1)  }
0x12e: {  	v6 =	vperm.xlane v6, v0;
	v4 =	vmax.f32 v9, v4  }
0x12f: {  	s25 =	simm.s32 $0x4100;
	v9, _, _ =	vpop (xrf1);
	(xrf1) =	vsort.dscd.msk.f32 $0xffff, v4, v4  }
0x130: {  	v16 =	vld [tilespmem:s25+$0xB0];
	v4 =	vmax.f32 v9, v6  }
0x131: {  	v20 =	vld [tilespmem:s25+$0x90];
	(xrf1) =	vsort.dscd.msk.f32 $0xffff, v4, v4  }
0x132: {  	v19 =	vld [tilespmem:s25+$0xA0];
	_ =	sdelay $0x1  }
0x133: {  	v21 =	vld [tilespmem:s25+$0x80]  }
0x134: {  	(xrf1) =	vsort.dscd.msk.f32 $0xffff, v16, v16  }
0x135: {  	(xrf1) =	vsort.dscd.msk.f32 $0xffff, v20, v20;
	v4, _, _ =	vpop (xrf1)  }
0x136: {  	(xrf1) =	vsort.dscd.msk.f32 $0xffff, v19, v19;
	v4 =	vperm.xlane v4, v0  }
0x137: {  	v6, _, _ =	vpop (xrf1)  }
0x138: {  	v15 =	vld [tilespmem:s25+$0x30];
	(xrf1) =	vsort.dscd.msk.f32 $0xffff, v21, v21;
	v4 =	vmax.f32 v6, v4  }
0x139: {  	v28 =	vld [tilespmem:s25+$0x10];
	(xrf1) =	vsort.dscd.msk.f32 $0xffff, v4, v4  }
0x13a: {  	v27 =	vld [tilespmem:s25+$0x20]  }
0x13b: {  	v29 =	vld [tilespmem:s25+$0x0]  }
0x13c: {  	v4, _, _ =	vpop (xrf1)  }
0x13d: {  	(xrf1) =	vsort.dscd.msk.f32 $0xffff, v15, v15;
	v4 =	vperm.xlane v4, v0  }
0x13e: {  	(xrf1) =	vsort.dscd.msk.f32 $0xffff, v28, v28;
	v6, _, _ =	vpop (xrf1)  }
0x13f: {  	(xrf1) =	vsort.dscd.msk.f32 $0xffff, v27, v27;
	v4 =	vmax.f32 v6, v4  }
0x140: {  	(xrf1) =	vsort.dscd.msk.f32 $0xffff, v29, v29  }
0x141: {  	(xrf1) =	vsort.dscd.msk.f32 $0xffff, v4, v4  }
0x142: {  	v4, _, _ =	vpop (xrf1)  }
0x143: {  	v4 =	vperm.xlane v4, v0;
	v6, _, _ =	vpop (xrf1)  }
0x144: {  	v9, _, _ =	vpop (xrf1)  }
0x145: {  	v6 =	vperm.xlane v6, v0;
	v4 =	vmax.f32 v9, v4  }
0x146: {  	v9, _, _ =	vpop (xrf1);
	(xrf1) =	vsort.dscd.msk.f32 $0xffff, v4, v4  }
0x147: {  	v4 =	vmax.f32 v9, v6;
	v13, _, _ =	vpop (xrf1)  }
0x148: {  	(xrf1) =	vsort.dscd.msk.f32 $0xffff, v4, v4;
	v4 =	vbroadcast v13, $0x0;
	_ =	sdelay $0x1  }
0x149: {  	v6 =	vsub.f32 v12, v4  }
0x14a: {  	v9, _, _ =	vpop (xrf1);
	v14 =	vsub.f32 v11, v4  }
0x14b: {  	v9 =	vperm.xlane v9, v0;
	v17, _, _ =	vpop (xrf1);
	v6 =	vmul.f32 $1.442695020e+00, v6  }
0x14c: {  	v17 =	vperm.xlane v17, v0;
	v22, _, _ =	vpop (xrf1);
	v14 =	vmul.f32 $1.442695020e+00, v14  }
0x14d: {  	v18 =	vsub.f32 v10, v4;
	v23, _, _ =	vpop (xrf1);
	v9 =	vmax.f32 v22, v9;
	(erf) = vpow2.f32 v6  }
0x14e: {  	v4 =	vsub.f32 v5, v4;
	(xrf1) =	vsort.dscd.msk.f32 $0xffff, v9, v9;
	v22, _, _ =	vpop (xrf1);
	(erf) = vpow2.f32 v14;
	v14 =	vmax.f32 v23, v17  }
0x14f: {  	s26 =	simm.s32 $0x4200;
	v18 =	vmul.f32 $1.442695020e+00, v18;
	(xrf1) =	vsort.dscd.msk.f32 $0xffff, v14, v14;
	v14 =	vbroadcast v22, $0x0  }
0x150: {  	v4 =	vmul.f32 $1.442695020e+00, v4;
	v6 =	vld [tilespmem:s26+$0xB0]  }
0x151: {  	v9 =	vld [tilespmem:s26+$0x90];
	(erf) = vpow2.f32 v18;
	v23 =	vsub.f32 v7, v14  }
0x152: {  	v17 =	vld [tilespmem:s26+$0xA0];
	(erf) = vpow2.f32 v4;
	v18 =	vsub.f32 v8, v14  }
0x153: {  	v24 =	vld [tilespmem:s26+$0x80];
	v25, _, _ =	vpop (xrf1)  }
0x154: {  	v18 =	vmul.f32 $1.442695020e+00, v18;
	v25 =	vperm.xlane v25, v0  }
0x155: {  	(xrf1) =	vsort.dscd.msk.f32 $0xffff, v6, v6;
	v26 =	vmul.f32 $1.442695020e+00, v23;
	v23, _, _ =	vpop (xrf1)  }
0x156: {  	(xrf1) =	vsort.dscd.msk.f32 $0xffff, v9, v9;
	(erf) = vpow2.f32 v18;
	v18 =	vmax.f32 v23, v25  }
0x157: {  	v13 =	vbroadcast v13, $0x7;
	v4 =	vld [tilespmem:s26+$0x30];
	v49 =	vsub.f32 v3, v14;
	(xrf1) =	vsort.dscd.msk.f32 $0xffff, v17, v17  }
0x158: {  	(xrf1) =	vsort.dscd.msk.f32 $0xffff, v24, v24;
	v30 =	vpop (erf)  }
0x159: {  	vm12 =	vge.f32 v12, v13;
	vm14 =	vge.f32 v10, v13;
	v10 =	vmul.f32 $1.442695020e+00, v49;
	(xrf1) =	vsort.dscd.msk.f32 $0xffff, v18, v18;
	v18 =	vpop (erf)  }
0x15a: {  	vm13 =	vge.f32 v11, v13;
	vm15 =	vge.f32 v5, v13;
	(erf) = vpow2.f32 v26;
	v11 =	vpop (erf)  }
0x15b: {  	v14 =	vsub.f32 v2, v14;
	v23 =	vld [tilespmem:s26+$0x10];
	v32 =	vnsel vm12, $0x0, v30;
	v5 =	vpop (erf);
	(erf) = vpow2.f32 v10  }
0x15c: {  	(xrf1) =	vsort.dscd.msk.f32 $0xffff, v4, v4;
	v31 =	vnsel vm13, $0x0, v18;
	v30 =	vnsel vm14, $0x0, v11;
	v33 =	vnsel vm15, $0x0, v5  }
0x15d: {  	v25 =	vld [tilespmem:s26+$0x20];
	v11 =	vadd.f32 v31, v32;
	v12 =	vadd.f32 v33, v30;
	_ =	sdelay $0x1  }
0x15e: {  	v13 =	vmul.f32 $1.442695020e+00, v14;
	v14, _, _ =	vpop (xrf1);
	v5 =	vld [tilespmem:s26+$0x0];
	v11 =	vadd.f32 v12, v11  }
0x15f: {  	(xrf1) =	vsort.dscd.msk.f32 $0xffff, v23, v23;
	v10 =	vperm.xlane v14, v0  }
0x160: {  	v12, _, _ =	vpop (xrf1);
	(xrf2) =	vadd.scan.msk.f32 $0xffff, v11  }
0x161: {  	v22 =	vbroadcast v22, $0x7;
	(xrf1) =	vsort.dscd.msk.f32 $0xffff, v25, v25;
	v14 =	vpop (erf);
	v10 =	vmax.f32 v12, v10  }
0x162: {  	v11 =	vpop (erf)  }
0x163: {  	vm5 =	vge.f32 v7, v22;
	(xrf1) =	vsort.dscd.msk.f32 $0xffff, v5, v5;
	v7 =	vpop (erf)  }
0x164: {  	(erf) = vpow2.f32 v13;
	(xrf1) =	vsort.dscd.msk.f32 $0xffff, v10, v10;
	v10, _, _ =	vpop (xrf1)  }
0x165: {  	v10 =	vperm.xlane v10, v0;
	v12, _, _ =	vpop (xrf1)  }
0x166: {  	v12 =	vperm.xlane v12, v0;
	v13, _, _ =	vpop (xrf1)  }
0x167: {  	v10 =	vmax.f32 v13, v10;
	v13, _, _ =	vpop (xrf1)  }
0x168: {  	vm4 =	vge.f32 v8, v22;
	v12 =	vmax.f32 v13, v12;
	v13, _, _ =	vpop (xrf1)  }
0x169: {  	vm6 =	vge.f32 v3, v22;
	(xrf1) =	vsort.dscd.msk.f32 $0xffff, v10, v10;
	v10 =	vnsel vm5, $0x0, v11;
	v8, _, _ =	vpop (xrf1);
	v11 =	vbroadcast v13, $0x0  }
0x16a: {  	vm7 =	vge.f32 v2, v22;
	v18 =	vnsel vm4, $0x0, v14;
	v2 =	vnsel vm6, $0x0, v7;
	v14, _, _ =	vpop (xrf2)  }
0x16b: {  	v7 =	vperm.xlane v8, v0;
	v8 =	vsub.f32 v21, v11;
	v14 =	vbroadcast v14, $0xF  }
0x16c: {  	(xrf1) =	vsort.dscd.msk.f32 $0xffff, v12, v12  }
0x16d: {  	v3 =	vpop (erf);
	v8 =	vmul.f32 $1.442695020e+00, v8  }
0x16e: {  	v3 =	vnsel vm7, $0x0, v3;
	v22, _, _ =	vpop (xrf1)  }
0x16f: {  	v26 =	vsub.f32 v20, v11;
	v22 =	vperm.xlane v22, v0;
	(erf) = vrcp.f32 v14;
	v14, _, _ =	vpop (xrf1)  }
0x170: {  	v50 =	vsub.f32 v19, v11;
	v11 =	vsub.f32 v16, v11;
	v14 =	vmax.f32 v14, v7  }
0x171: {  	s28 =	simm.s32 $0x4300;
	v51 =	vadd.f32 v3, v2;
	v26 =	vmul.f32 $1.442695020e+00, v26;
	(erf) = vpow2.f32 v8;
	v8, _, _ =	vpop (xrf1);
	(xrf1) =	vsort.dscd.msk.f32 $0xffff, v14, v14  }
0x172: {  	v12 =	vadd.f32 v10, v18;
	v34 =	vmul.f32 $1.442695020e+00, v50;
	v11 =	vmul.f32 $1.442695020e+00, v11;
	v7 =	vld [tilespmem:s28+$0xB0];
	v52, _, _ =	vpop (xrf1)  }
0x173: {  	(erf) = vpow2.f32 v26;
	v14 =	vld [tilespmem:s28+$0x90];
	v8 =	vmax.f32 v8, v22;
	v22 =	vbroadcast v52, $0x0  }
0x174: {  	v26 =	vadd.f32 v51, v12;
	(erf) = vpow2.f32 v34;
	(xrf1) =	vsort.dscd.msk.f32 $0xffff, v8, v8  }
0x175: {  	(erf) = vpow2.f32 v11;
	v8 =	vld [tilespmem:s28+$0xA0];
	v11 =	vsub.f32 v29, v22  }
0x176: {  	v12 =	vld [tilespmem:s28+$0x80];
	(xrf2) =	vadd.scan.msk.f32 $0xffff, v26  }
0x177: {  	v53 =	vsub.f32 v28, v22;
	(xrf1) =	vsort.dscd.msk.f32 $0xffff, v7, v7;
	v54, _, _ =	vpop (xrf1);
	v11 =	vmul.f32 $1.442695020e+00, v11  }
0x178: {  	v26 =	vld [tilespmem:s28+$0x30];
	(xrf1) =	vsort.dscd.msk.f32 $0xffff, v14, v14;
	v35 =	vperm.xlane v54, v0  }
0x179: {  	v56 =	vpop (erf);
	v34 =	vmul.f32 $1.442695020e+00, v53;
	(erf) = vpow2.f32 v11;
	v11 =	vld [tilespmem:s28+$0x10]  }
0x17a: {  	v57 =	vbroadcast v13, $0x7;
	v13 =	vld [tilespmem:s28+$0x20];
	v59 =	vsub.f32 v27, v22;
	v55, _, _ =	vpop (xrf1);
	(xrf1) =	vsort.dscd.msk.f32 $0xffff, v8, v8  }
0x17b: {  	v58 =	vpop (erf);
	(xrf1) =	vsort.dscd.msk.f32 $0xffff, v12, v12;
	v35 =	vmax.f32 v55, v35;
	(erf) = vpow2.f32 v34  }
0x17c: {  	vm8 =	vge.f32 v21, v57;
	vm9 =	vge.f32 v20, v57;
	v62 =	vmul.f32 $1.442695020e+00, v59;
	v60 =	vpop (erf);
	(xrf1) =	vsort.dscd.msk.f32 $0xffff, v35, v35  }
0x17d: {  	vm10 =	vge.f32 v19, v57;
	vm11 =	vge.f32 v16, v57;
	v21 =	vpop (erf);
	(xrf1) =	vsort.dscd.msk.f32 $0xffff, v26, v26  }
0x17e: {  	v61 =	vsub.f32 v15, v22;
	v22 =	vnsel vm8, $0x0, v58;
	v16 =	vpop (erf);
	(erf) = vpow2.f32 v62;
	(xrf1) =	vsort.dscd.msk.f32 $0xffff, v11, v11  }
0x17f: {  	v19 =	vnsel vm9, $0x0, v60;
	v21 =	vnsel vm10, $0x0, v21;
	v16 =	vnsel vm11, $0x0, v16;
	v46, _, _ =	vpop (xrf1);
	(xrf1) =	vsort.dscd.msk.f32 $0xffff, v13, v13  }
0x180: {  	v20 =	vld [tilespmem:s28+$0x0];
	v63 =	vadd.f32 v19, v22;
	v44 =	vadd.f32 v16, v21  }
0x181: {  	v49 =	vbroadcast v52, $0x7;
	v45, _, _ =	vpop (xrf2)  }
0x182: {  	v37 =	vadd.f32 v44, v63;
	v47, _, _ =	vpop (xrf1)  }
0x183: {  	vm14 =	vge.f32 v27, v49;
	v27 =	vperm.xlane v46, v0;
	v48 =	vpop (erf)  }
0x184: {  	vm13 =	vge.f32 v28, v49;
	(xrf2) =	vadd.scan.msk.f32 $0xffff, v37;
	v50 =	vpop (erf)  }
0x185: {  	v35 =	vmul.f32 $1.442695020e+00, v61;
	v28 =	vbroadcast v45, $0xF;
	(xrf1) =	vsort.dscd.msk.f32 $0xffff, v20, v20;
	v34 =	vmax.f32 v47, v27;
	v52, _, _ =	vpop (xrf1)  }
0x186: {  	vm12 =	vge.f32 v29, v49;
	v51 =	vmul.f32 v56, v1;
	v29, _, _ =	vpop (xrf1);
	(xrf1) =	vsort.dscd.msk.f32 $0xffff, v34, v34  }
0x187: {  	(erf) = vpow2.f32 v35;
	v56 =	vpop (erf)  }
0x188: {  	v31 =	vmul.f32 v51, v31;
	v30 =	vmul.f32 v51, v30;
	v53, _, _ =	vpop (xrf1)  }
0x189: {  	(erf) = vrcp.f32 v28;
	v55 =	vperm.xlane v52, v0;
	v28, _, _ =	vpop (xrf1)  }
0x18a: {  	v54 =	vmul.f32 v51, v32;
	v29 =	vperm.xlane v29, v0;
	v32, _, _ =	vpop (xrf1)  }
0x18b: {  	vm15 =	vge.f32 v15, v49;
	[tilespmem:s24+$0x90] =	vst v31;
	v36 =	vmax.f32 v53, v55;
	v57, _, _ =	vpop (xrf1)  }
0x18c: {  	v33 =	vmul.f32 v51, v33;
	[tilespmem:s24+$0xA0] =	vst v30;
	v59 =	vmax.f32 v28, v29;
	(xrf1) =	vsort.dscd.msk.f32 $0xffff, v36, v36;
	v31, _, _ =	vpop (xrf1)  }
0x18d: {  	v15 =	vnsel vm12, $0x0, v48;
	v27 =	vnsel vm13, $0x0, v50;
	v58 =	vbroadcast v32, $0x0;
	v30, _, _ =	vpop (xrf1);
	(xrf1) =	vsort.dscd.msk.f32 $0xffff, v59, v59  }
0x18e: {  	[tilespmem:s24+$0xB0] =	vst v33;
	v33 =	vadd.f32 v27, v15;
	v28 =	vnsel vm14, $0x0, v56;
	v62, _, _ =	vpop (xrf2)  }
0x18f: {  	v61 =	vsub.f32 v24, v58;
	v63 =	vsub.f32 v9, v58;
	v37 =	vbroadcast v62, $0xF  }
0x190: {  	v60 =	vperm.xlane v57, v0;
	v29 =	vpop (erf);
	v43 =	vsub.f32 v17, v58;
	v38 =	vsub.f32 v6, v58  }
0x191: {  	v29 =	vnsel vm15, $0x0, v29;
	v31 =	vperm.xlane v31, v0;
	v42 =	vmul.f32 $1.442695020e+00, v61  }
0x192: {  	v35 =	vmul.f32 $1.442695020e+00, v63;
	(erf) = vrcp.f32 v37;
	v39 =	vmax.f32 v30, v60;
	v30 =	vpop (erf)  }
0x193: {  	s29 =	simm.s32 $0x86;
	s30 =	simm.s32 $0x4400;
	[tilespmem:s24+$0x80] =	vst v54;
	v34 =	vadd.f32 v29, v28;
	v36 =	vmul.f32 $1.442695020e+00, v43;
	(erf) = vpow2.f32 v42;
	v37, _, _ =	vpop (xrf1)  }
.LBB2_4:
0x194: {  	v37 =	vmax.f32 v37, v31;
	(xrf1) =	vsort.dscd.msk.f32 $0xffff, v39, v39;
	v38 =	vmul.f32 $1.442695020e+00, v38;
	v39, _, _ =	vpop (xrf1);
	(erf) = vpow2.f32 v35  }
0x195: {  	v40 =	vld [tilespmem:s30+$0xB0];
	v31 =	vmovc v27;
	v27 =	vmovc v2;
	v2 =	vmov v28;
	v28 =	vmov v3;
	v3 =	vmov v29  }
0x196: {  	v33 =	vadd.f32 v34, v33;
	v29 =	vld [tilespmem:s30+$0x90];
	(xrf1) =	vsort.dscd.msk.f32 $0xffff, v37, v37;
	v35 =	vbroadcast v39, $0x0;
	(erf) = vpow2.f32 v36  }
0x197: {  	v36 =	vbroadcast v39, $0x7;
	v34 =	vld [tilespmem:s30+$0xA0];
	(erf) = vpow2.f32 v38  }
0x198: {  	v30 =	vmul.f32 v30, v1;
	v37 =	vld [tilespmem:s30+$0x80];
	v38 =	vsub.f32 v5, v35;
	v39 =	vsub.f32 v23, v35;
	(xrf2) =	vadd.scan.msk.f32 $0xffff, v33  }
0x199: {  	s29 =	sadd.s32 $0x2, s29;
	vm3 =	vge.f32 v5, v36;
	v33 =	vsub.f32 v25, v35;
	v35 =	vsub.f32 v4, v35;
	v5 =	vmovc v20;
	v41 =	vld [tilespmem:s30+$0x30]  }
0x19a: {  	p0 =	slt.u32 s29, $0xFE;
	vm2 =	vge.f32 v23, v36;
	v42 =	vld [tilespmem:s30+$0x10];
	(xrf1) =	vsort.dscd.msk.f32 $0xffff, v40, v40;
	v20, _, _ =	vpop (xrf1);
	v38 =	vmul.f32 $1.442695020e+00, v38;
	v23 =	vmul.f32 $1.442695020e+00, v39  }
0x19b: {  	vm1 =	vge.f32 v25, v36;
	v25 =	vmul.f32 $1.442695020e+00, v33;
	v39 =	vld [tilespmem:s30+$0x20];
	(xrf1) =	vsort.dscd.msk.f32 $0xffff, v29, v29;
	v43 =	vperm.xlane v20, v0;
	v44, _, _ =	vpop (xrf1)  }
0x19c: {  	vm0 =	vge.f32 v4, v36;
	v33 =	vmul.f32 $1.442695020e+00, v35;
	v20 =	vld [tilespmem:s30+$0x0];
	(xrf1) =	vsort.dscd.msk.f32 $0xffff, v34, v34;
	(erf) = vpow2.f32 v38;
	v4 =	vpop (erf)  }
0x19d: {  	v32 =	vbroadcast v32, $0x7;
	(xrf1) =	vsort.dscd.msk.f32 $0xffff, v37, v37;
	v35 =	vmax.f32 v44, v43;
	v36 =	vpop (erf);
	v38 =	vmul.f32 v4, v1  }
0x19e: {  	v18 =	vmul.f32 v30, v18;
	v4 =	vmov v26;
	(xrf1) =	vsort.dscd.msk.f32 $0xffff, v35, v35;
	(erf) = vpow2.f32 v23;
	v23 =	vpop (erf)  }
0x19f: {  	vm4 =	vge.f32 v24, v32;
	vm5 =	vge.f32 v9, v32;
	v9 =	vpop (erf);
	v24 =	vmul.f32 v38, v16  }
0x1a0: {  	vm6 =	vge.f32 v6, v32;
	v35 =	vnsel vm4, $0x0, v36;
	vm4 =	vge.f32 v17, v32;
	(xrf1) =	vsort.dscd.msk.f32 $0xffff, v41, v41;
	v6 =	vpop (erf)  }
0x1a1: {  	v36 =	vnsel vm5, $0x0, v23;
	v43 =	vnsel vm4, $0x0, v9;
	v16 =	vnsel vm6, $0x0, v6;
	[tilespmem:s25+$0xB0] =	vst v24;
	v6 =	vmovc v7;
	v7 =	vmovc v40  }
0x1a2: {  	v10 =	vmul.f32 v30, v10;
	v17 =	vadd.f32 v36, v35;
	v26 =	vadd.f32 v16, v43;
	v9, _, _ =	vpop (xrf2);
	[tilespmem:s24+$0x0] =	vst v18  }
0x1a3: {  	v24 =	vmul.f32 v30, v27;
	(xrf1) =	vsort.dscd.msk.f32 $0xffff, v42, v42;
	v18, _, _ =	vpop (xrf1);
	v32 =	vbroadcast v9, $0xF;
	v9 =	vmov v14  }
0x1a4: {  	(xrf1) =	vsort.dscd.msk.f32 $0xffff, v39, v39;
	v27 =	vperm.xlane v18, v0;
	v18, _, _ =	vpop (xrf1);
	v26 =	vadd.f32 v26, v17;
	(erf) = vpow2.f32 v25  }
0x1a5: {  	v22 =	vmul.f32 v38, v22;
	(xrf1) =	vsort.dscd.msk.f32 $0xffff, v20, v20;
	v23 =	vpop (erf);
	[tilespmem:s24+$0x10] =	vst v10;
	v10 =	vmul.f32 v30, v28  }
0x1a6: {  	v14 =	vmovc v29;
	v18 =	vmax.f32 v18, v27;
	v30 =	vnsel vm3, $0x0, v23;
	(erf) = vpow2.f32 v33;
	(xrf2) =	vadd.scan.msk.f32 $0xffff, v26  }
0x1a7: {  	(xrf1) =	vsort.dscd.msk.f32 $0xffff, v18, v18;
	v17 =	vpop (erf);
	v18 =	vmul.f32 v38, v19;
	v19 =	vmul.f32 v38, v21;
	[tilespmem:s24+$0x20] =	vst v24  }
0x1a8: {  	v21, _, _ =	vpop (xrf1);
	v27 =	vnsel vm2, $0x0, v17;
	[tilespmem:s24+$0x30] =	vst v10;
	v17 =	vmov v8;
	v8 =	vmov v34;
	s24 =	smov.u32 s25;
	s25 =	smov.u32 s26;
	s26 =	smov.u32 s28  }
0x1a9: {  	v24 =	vmov v12;
	s28 =	smov.u32 s30;
	v10 =	vperm.xlane v21, v0;
	v21, _, _ =	vpop (xrf1);
	v33 =	vadd.f32 v27, v30;
	[tilespmem:s24+$0x80] =	vst v22  }
0x1aa: {  	v12 =	vmov v37;
	v26 =	vmov v41;
	v21 =	vperm.xlane v21, v0;
	v22, _, _ =	vpop (xrf1);
	[tilespmem:s24+$0x90] =	vst v18  }
0x1ab: {  	v23 =	vmov v11;
	v28 =	vmax.f32 v22, v10;
	v18, _, _ =	vpop (xrf1);
	[tilespmem:s24+$0xA0] =	vst v19;
	(erf) = vrcp.f32 v32  }
0x1ac: {  	v25 =	vmov v13;
	v11 =	vmov v42;
	v29 =	vmax.f32 v18, v21;
	(xrf1) =	vsort.dscd.msk.f32 $0xffff, v28, v28;
	v32, _, _ =	vpop (xrf1)  }
0x1ad: {  	v13 =	vmov v39;
	v22 =	vmov v35;
	v19 =	vmov v36;
	(xrf1) =	vsort.dscd.msk.f32 $0xffff, v29, v29;
	v10 =	vpop (erf)  }
0x1ae: {  	v36 =	vbroadcast v32, $0x0;
	v18, _, _ =	vpop (xrf1);
	v28 =	vnsel vm1, $0x0, v10;
	v21 =	vmov v43  }
0x1af: {  	v39 =	vperm.xlane v18, v0;
	v10 =	vpop (erf);
	v18 =	vmov v15;
	v15 =	vmov v30  }
.Ltmp1:
0x1b0: {  	v30 =	vsub.f32 v24, v36;
	v29 =	vnsel vm0, $0x0, v10;
	v35, _, _ =	vpop (xrf2);
	v10 =	vmov v31;
	(pc) =	sbr.rel @p0 .LBB2_4-.Ltmp1, $4  }
0x1b1: {  	v38 =	vsub.f32 v9, v36;
	v31, _, _ =	vpop (xrf1);
	v34 =	vadd.f32 v29, v28;
	v40 =	vbroadcast v35, $0xF  }
0x1b2: {  	v42 =	vsub.f32 v17, v36;
	v43 =	vmul.f32 $1.442695020e+00, v30;
	v31 =	vperm.xlane v31, v0;
	v41, _, _ =	vpop (xrf1)  }
0x1b3: {  	v35 =	vmul.f32 $1.442695020e+00, v38;
	v38 =	vsub.f32 v6, v36;
	v37, _, _ =	vpop (xrf1);
	(erf) = vrcp.f32 v40  }
0x1b4: {  	s30 =	sadd.s32 $0x100, s30;
	v36 =	vmul.f32 $1.442695020e+00, v42;
	v39 =	vmax.f32 v41, v39;
	(erf) = vpow2.f32 v43;
	v30 =	vpop (erf)  }
0x1b5: {  	(xrf1) =	vsort.dscd.msk.f32 $0xffff, v39, v39  }
0x1b6: {  	v31 =	vmax.f32 v37, v31  }
0x1b7: {  	v38 =	vmul.f32 $1.442695020e+00, v38;
	(erf) = vpow2.f32 v35;
	(xrf1) =	vsort.dscd.msk.f32 $0xffff, v31, v31  }
0x1b8: {  	(erf) = vpow2.f32 v36  }
0x1b9: {  	(erf) = vpow2.f32 v38;
	_ =	sdelay $0x1  }
0x1ba: {  	v31, _, _ =	vpop (xrf1)  }
0x1bb: {  	v42, _, _ =	vpop (xrf1)  }
0x1bc: {  	v43, _, _ =	vpop (xrf1)  }
0x1bd: {  	v35 =	vperm.xlane v42, v0;
	v37 =	vpop (erf)  }
0x1be: {  	v32 =	vbroadcast v32, $0x7;
	v44 =	vpop (erf)  }
0x1bf: {  	v33 =	vadd.f32 v34, v33;
	v35 =	vmax.f32 v43, v35;
	v45 =	vpop (erf)  }
0x1c0: {  	vm0 =	vge.f32 v24, v32;
	vm1 =	vge.f32 v9, v32;
	(xrf1) =	vsort.dscd.msk.f32 $0xffff, v35, v35;
	v24 =	vpop (erf)  }
0x1c1: {  	vm12 =	vge.f32 v17, v32;
	vm2 =	vge.f32 v6, v32;
	v9 =	vnsel vm0, $0x0, v44;
	v46 =	vpop (erf)  }
0x1c2: {  	v17 =	vnsel vm1, $0x0, v45;
	v6 =	vnsel vm12, $0x0, v24;
	v24 =	vnsel vm2, $0x0, v46;
	v49, _, _ =	vpop (xrf1)  }
0x1c3: {  	v47 =	vadd.f32 v17, v9;
	v48 =	vadd.f32 v24, v6;
	v34 =	vperm.xlane v49, v0  }
0x1c4: {  	v50, _, _ =	vpop (xrf1)  }
0x1c5: {  	(xrf2) =	vadd.scan.msk.f32 $0xffff, v33;
	v32 =	vadd.f32 v48, v47;
	v33 =	vmax.f32 v50, v34  }
0x1c6: {  	(xrf1) =	vsort.dscd.msk.f32 $0xffff, v33, v33  }
0x1c7: {  	(xrf2) =	vadd.scan.msk.f32 $0xffff, v32  }
0x1c8: {  	v51 =	vbroadcast v31, $0x0;
	_ =	sdelay $0x1  }
0x1c9: {  	v52 =	vsub.f32 v5, v51  }
0x1ca: {  	v53 =	vsub.f32 v23, v51;
	v54 =	vsub.f32 v25, v51  }
0x1cb: {  	v31 =	vbroadcast v31, $0x7;
	v32 =	vsub.f32 v4, v51;
	v33 =	vmul.f32 $1.442695020e+00, v52  }
0x1cc: {  	v35 =	vmul.f32 $1.442695020e+00, v54;
	v34 =	vmul.f32 $1.442695020e+00, v53  }
0x1cd: {  	v32 =	vmul.f32 $1.442695020e+00, v32;
	(erf) = vpow2.f32 v33;
	v55, _, _ =	vpop (xrf1)  }
0x1ce: {  	v57, _, _ =	vpop (xrf2);
	(erf) = vpow2.f32 v34;
	v56 =	vbroadcast v55, $0x0  }
0x1cf: {  	v34 =	vbroadcast v57, $0xF;
	(erf) = vpow2.f32 v35  }
0x1d0: {  	(erf) = vpow2.f32 v32;
	v58 =	vsub.f32 v12, v56;
	v60 =	vsub.f32 v14, v56;
	v59, _, _ =	vpop (xrf2)  }
0x1d1: {  	(erf) = vrcp.f32 v34;
	v62 =	vsub.f32 v8, v56;
	v38 =	vbroadcast v59, $0xF  }
0x1d2: {  	v61 =	vmul.f32 $1.442695020e+00, v58;
	v32 =	vmul.f32 $1.442695020e+00, v60  }
0x1d3: {  	v33 =	vsub.f32 v7, v56;
	v35 =	vmul.f32 $1.442695020e+00, v62;
	(erf) = vrcp.f32 v38;
	v63, _, _ =	vpop (xrf1)  }
0x1d4: {  	(erf) = vpow2.f32 v61;
	v41 =	vbroadcast v63, $0x0  }
0x1d5: {  	v33 =	vmul.f32 $1.442695020e+00, v33;
	(erf) = vpow2.f32 v32  }
0x1d6: {  	vm14 =	vge.f32 v23, v31;
	(erf) = vpow2.f32 v35;
	v23 =	vsub.f32 v20, v41  }
0x1d7: {  	vm13 =	vge.f32 v5, v31;
	v5 =	vpop (erf);
	(erf) = vpow2.f32 v33  }
0x1d8: {  	v36 =	vbroadcast v55, $0x7;
	v42 =	vpop (erf);
	v23 =	vmul.f32 $1.442695020e+00, v23  }
0x1d9: {  	vm15 =	vge.f32 v25, v31;
	vm3 =	vge.f32 v4, v31;
	v25 =	vpop (erf)  }
0x1da: {  	vm4 =	vge.f32 v12, v36;
	vm5 =	vge.f32 v14, v36;
	v43 =	vpop (erf);
	v4 =	vsub.f32 v11, v41  }
0x1db: {  	vm6 =	vge.f32 v8, v36;
	vm7 =	vge.f32 v7, v36;
	v44 =	vpop (erf);
	v31 =	vsub.f32 v13, v41  }
0x1dc: {  	v32 =	vsub.f32 v26, v41;
	v4 =	vmul.f32 $1.442695020e+00, v4;
	(erf) = vpow2.f32 v23;
	v23 =	vpop (erf)  }
0x1dd: {  	v5 =	vnsel vm13, $0x0, v5;
	v25 =	vnsel vm15, $0x0, v25;
	v31 =	vmul.f32 $1.442695020e+00, v31;
	v45 =	vpop (erf)  }
0x1de: {  	v35 =	vnsel vm3, $0x0, v43;
	v32 =	vmul.f32 $1.442695020e+00, v32;
	(erf) = vpow2.f32 v4;
	v41 =	vpop (erf)  }
0x1df: {  	v33 =	vnsel vm14, $0x0, v42;
	v40 =	vadd.f32 v35, v25;
	(erf) = vpow2.f32 v31;
	v12 =	vpop (erf)  }
0x1e0: {  	v4 =	vadd.f32 v33, v5;
	(erf) = vpow2.f32 v32;
	v14 =	vnsel vm4, $0x0, v45;
	v7 =	vpop (erf)  }
0x1e1: {  	v8 =	vnsel vm5, $0x0, v41;
	v12 =	vnsel vm6, $0x0, v12;
	v7 =	vnsel vm7, $0x0, v7  }
0x1e2: {  	v31 =	vadd.f32 v8, v14;
	v46 =	vadd.f32 v7, v12  }
0x1e3: {  	v4 =	vadd.f32 v40, v4  }
0x1e4: {  	v31 =	vadd.f32 v46, v31;
	_ =	sdelay $0x2  }
0x1e5: {  	v47 =	vbroadcast v63, $0x7;
	(xrf2) =	vadd.scan.msk.f32 $0xffff, v4;
	v4 =	vpop (erf)  }
0x1e6: {  	(xrf2) =	vadd.scan.msk.f32 $0xffff, v31;
	v31 =	vpop (erf)  }
0x1e7: {  	vm8 =	vge.f32 v20, v47;
	vm9 =	vge.f32 v11, v47;
	v11 =	vpop (erf)  }
0x1e8: {  	vm10 =	vge.f32 v13, v47;
	vm11 =	vge.f32 v26, v47;
	v4 =	vnsel vm8, $0x0, v4;
	v13 =	vpop (erf)  }
0x1e9: {  	v20 =	vnsel vm9, $0x0, v31;
	v11 =	vnsel vm10, $0x0, v11;
	v13 =	vnsel vm11, $0x0, v13  }
0x1ea: {  	v26 =	vadd.f32 v20, v4;
	v31 =	vadd.f32 v13, v11;
	_ =	sdelay $0x1  }
0x1eb: {  	v26 =	vadd.f32 v31, v26  }
0x1ec: {  	v30 =	vmul.f32 v30, v1;
	_ =	sdelay $0x1  }
0x1ed: {  	v10 =	vmul.f32 v30, v10;
	v31 =	vmul.f32 v37, v1;
	(xrf2) =	vadd.scan.msk.f32 $0xffff, v26  }
0x1ee: {  	v2 =	vmul.f32 v30, v2;
	v26, _, _ =	vpop (xrf2)  }
0x1ef: {  	[tilespmem:s24+$0x10] =	vst v10;
	v16 =	vmul.f32 v31, v16;
	v26 =	vbroadcast v26, $0xF  }
0x1f0: {  	v3 =	vmul.f32 v30, v3;
	[tilespmem:s24+$0x20] =	vst v2;
	v10 =	vmul.f32 v31, v22;
	v48, _, _ =	vpop (xrf2)  }
0x1f1: {  	[tilespmem:s25+$0xB0] =	vst v16;
	v16 =	vbroadcast v48, $0xF;
	(erf) = vrcp.f32 v26  }
0x1f2: {  	[tilespmem:s24+$0x30] =	vst v3;
	v3 =	vmul.f32 v23, v1;
	v2 =	vmul.f32 v31, v19  }
0x1f3: {  	[tilespmem:s25+$0x80] =	vst v10;
	(erf) = vrcp.f32 v16;
	v16 =	vmul.f32 v31, v21  }
0x1f4: {  	v10 =	vmul.f32 v44, v1;
	[tilespmem:s25+$0x90] =	vst v2;
	v2 =	vmul.f32 v3, v24;
	_ =	sdelay $0x1  }
0x1f5: {  	v15 =	vmul.f32 v10, v15;
	[tilespmem:s26+$0xB0] =	vst v2  }
0x1f6: {  	v18 =	vmul.f32 v30, v18;
	v2 =	vmul.f32 v10, v27;
	[tilespmem:s25+$0xA0] =	vst v16;
	v16, _, _ =	vpop (xrf2)  }
0x1f7: {  	v9 =	vmul.f32 v3, v9;
	[tilespmem:s25+$0x0] =	vst v15;
	v16 =	vbroadcast v16, $0xF  }
0x1f8: {  	v15 =	vmul.f32 v10, v28;
	[tilespmem:s25+$0x10] =	vst v2;
	v2 =	vmul.f32 v10, v29  }
0x1f9: {  	[tilespmem:s24+$0x0] =	vst v18;
	(erf) = vrcp.f32 v16;
	v16 =	vmul.f32 v3, v17;
	v10 =	vpop (erf)  }
0x1fa: {  	[tilespmem:s26+$0x80] =	vst v9;
	v3 =	vmul.f32 v3, v6;
	v6 =	vmul.f32 v10, v1  }
0x1fb: {  	[tilespmem:s25+$0x20] =	vst v15  }
0x1fc: {  	v15 =	vpop (erf);
	[tilespmem:s26+$0xA0] =	vst v3;
	v3 =	vmul.f32 v6, v5  }
0x1fd: {  	[tilespmem:s25+$0x30] =	vst v2;
	v2 =	vmul.f32 v15, v1  }
0x1fe: {  	v5 =	vmul.f32 v6, v33;
	[tilespmem:s26+$0x0] =	vst v3;
	v3 =	vmul.f32 v6, v25  }
0x1ff: {  	[tilespmem:s26+$0x90] =	vst v16;
	v7 =	vmul.f32 v2, v7  }
0x200: {  	[tilespmem:s26+$0x10] =	vst v5  }
0x201: {  	v5 =	vmul.f32 v6, v35;
	[tilespmem:s28+$0xB0] =	vst v7  }
0x202: {  	v6 =	vmul.f32 v2, v14;
	[tilespmem:s26+$0x20] =	vst v3;
	v3 =	vpop (erf)  }
0x203: {  	v7 =	vmul.f32 v2, v8;
	[tilespmem:s26+$0x30] =	vst v5;
	v3 =	vmul.f32 v3, v1  }
0x204: {  	v2 =	vmul.f32 v2, v12;
	[tilespmem:s28+$0x80] =	vst v6  }
0x205: {  	[tilespmem:s28+$0x90] =	vst v7;
	v4 =	vmul.f32 v3, v4  }
0x206: {  	[tilespmem:s28+$0xA0] =	vst v2;
	v2 =	vmul.f32 v3, v20  }
0x207: {  	[tilespmem:s28+$0x0] =	vst v4;
	v4 =	vmul.f32 v3, v11  }
0x208: {  	[tilespmem:s28+$0x10] =	vst v2;
	v2 =	vmul.f32 v3, v13  }
0x209: {  	[tilespmem:s28+$0x20] =	vst v4  }
0x20a: {  	[tilespmem:s28+$0x30] =	vst v2  }
0x20b: {  	[hbm4b:s9+s2] =	stream.linear.scatter [tilespmem:s13], [sflag:$0x5], $0x4000, $0x38;
	[tilespmem:$0x10080] =	vst v63  }
0x20c: {  	_ =	swait.ge [sflag:s20], $0x4000  }
0x20d: {  	[sflag:s20] =	ssyncset.done $0x0  }
0x20e: {  	s24 =	simm.s32 $0x8000;
	[sflag:s20] =	ssyncadd.s32 $0xFFFFC000  }
0x20f: {  	v5 =	vld [tilespmem:s24+$0xB0]  }
0x210: {  	v11 =	vld [tilespmem:s24+$0x90]  }
0x211: {  	v10 =	vld [tilespmem:s24+$0xA0]  }
0x212: {  	v12 =	vld [tilespmem:s24+$0x80];
	_ =	sdelay $0x1  }
0x213: {  	(xrf1) =	vsort.dscd.msk.f32 $0xffff, v5, v5  }
0x214: {  	(xrf1) =	vsort.dscd.msk.f32 $0xffff, v11, v11  }
0x215: {  	v2 =	vld [tilespmem:s24+$0x30];
	(xrf1) =	vsort.dscd.msk.f32 $0xffff, v10, v10  }
0x216: {  	v7 =	vld [tilespmem:s24+$0x10];
	(xrf1) =	vsort.dscd.msk.f32 $0xffff, v12, v12  }
0x217: {  	v3 =	vld [tilespmem:s24+$0x20];
	_ =	sdelay $0x1  }
0x218: {  	v8 =	vld [tilespmem:s24+$0x0]  }
0x219: {  	(xrf1) =	vsort.dscd.msk.f32 $0xffff, v2, v2  }
0x21a: {  	(xrf1) =	vsort.dscd.msk.f32 $0xffff, v7, v7  }
0x21b: {  	(xrf1) =	vsort.dscd.msk.f32 $0xffff, v3, v3;
	_ =	sdelay $0x1  }
0x21c: {  	(xrf1) =	vsort.dscd.msk.f32 $0xffff, v8, v8;
	_ =	sdelay $0x2  }
0x21d: {  	v4, _, _ =	vpop (xrf1)  }
0x21e: {  	v4 =	vperm.xlane v4, v0;
	v6, _, _ =	vpop (xrf1)  }
0x21f: {  	v9, _, _ =	vpop (xrf1);
	v6 =	vperm.xlane v6, v0  }
0x220: {  	v4 =	vmax.f32 v9, v4;
	v9, _, _ =	vpop (xrf1)  }
0x221: {  	(xrf1) =	vsort.dscd.msk.f32 $0xffff, v4, v4;
	v4 =	vmax.f32 v9, v6;
	_ =	sdelay $0x1  }
0x222: {  	(xrf1) =	vsort.dscd.msk.f32 $0xffff, v4, v4  }
0x223: {  	v4, _, _ =	vpop (xrf1)  }
0x224: {  	v4 =	vperm.xlane v4, v0;
	v6, _, _ =	vpop (xrf1)  }
0x225: {  	v9, _, _ =	vpop (xrf1)  }
0x226: {  	v6 =	vperm.xlane v6, v0;
	v4 =	vmax.f32 v9, v4  }
0x227: {  	s25 =	simm.s32 $0x8100;
	v9, _, _ =	vpop (xrf1);
	(xrf1) =	vsort.dscd.msk.f32 $0xffff, v4, v4  }
0x228: {  	v16 =	vld [tilespmem:s25+$0xB0];
	v4 =	vmax.f32 v9, v6  }
0x229: {  	v20 =	vld [tilespmem:s25+$0x90];
	(xrf1) =	vsort.dscd.msk.f32 $0xffff, v4, v4  }
0x22a: {  	v19 =	vld [tilespmem:s25+$0xA0];
	_ =	sdelay $0x1  }
0x22b: {  	v21 =	vld [tilespmem:s25+$0x80]  }
0x22c: {  	(xrf1) =	vsort.dscd.msk.f32 $0xffff, v16, v16  }
0x22d: {  	(xrf1) =	vsort.dscd.msk.f32 $0xffff, v20, v20;
	v4, _, _ =	vpop (xrf1)  }
0x22e: {  	(xrf1) =	vsort.dscd.msk.f32 $0xffff, v19, v19;
	v4 =	vperm.xlane v4, v0  }
0x22f: {  	v6, _, _ =	vpop (xrf1)  }
0x230: {  	v15 =	vld [tilespmem:s25+$0x30];
	(xrf1) =	vsort.dscd.msk.f32 $0xffff, v21, v21;
	v4 =	vmax.f32 v6, v4  }
0x231: {  	v28 =	vld [tilespmem:s25+$0x10];
	(xrf1) =	vsort.dscd.msk.f32 $0xffff, v4, v4  }
0x232: {  	v27 =	vld [tilespmem:s25+$0x20]  }
0x233: {  	v29 =	vld [tilespmem:s25+$0x0]  }
0x234: {  	v4, _, _ =	vpop (xrf1)  }
0x235: {  	(xrf1) =	vsort.dscd.msk.f32 $0xffff, v15, v15;
	v4 =	vperm.xlane v4, v0  }
0x236: {  	(xrf1) =	vsort.dscd.msk.f32 $0xffff, v28, v28;
	v6, _, _ =	vpop (xrf1)  }
0x237: {  	(xrf1) =	vsort.dscd.msk.f32 $0xffff, v27, v27;
	v4 =	vmax.f32 v6, v4  }
0x238: {  	(xrf1) =	vsort.dscd.msk.f32 $0xffff, v29, v29  }
0x239: {  	(xrf1) =	vsort.dscd.msk.f32 $0xffff, v4, v4  }
0x23a: {  	v4, _, _ =	vpop (xrf1)  }
0x23b: {  	v4 =	vperm.xlane v4, v0;
	v6, _, _ =	vpop (xrf1)  }
0x23c: {  	v9, _, _ =	vpop (xrf1)  }
0x23d: {  	v6 =	vperm.xlane v6, v0;
	v4 =	vmax.f32 v9, v4  }
0x23e: {  	v9, _, _ =	vpop (xrf1);
	(xrf1) =	vsort.dscd.msk.f32 $0xffff, v4, v4  }
0x23f: {  	v4 =	vmax.f32 v9, v6;
	v13, _, _ =	vpop (xrf1)  }
0x240: {  	(xrf1) =	vsort.dscd.msk.f32 $0xffff, v4, v4;
	v4 =	vbroadcast v13, $0x0;
	_ =	sdelay $0x1  }
0x241: {  	v6 =	vsub.f32 v12, v4  }
0x242: {  	v9, _, _ =	vpop (xrf1);
	v14 =	vsub.f32 v11, v4  }
0x243: {  	v9 =	vperm.xlane v9, v0;
	v17, _, _ =	vpop (xrf1);
	v6 =	vmul.f32 $1.442695020e+00, v6  }
0x244: {  	v17 =	vperm.xlane v17, v0;
	v22, _, _ =	vpop (xrf1);
	v14 =	vmul.f32 $1.442695020e+00, v14  }
0x245: {  	v18 =	vsub.f32 v10, v4;
	v23, _, _ =	vpop (xrf1);
	v9 =	vmax.f32 v22, v9;
	(erf) = vpow2.f32 v6  }
0x246: {  	v4 =	vsub.f32 v5, v4;
	(xrf1) =	vsort.dscd.msk.f32 $0xffff, v9, v9;
	v22, _, _ =	vpop (xrf1);
	(erf) = vpow2.f32 v14;
	v14 =	vmax.f32 v23, v17  }
0x247: {  	s26 =	simm.s32 $0x8200;
	v18 =	vmul.f32 $1.442695020e+00, v18;
	(xrf1) =	vsort.dscd.msk.f32 $0xffff, v14, v14;
	v14 =	vbroadcast v22, $0x0  }
0x248: {  	v4 =	vmul.f32 $1.442695020e+00, v4;
	v6 =	vld [tilespmem:s26+$0xB0]  }
0x249: {  	v9 =	vld [tilespmem:s26+$0x90];
	(erf) = vpow2.f32 v18;
	v23 =	vsub.f32 v7, v14  }
0x24a: {  	v17 =	vld [tilespmem:s26+$0xA0];
	(erf) = vpow2.f32 v4;
	v18 =	vsub.f32 v8, v14  }
0x24b: {  	v24 =	vld [tilespmem:s26+$0x80];
	v25, _, _ =	vpop (xrf1)  }
0x24c: {  	v18 =	vmul.f32 $1.442695020e+00, v18;
	v25 =	vperm.xlane v25, v0  }
0x24d: {  	(xrf1) =	vsort.dscd.msk.f32 $0xffff, v6, v6;
	v26 =	vmul.f32 $1.442695020e+00, v23;
	v23, _, _ =	vpop (xrf1)  }
0x24e: {  	(xrf1) =	vsort.dscd.msk.f32 $0xffff, v9, v9;
	(erf) = vpow2.f32 v18;
	v18 =	vmax.f32 v23, v25  }
0x24f: {  	v13 =	vbroadcast v13, $0x7;
	v4 =	vld [tilespmem:s26+$0x30];
	v49 =	vsub.f32 v3, v14;
	(xrf1) =	vsort.dscd.msk.f32 $0xffff, v17, v17  }
0x250: {  	(xrf1) =	vsort.dscd.msk.f32 $0xffff, v24, v24;
	v30 =	vpop (erf)  }
0x251: {  	vm12 =	vge.f32 v12, v13;
	vm14 =	vge.f32 v10, v13;
	v10 =	vmul.f32 $1.442695020e+00, v49;
	(xrf1) =	vsort.dscd.msk.f32 $0xffff, v18, v18;
	v18 =	vpop (erf)  }
0x252: {  	vm13 =	vge.f32 v11, v13;
	vm15 =	vge.f32 v5, v13;
	(erf) = vpow2.f32 v26;
	v11 =	vpop (erf)  }
0x253: {  	v14 =	vsub.f32 v2, v14;
	v23 =	vld [tilespmem:s26+$0x10];
	v32 =	vnsel vm12, $0x0, v30;
	v5 =	vpop (erf);
	(erf) = vpow2.f32 v10  }
0x254: {  	(xrf1) =	vsort.dscd.msk.f32 $0xffff, v4, v4;
	v31 =	vnsel vm13, $0x0, v18;
	v30 =	vnsel vm14, $0x0, v11;
	v33 =	vnsel vm15, $0x0, v5  }
0x255: {  	v25 =	vld [tilespmem:s26+$0x20];
	v11 =	vadd.f32 v31, v32;
	v12 =	vadd.f32 v33, v30;
	_ =	sdelay $0x1  }
0x256: {  	v13 =	vmul.f32 $1.442695020e+00, v14;
	v14, _, _ =	vpop (xrf1);
	v5 =	vld [tilespmem:s26+$0x0];
	v11 =	vadd.f32 v12, v11  }
0x257: {  	(xrf1) =	vsort.dscd.msk.f32 $0xffff, v23, v23;
	v10 =	vperm.xlane v14, v0  }
0x258: {  	v12, _, _ =	vpop (xrf1);
	(xrf2) =	vadd.scan.msk.f32 $0xffff, v11  }
0x259: {  	v22 =	vbroadcast v22, $0x7;
	(xrf1) =	vsort.dscd.msk.f32 $0xffff, v25, v25;
	v14 =	vpop (erf);
	v10 =	vmax.f32 v12, v10  }
0x25a: {  	v11 =	vpop (erf)  }
0x25b: {  	vm5 =	vge.f32 v7, v22;
	(xrf1) =	vsort.dscd.msk.f32 $0xffff, v5, v5;
	v7 =	vpop (erf)  }
0x25c: {  	(erf) = vpow2.f32 v13;
	(xrf1) =	vsort.dscd.msk.f32 $0xffff, v10, v10;
	v10, _, _ =	vpop (xrf1)  }
0x25d: {  	v10 =	vperm.xlane v10, v0;
	v12, _, _ =	vpop (xrf1)  }
0x25e: {  	v12 =	vperm.xlane v12, v0;
	v13, _, _ =	vpop (xrf1)  }
0x25f: {  	v10 =	vmax.f32 v13, v10;
	v13, _, _ =	vpop (xrf1)  }
0x260: {  	vm4 =	vge.f32 v8, v22;
	v12 =	vmax.f32 v13, v12;
	v13, _, _ =	vpop (xrf1)  }
0x261: {  	vm6 =	vge.f32 v3, v22;
	(xrf1) =	vsort.dscd.msk.f32 $0xffff, v10, v10;
	v10 =	vnsel vm5, $0x0, v11;
	v8, _, _ =	vpop (xrf1);
	v11 =	vbroadcast v13, $0x0  }
0x262: {  	vm7 =	vge.f32 v2, v22;
	v18 =	vnsel vm4, $0x0, v14;
	v2 =	vnsel vm6, $0x0, v7;
	v14, _, _ =	vpop (xrf2)  }
0x263: {  	v7 =	vperm.xlane v8, v0;
	v8 =	vsub.f32 v21, v11;
	v14 =	vbroadcast v14, $0xF  }
0x264: {  	(xrf1) =	vsort.dscd.msk.f32 $0xffff, v12, v12  }
0x265: {  	v3 =	vpop (erf);
	v8 =	vmul.f32 $1.442695020e+00, v8  }
0x266: {  	v3 =	vnsel vm7, $0x0, v3;
	v22, _, _ =	vpop (xrf1)  }
0x267: {  	v26 =	vsub.f32 v20, v11;
	v22 =	vperm.xlane v22, v0;
	(erf) = vrcp.f32 v14;
	v14, _, _ =	vpop (xrf1)  }
0x268: {  	v50 =	vsub.f32 v19, v11;
	v11 =	vsub.f32 v16, v11;
	v14 =	vmax.f32 v14, v7  }
0x269: {  	s28 =	simm.s32 $0x8300;
	v51 =	vadd.f32 v3, v2;
	v26 =	vmul.f32 $1.442695020e+00, v26;
	(erf) = vpow2.f32 v8;
	v8, _, _ =	vpop (xrf1);
	(xrf1) =	vsort.dscd.msk.f32 $0xffff, v14, v14  }
0x26a: {  	v12 =	vadd.f32 v10, v18;
	v34 =	vmul.f32 $1.442695020e+00, v50;
	v11 =	vmul.f32 $1.442695020e+00, v11;
	v7 =	vld [tilespmem:s28+$0xB0];
	v52, _, _ =	vpop (xrf1)  }
0x26b: {  	(erf) = vpow2.f32 v26;
	v14 =	vld [tilespmem:s28+$0x90];
	v8 =	vmax.f32 v8, v22;
	v22 =	vbroadcast v52, $0x0  }
0x26c: {  	v26 =	vadd.f32 v51, v12;
	(erf) = vpow2.f32 v34;
	(xrf1) =	vsort.dscd.msk.f32 $0xffff, v8, v8  }
0x26d: {  	(erf) = vpow2.f32 v11;
	v8 =	vld [tilespmem:s28+$0xA0];
	v11 =	vsub.f32 v29, v22  }
0x26e: {  	v12 =	vld [tilespmem:s28+$0x80];
	(xrf2) =	vadd.scan.msk.f32 $0xffff, v26  }
0x26f: {  	v53 =	vsub.f32 v28, v22;
	(xrf1) =	vsort.dscd.msk.f32 $0xffff, v7, v7;
	v54, _, _ =	vpop (xrf1);
	v11 =	vmul.f32 $1.442695020e+00, v11  }
0x270: {  	v26 =	vld [tilespmem:s28+$0x30];
	(xrf1) =	vsort.dscd.msk.f32 $0xffff, v14, v14;
	v35 =	vperm.xlane v54, v0  }
0x271: {  	v56 =	vpop (erf);
	v34 =	vmul.f32 $1.442695020e+00, v53;
	(erf) = vpow2.f32 v11;
	v11 =	vld [tilespmem:s28+$0x10]  }
0x272: {  	v57 =	vbroadcast v13, $0x7;
	v13 =	vld [tilespmem:s28+$0x20];
	v59 =	vsub.f32 v27, v22;
	v55, _, _ =	vpop (xrf1);
	(xrf1) =	vsort.dscd.msk.f32 $0xffff, v8, v8  }
0x273: {  	v58 =	vpop (erf);
	(xrf1) =	vsort.dscd.msk.f32 $0xffff, v12, v12;
	v35 =	vmax.f32 v55, v35;
	(erf) = vpow2.f32 v34  }
0x274: {  	vm8 =	vge.f32 v21, v57;
	vm9 =	vge.f32 v20, v57;
	v62 =	vmul.f32 $1.442695020e+00, v59;
	v60 =	vpop (erf);
	(xrf1) =	vsort.dscd.msk.f32 $0xffff, v35, v35  }
0x275: {  	vm10 =	vge.f32 v19, v57;
	vm11 =	vge.f32 v16, v57;
	v21 =	vpop (erf);
	(xrf1) =	vsort.dscd.msk.f32 $0xffff, v26, v26  }
0x276: {  	v61 =	vsub.f32 v15, v22;
	v22 =	vnsel vm8, $0x0, v58;
	v16 =	vpop (erf);
	(erf) = vpow2.f32 v62;
	(xrf1) =	vsort.dscd.msk.f32 $0xffff, v11, v11  }
0x277: {  	v19 =	vnsel vm9, $0x0, v60;
	v21 =	vnsel vm10, $0x0, v21;
	v16 =	vnsel vm11, $0x0, v16;
	v46, _, _ =	vpop (xrf1);
	(xrf1) =	vsort.dscd.msk.f32 $0xffff, v13, v13  }
0x278: {  	v20 =	vld [tilespmem:s28+$0x0];
	v63 =	vadd.f32 v19, v22;
	v44 =	vadd.f32 v16, v21  }
0x279: {  	v49 =	vbroadcast v52, $0x7;
	v45, _, _ =	vpop (xrf2)  }
0x27a: {  	v37 =	vadd.f32 v44, v63;
	v47, _, _ =	vpop (xrf1)  }
0x27b: {  	vm14 =	vge.f32 v27, v49;
	v27 =	vperm.xlane v46, v0;
	v48 =	vpop (erf)  }
0x27c: {  	vm13 =	vge.f32 v28, v49;
	(xrf2) =	vadd.scan.msk.f32 $0xffff, v37;
	v50 =	vpop (erf)  }
0x27d: {  	v35 =	vmul.f32 $1.442695020e+00, v61;
	v28 =	vbroadcast v45, $0xF;
	(xrf1) =	vsort.dscd.msk.f32 $0xffff, v20, v20;
	v34 =	vmax.f32 v47, v27;
	v52, _, _ =	vpop (xrf1)  }
0x27e: {  	vm12 =	vge.f32 v29, v49;
	v51 =	vmul.f32 v56, v1;
	v29, _, _ =	vpop (xrf1);
	(xrf1) =	vsort.dscd.msk.f32 $0xffff, v34, v34  }
0x27f: {  	(erf) = vpow2.f32 v35;
	v56 =	vpop (erf)  }
0x280: {  	v31 =	vmul.f32 v51, v31;
	v30 =	vmul.f32 v51, v30;
	v53, _, _ =	vpop (xrf1)  }
0x281: {  	(erf) = vrcp.f32 v28;
	v55 =	vperm.xlane v52, v0;
	v28, _, _ =	vpop (xrf1)  }
0x282: {  	v54 =	vmul.f32 v51, v32;
	v29 =	vperm.xlane v29, v0;
	v32, _, _ =	vpop (xrf1)  }
0x283: {  	vm15 =	vge.f32 v15, v49;
	[tilespmem:s24+$0x90] =	vst v31;
	v36 =	vmax.f32 v53, v55;
	v57, _, _ =	vpop (xrf1)  }
0x284: {  	v33 =	vmul.f32 v51, v33;
	[tilespmem:s24+$0xA0] =	vst v30;
	v59 =	vmax.f32 v28, v29;
	(xrf1) =	vsort.dscd.msk.f32 $0xffff, v36, v36;
	v31, _, _ =	vpop (xrf1)  }
0x285: {  	v15 =	vnsel vm12, $0x0, v48;
	v27 =	vnsel vm13, $0x0, v50;
	v58 =	vbroadcast v32, $0x0;
	v30, _, _ =	vpop (xrf1);
	(xrf1) =	vsort.dscd.msk.f32 $0xffff, v59, v59  }
0x286: {  	[tilespmem:s24+$0xB0] =	vst v33;
	v33 =	vadd.f32 v27, v15;
	v28 =	vnsel vm14, $0x0, v56;
	v62, _, _ =	vpop (xrf2)  }
0x287: {  	v61 =	vsub.f32 v24, v58;
	v63 =	vsub.f32 v9, v58;
	v37 =	vbroadcast v62, $0xF  }
0x288: {  	v60 =	vperm.xlane v57, v0;
	v29 =	vpop (erf);
	v43 =	vsub.f32 v17, v58;
	v38 =	vsub.f32 v6, v58  }
0x289: {  	v29 =	vnsel vm15, $0x0, v29;
	v31 =	vperm.xlane v31, v0;
	v42 =	vmul.f32 $1.442695020e+00, v61  }
0x28a: {  	v35 =	vmul.f32 $1.442695020e+00, v63;
	(erf) = vrcp.f32 v37;
	v39 =	vmax.f32 v30, v60;
	v30 =	vpop (erf)  }
0x28b: {  	s29 =	simm.s32 $0x106;
	s30 =	simm.s32 $0x8400;
	[tilespmem:s24+$0x80] =	vst v54;
	v34 =	vadd.f32 v29, v28;
	v36 =	vmul.f32 $1.442695020e+00, v43;
	(erf) = vpow2.f32 v42;
	v37, _, _ =	vpop (xrf1)  }
.LBB2_6:
0x28c: {  	v37 =	vmax.f32 v37, v31;
	(xrf1) =	vsort.dscd.msk.f32 $0xffff, v39, v39;
	v38 =	vmul.f32 $1.442695020e+00, v38;
	v39, _, _ =	vpop (xrf1);
	(erf) = vpow2.f32 v35  }
0x28d: {  	v40 =	vld [tilespmem:s30+$0xB0];
	v31 =	vmovc v27;
	v27 =	vmovc v2;
	v2 =	vmov v28;
	v28 =	vmov v3;
	v3 =	vmov v29  }
0x28e: {  	v33 =	vadd.f32 v34, v33;
	v29 =	vld [tilespmem:s30+$0x90];
	(xrf1) =	vsort.dscd.msk.f32 $0xffff, v37, v37;
	v35 =	vbroadcast v39, $0x0;
	(erf) = vpow2.f32 v36  }
0x28f: {  	v36 =	vbroadcast v39, $0x7;
	v34 =	vld [tilespmem:s30+$0xA0];
	(erf) = vpow2.f32 v38  }
0x290: {  	v30 =	vmul.f32 v30, v1;
	v37 =	vld [tilespmem:s30+$0x80];
	v38 =	vsub.f32 v5, v35;
	v39 =	vsub.f32 v23, v35;
	(xrf2) =	vadd.scan.msk.f32 $0xffff, v33  }
0x291: {  	s29 =	sadd.s32 $0x2, s29;
	vm3 =	vge.f32 v5, v36;
	v33 =	vsub.f32 v25, v35;
	v35 =	vsub.f32 v4, v35;
	v5 =	vmovc v20;
	v41 =	vld [tilespmem:s30+$0x30]  }
0x292: {  	p0 =	slt.u32 s29, $0x17E;
	vm2 =	vge.f32 v23, v36;
	v42 =	vld [tilespmem:s30+$0x10];
	(xrf1) =	vsort.dscd.msk.f32 $0xffff, v40, v40;
	v20, _, _ =	vpop (xrf1);
	v38 =	vmul.f32 $1.442695020e+00, v38;
	v23 =	vmul.f32 $1.442695020e+00, v39  }
0x293: {  	vm1 =	vge.f32 v25, v36;
	v25 =	vmul.f32 $1.442695020e+00, v33;
	v39 =	vld [tilespmem:s30+$0x20];
	(xrf1) =	vsort.dscd.msk.f32 $0xffff, v29, v29;
	v43 =	vperm.xlane v20, v0;
	v44, _, _ =	vpop (xrf1)  }
0x294: {  	vm0 =	vge.f32 v4, v36;
	v33 =	vmul.f32 $1.442695020e+00, v35;
	v20 =	vld [tilespmem:s30+$0x0];
	(xrf1) =	vsort.dscd.msk.f32 $0xffff, v34, v34;
	(erf) = vpow2.f32 v38;
	v4 =	vpop (erf)  }
0x295: {  	v32 =	vbroadcast v32, $0x7;
	(xrf1) =	vsort.dscd.msk.f32 $0xffff, v37, v37;
	v35 =	vmax.f32 v44, v43;
	v36 =	vpop (erf);
	v38 =	vmul.f32 v4, v1  }
0x296: {  	v18 =	vmul.f32 v30, v18;
	v4 =	vmov v26;
	(xrf1) =	vsort.dscd.msk.f32 $0xffff, v35, v35;
	(erf) = vpow2.f32 v23;
	v23 =	vpop (erf)  }
0x297: {  	vm4 =	vge.f32 v24, v32;
	vm5 =	vge.f32 v9, v32;
	v9 =	vpop (erf);
	v24 =	vmul.f32 v38, v16  }
0x298: {  	vm6 =	vge.f32 v6, v32;
	v35 =	vnsel vm4, $0x0, v36;
	vm4 =	vge.f32 v17, v32;
	(xrf1) =	vsort.dscd.msk.f32 $0xffff, v41, v41;
	v6 =	vpop (erf)  }
0x299: {  	v36 =	vnsel vm5, $0x0, v23;
	v43 =	vnsel vm4, $0x0, v9;
	v16 =	vnsel vm6, $0x0, v6;
	[tilespmem:s25+$0xB0] =	vst v24;
	v6 =	vmovc v7;
	v7 =	vmovc v40  }
0x29a: {  	v10 =	vmul.f32 v30, v10;
	v17 =	vadd.f32 v36, v35;
	v26 =	vadd.f32 v16, v43;
	v9, _, _ =	vpop (xrf2);
	[tilespmem:s24+$0x0] =	vst v18  }
0x29b: {  	v24 =	vmul.f32 v30, v27;
	(xrf1) =	vsort.dscd.msk.f32 $0xffff, v42, v42;
	v18, _, _ =	vpop (xrf1);
	v32 =	vbroadcast v9, $0xF;
	v9 =	vmov v14  }
0x29c: {  	(xrf1) =	vsort.dscd.msk.f32 $0xffff, v39, v39;
	v27 =	vperm.xlane v18, v0;
	v18, _, _ =	vpop (xrf1);
	v26 =	vadd.f32 v26, v17;
	(erf) = vpow2.f32 v25  }
0x29d: {  	v22 =	vmul.f32 v38, v22;
	(xrf1) =	vsort.dscd.msk.f32 $0xffff, v20, v20;
	v23 =	vpop (erf);
	[tilespmem:s24+$0x10] =	vst v10;
	v10 =	vmul.f32 v30, v28  }
0x29e: {  	v14 =	vmovc v29;
	v18 =	vmax.f32 v18, v27;
	v30 =	vnsel vm3, $0x0, v23;
	(erf) = vpow2.f32 v33;
	(xrf2) =	vadd.scan.msk.f32 $0xffff, v26  }
0x29f: {  	(xrf1) =	vsort.dscd.msk.f32 $0xffff, v18, v18;
	v17 =	vpop (erf);
	v18 =	vmul.f32 v38, v19;
	v19 =	vmul.f32 v38, v21;
	[tilespmem:s24+$0x20] =	vst v24  }
0x2a0: {  	v21, _, _ =	vpop (xrf1);
	v27 =	vnsel vm2, $0x0, v17;
	[tilespmem:s24+$0x30] =	vst v10;
	v17 =	vmov v8;
	v8 =	vmov v34;
	s24 =	smov.u32 s25;
	s25 =	smov.u32 s26;
	s26 =	smov.u32 s28  }
0x2a1: {  	v24 =	vmov v12;
	s28 =	smov.u32 s30;
	v10 =	vperm.xlane v21, v0;
	v21, _, _ =	vpop (xrf1);
	v33 =	vadd.f32 v27, v30;
	[tilespmem:s24+$0x80] =	vst v22  }
0x2a2: {  	v12 =	vmov v37;
	v26 =	vmov v41;
	v21 =	vperm.xlane v21, v0;
	v22, _, _ =	vpop (xrf1);
	[tilespmem:s24+$0x90] =	vst v18  }
0x2a3: {  	v23 =	vmov v11;
	v28 =	vmax.f32 v22, v10;
	v18, _, _ =	vpop (xrf1);
	[tilespmem:s24+$0xA0] =	vst v19;
	(erf) = vrcp.f32 v32  }
0x2a4: {  	v25 =	vmov v13;
	v11 =	vmov v42;
	v29 =	vmax.f32 v18, v21;
	(xrf1) =	vsort.dscd.msk.f32 $0xffff, v28, v28;
	v32, _, _ =	vpop (xrf1)  }
0x2a5: {  	v13 =	vmov v39;
	v22 =	vmov v35;
	v19 =	vmov v36;
	(xrf1) =	vsort.dscd.msk.f32 $0xffff, v29, v29;
	v10 =	vpop (erf)  }
0x2a6: {  	v36 =	vbroadcast v32, $0x0;
	v18, _, _ =	vpop (xrf1);
	v28 =	vnsel vm1, $0x0, v10;
	v21 =	vmov v43  }
0x2a7: {  	v39 =	vperm.xlane v18, v0;
	v10 =	vpop (erf);
	v18 =	vmov v15;
	v15 =	vmov v30  }
.Ltmp2:
0x2a8: {  	v30 =	vsub.f32 v24, v36;
	v29 =	vnsel vm0, $0x0, v10;
	v35, _, _ =	vpop (xrf2);
	v10 =	vmov v31;
	(pc) =	sbr.rel @p0 .LBB2_6-.Ltmp2, $4  }
0x2a9: {  	v38 =	vsub.f32 v9, v36;
	v31, _, _ =	vpop (xrf1);
	v34 =	vadd.f32 v29, v28;
	v40 =	vbroadcast v35, $0xF  }
0x2aa: {  	v42 =	vsub.f32 v17, v36;
	v43 =	vmul.f32 $1.442695020e+00, v30;
	v31 =	vperm.xlane v31, v0;
	v41, _, _ =	vpop (xrf1)  }
0x2ab: {  	v35 =	vmul.f32 $1.442695020e+00, v38;
	v38 =	vsub.f32 v6, v36;
	v37, _, _ =	vpop (xrf1);
	(erf) = vrcp.f32 v40  }
0x2ac: {  	s30 =	sadd.s32 $0x100, s30;
	v36 =	vmul.f32 $1.442695020e+00, v42;
	v39 =	vmax.f32 v41, v39;
	(erf) = vpow2.f32 v43;
	v30 =	vpop (erf)  }
0x2ad: {  	(xrf1) =	vsort.dscd.msk.f32 $0xffff, v39, v39  }
0x2ae: {  	v31 =	vmax.f32 v37, v31  }
0x2af: {  	v38 =	vmul.f32 $1.442695020e+00, v38;
	(erf) = vpow2.f32 v35;
	(xrf1) =	vsort.dscd.msk.f32 $0xffff, v31, v31  }
0x2b0: {  	(erf) = vpow2.f32 v36  }
0x2b1: {  	(erf) = vpow2.f32 v38;
	_ =	sdelay $0x1  }
0x2b2: {  	v31, _, _ =	vpop (xrf1)  }
0x2b3: {  	v42, _, _ =	vpop (xrf1)  }
0x2b4: {  	v43, _, _ =	vpop (xrf1)  }
0x2b5: {  	v35 =	vperm.xlane v42, v0;
	v37 =	vpop (erf)  }
0x2b6: {  	v32 =	vbroadcast v32, $0x7;
	v44 =	vpop (erf)  }
0x2b7: {  	v33 =	vadd.f32 v34, v33;
	v35 =	vmax.f32 v43, v35;
	v45 =	vpop (erf)  }
0x2b8: {  	vm0 =	vge.f32 v24, v32;
	vm1 =	vge.f32 v9, v32;
	(xrf1) =	vsort.dscd.msk.f32 $0xffff, v35, v35;
	v24 =	vpop (erf)  }
0x2b9: {  	vm12 =	vge.f32 v17, v32;
	vm2 =	vge.f32 v6, v32;
	v9 =	vnsel vm0, $0x0, v44;
	v46 =	vpop (erf)  }
0x2ba: {  	v17 =	vnsel vm1, $0x0, v45;
	v6 =	vnsel vm12, $0x0, v24;
	v24 =	vnsel vm2, $0x0, v46;
	v49, _, _ =	vpop (xrf1)  }
0x2bb: {  	v47 =	vadd.f32 v17, v9;
	v48 =	vadd.f32 v24, v6;
	v34 =	vperm.xlane v49, v0  }
0x2bc: {  	v50, _, _ =	vpop (xrf1)  }
0x2bd: {  	(xrf2) =	vadd.scan.msk.f32 $0xffff, v33;
	v32 =	vadd.f32 v48, v47;
	v33 =	vmax.f32 v50, v34  }
0x2be: {  	(xrf1) =	vsort.dscd.msk.f32 $0xffff, v33, v33  }
0x2bf: {  	(xrf2) =	vadd.scan.msk.f32 $0xffff, v32  }
0x2c0: {  	v51 =	vbroadcast v31, $0x0;
	_ =	sdelay $0x1  }
0x2c1: {  	v52 =	vsub.f32 v5, v51  }
0x2c2: {  	v53 =	vsub.f32 v23, v51;
	v54 =	vsub.f32 v25, v51  }
0x2c3: {  	v31 =	vbroadcast v31, $0x7;
	v32 =	vsub.f32 v4, v51;
	v33 =	vmul.f32 $1.442695020e+00, v52  }
0x2c4: {  	v35 =	vmul.f32 $1.442695020e+00, v54;
	v34 =	vmul.f32 $1.442695020e+00, v53  }
0x2c5: {  	v32 =	vmul.f32 $1.442695020e+00, v32;
	(erf) = vpow2.f32 v33;
	v55, _, _ =	vpop (xrf1)  }
0x2c6: {  	v57, _, _ =	vpop (xrf2);
	(erf) = vpow2.f32 v34;
	v56 =	vbroadcast v55, $0x0  }
0x2c7: {  	v34 =	vbroadcast v57, $0xF;
	(erf) = vpow2.f32 v35  }
0x2c8: {  	(erf) = vpow2.f32 v32;
	v58 =	vsub.f32 v12, v56;
	v60 =	vsub.f32 v14, v56;
	v59, _, _ =	vpop (xrf2)  }
0x2c9: {  	(erf) = vrcp.f32 v34;
	v62 =	vsub.f32 v8, v56;
	v38 =	vbroadcast v59, $0xF  }
0x2ca: {  	v61 =	vmul.f32 $1.442695020e+00, v58;
	v32 =	vmul.f32 $1.442695020e+00, v60  }
0x2cb: {  	v33 =	vsub.f32 v7, v56;
	v35 =	vmul.f32 $1.442695020e+00, v62;
	(erf) = vrcp.f32 v38;
	v63, _, _ =	vpop (xrf1)  }
0x2cc: {  	(erf) = vpow2.f32 v61;
	v44 =	vbroadcast v63, $0x0  }
0x2cd: {  	v33 =	vmul.f32 $1.442695020e+00, v33;
	(erf) = vpow2.f32 v32  }
0x2ce: {  	vm14 =	vge.f32 v23, v31;
	(erf) = vpow2.f32 v35;
	v23 =	vsub.f32 v20, v44  }
0x2cf: {  	vm13 =	vge.f32 v5, v31;
	v5 =	vpop (erf);
	(erf) = vpow2.f32 v33  }
0x2d0: {  	v36 =	vbroadcast v55, $0x7;
	v45 =	vpop (erf);
	v23 =	vmul.f32 $1.442695020e+00, v23  }
0x2d1: {  	vm15 =	vge.f32 v25, v31;
	vm3 =	vge.f32 v4, v31;
	v25 =	vpop (erf)  }
0x2d2: {  	vm4 =	vge.f32 v12, v36;
	vm5 =	vge.f32 v14, v36;
	v46 =	vpop (erf);
	v4 =	vsub.f32 v11, v44  }
0x2d3: {  	vm6 =	vge.f32 v8, v36;
	vm7 =	vge.f32 v7, v36;
	v47 =	vpop (erf);
	v31 =	vsub.f32 v13, v44  }
0x2d4: {  	v32 =	vsub.f32 v26, v44;
	v4 =	vmul.f32 $1.442695020e+00, v4;
	(erf) = vpow2.f32 v23;
	v23 =	vpop (erf)  }
0x2d5: {  	v5 =	vnsel vm13, $0x0, v5;
	v25 =	vnsel vm15, $0x0, v25;
	v31 =	vmul.f32 $1.442695020e+00, v31;
	v48 =	vpop (erf)  }
0x2d6: {  	v35 =	vnsel vm3, $0x0, v46;
	v32 =	vmul.f32 $1.442695020e+00, v32;
	(erf) = vpow2.f32 v4;
	v41 =	vpop (erf)  }
0x2d7: {  	v33 =	vnsel vm14, $0x0, v45;
	v40 =	vadd.f32 v35, v25;
	(erf) = vpow2.f32 v31;
	v12 =	vpop (erf)  }
0x2d8: {  	v4 =	vadd.f32 v33, v5;
	(erf) = vpow2.f32 v32;
	v14 =	vnsel vm4, $0x0, v48;
	v7 =	vpop (erf)  }
0x2d9: {  	v8 =	vnsel vm5, $0x0, v41;
	v12 =	vnsel vm6, $0x0, v12;
	v7 =	vnsel vm7, $0x0, v7  }
0x2da: {  	v31 =	vadd.f32 v8, v14;
	v49 =	vadd.f32 v7, v12  }
0x2db: {  	v4 =	vadd.f32 v40, v4  }
0x2dc: {  	v31 =	vadd.f32 v49, v31;
	_ =	sdelay $0x2  }
0x2dd: {  	v50 =	vbroadcast v63, $0x7;
	(xrf2) =	vadd.scan.msk.f32 $0xffff, v4;
	v4 =	vpop (erf)  }
0x2de: {  	(xrf2) =	vadd.scan.msk.f32 $0xffff, v31;
	v31 =	vpop (erf)  }
0x2df: {  	vm8 =	vge.f32 v20, v50;
	vm9 =	vge.f32 v11, v50;
	v11 =	vpop (erf)  }
0x2e0: {  	vm10 =	vge.f32 v13, v50;
	vm11 =	vge.f32 v26, v50;
	v4 =	vnsel vm8, $0x0, v4;
	v13 =	vpop (erf)  }
0x2e1: {  	v20 =	vnsel vm9, $0x0, v31;
	v11 =	vnsel vm10, $0x0, v11;
	v13 =	vnsel vm11, $0x0, v13  }
0x2e2: {  	v26 =	vadd.f32 v20, v4;
	v31 =	vadd.f32 v13, v11;
	_ =	sdelay $0x1  }
0x2e3: {  	v26 =	vadd.f32 v31, v26  }
0x2e4: {  	v30 =	vmul.f32 v30, v1;
	_ =	sdelay $0x1  }
0x2e5: {  	v10 =	vmul.f32 v30, v10;
	v31 =	vmul.f32 v37, v1;
	(xrf2) =	vadd.scan.msk.f32 $0xffff, v26  }
0x2e6: {  	v2 =	vmul.f32 v30, v2;
	v26, _, _ =	vpop (xrf2)  }
0x2e7: {  	[tilespmem:s24+$0x10] =	vst v10;
	v16 =	vmul.f32 v31, v16;
	v26 =	vbroadcast v26, $0xF  }
0x2e8: {  	v3 =	vmul.f32 v30, v3;
	[tilespmem:s24+$0x20] =	vst v2;
	v10 =	vmul.f32 v31, v22;
	v51, _, _ =	vpop (xrf2)  }
0x2e9: {  	[tilespmem:s25+$0xB0] =	vst v16;
	v16 =	vbroadcast v51, $0xF;
	(erf) = vrcp.f32 v26  }
0x2ea: {  	[tilespmem:s24+$0x30] =	vst v3;
	v3 =	vmul.f32 v23, v1;
	v2 =	vmul.f32 v31, v19  }
0x2eb: {  	[tilespmem:s25+$0x80] =	vst v10;
	(erf) = vrcp.f32 v16;
	v16 =	vmul.f32 v31, v21  }
0x2ec: {  	v10 =	vmul.f32 v47, v1;
	[tilespmem:s25+$0x90] =	vst v2;
	v2 =	vmul.f32 v3, v24;
	_ =	sdelay $0x1  }
0x2ed: {  	v15 =	vmul.f32 v10, v15;
	[tilespmem:s26+$0xB0] =	vst v2  }
0x2ee: {  	v18 =	vmul.f32 v30, v18;
	v2 =	vmul.f32 v10, v27;
	[tilespmem:s25+$0xA0] =	vst v16;
	v16, _, _ =	vpop (xrf2)  }
0x2ef: {  	v9 =	vmul.f32 v3, v9;
	[tilespmem:s25+$0x0] =	vst v15;
	v16 =	vbroadcast v16, $0xF  }
0x2f0: {  	v15 =	vmul.f32 v10, v28;
	[tilespmem:s25+$0x10] =	vst v2;
	v2 =	vmul.f32 v10, v29  }
0x2f1: {  	[tilespmem:s24+$0x0] =	vst v18;
	(erf) = vrcp.f32 v16;
	v16 =	vmul.f32 v3, v17;
	v10 =	vpop (erf)  }
0x2f2: {  	[tilespmem:s26+$0x80] =	vst v9;
	v3 =	vmul.f32 v3, v6;
	v6 =	vmul.f32 v10, v1  }
0x2f3: {  	[tilespmem:s25+$0x20] =	vst v15  }
0x2f4: {  	v15 =	vpop (erf);
	[tilespmem:s26+$0xA0] =	vst v3;
	v3 =	vmul.f32 v6, v5  }
0x2f5: {  	[tilespmem:s25+$0x30] =	vst v2;
	v2 =	vmul.f32 v15, v1  }
0x2f6: {  	v5 =	vmul.f32 v6, v33;
	[tilespmem:s26+$0x0] =	vst v3;
	v3 =	vmul.f32 v6, v25  }
0x2f7: {  	[tilespmem:s26+$0x90] =	vst v16;
	v7 =	vmul.f32 v2, v7  }
0x2f8: {  	[tilespmem:s26+$0x10] =	vst v5  }
0x2f9: {  	v5 =	vmul.f32 v6, v35;
	[tilespmem:s28+$0xB0] =	vst v7  }
0x2fa: {  	v6 =	vmul.f32 v2, v14;
	[tilespmem:s26+$0x20] =	vst v3;
	v3 =	vpop (erf)  }
0x2fb: {  	v7 =	vmul.f32 v2, v8;
	[tilespmem:s26+$0x30] =	vst v5;
	v3 =	vmul.f32 v3, v1  }
0x2fc: {  	v2 =	vmul.f32 v2, v12;
	[tilespmem:s28+$0x80] =	vst v6  }
0x2fd: {  	[tilespmem:s28+$0x90] =	vst v7;
	v4 =	vmul.f32 v3, v4  }
0x2fe: {  	[tilespmem:s28+$0xA0] =	vst v2;
	v2 =	vmul.f32 v3, v20  }
0x2ff: {  	[tilespmem:s28+$0x0] =	vst v4;
	v4 =	vmul.f32 v3, v11  }
0x300: {  	[tilespmem:s28+$0x10] =	vst v2;
	v2 =	vmul.f32 v3, v13  }
0x301: {  	[tilespmem:s28+$0x20] =	vst v4  }
0x302: {  	[tilespmem:s28+$0x30] =	vst v2  }
0x303: {  	[hbm4b:s10+s2] =	stream.linear.scatter [tilespmem:s14], [sflag:$0x5], $0x4000, $0x38;
	[tilespmem:$0x10080] =	vst v63  }
0x304: {  	_ =	swait.ge [sflag:s21], $0x4000  }
0x305: {  	[sflag:s21] =	ssyncset.done $0x0  }
0x306: {  	s24 =	simm.s32 $0xC000;
	[sflag:s21] =	ssyncadd.s32 $0xFFFFC000  }
0x307: {  	v5 =	vld [tilespmem:s24+$0xB0]  }
0x308: {  	v11 =	vld [tilespmem:s24+$0x90]  }
0x309: {  	v10 =	vld [tilespmem:s24+$0xA0]  }
0x30a: {  	v12 =	vld [tilespmem:s24+$0x80];
	_ =	sdelay $0x1  }
0x30b: {  	(xrf1) =	vsort.dscd.msk.f32 $0xffff, v5, v5  }
0x30c: {  	(xrf1) =	vsort.dscd.msk.f32 $0xffff, v11, v11  }
0x30d: {  	v2 =	vld [tilespmem:s24+$0x30];
	(xrf1) =	vsort.dscd.msk.f32 $0xffff, v10, v10  }
0x30e: {  	v7 =	vld [tilespmem:s24+$0x10];
	(xrf1) =	vsort.dscd.msk.f32 $0xffff, v12, v12  }
0x30f: {  	v3 =	vld [tilespmem:s24+$0x20];
	_ =	sdelay $0x1  }
0x310: {  	v8 =	vld [tilespmem:s24+$0x0]  }
0x311: {  	(xrf1) =	vsort.dscd.msk.f32 $0xffff, v2, v2  }
0x312: {  	(xrf1) =	vsort.dscd.msk.f32 $0xffff, v7, v7  }
0x313: {  	(xrf1) =	vsort.dscd.msk.f32 $0xffff, v3, v3;
	_ =	sdelay $0x1  }
0x314: {  	(xrf1) =	vsort.dscd.msk.f32 $0xffff, v8, v8;
	_ =	sdelay $0x2  }
0x315: {  	v4, _, _ =	vpop (xrf1)  }
0x316: {  	v4 =	vperm.xlane v4, v0;
	v6, _, _ =	vpop (xrf1)  }
0x317: {  	v9, _, _ =	vpop (xrf1);
	v6 =	vperm.xlane v6, v0  }
0x318: {  	v4 =	vmax.f32 v9, v4;
	v9, _, _ =	vpop (xrf1)  }
0x319: {  	(xrf1) =	vsort.dscd.msk.f32 $0xffff, v4, v4;
	v4 =	vmax.f32 v9, v6;
	_ =	sdelay $0x1  }
0x31a: {  	(xrf1) =	vsort.dscd.msk.f32 $0xffff, v4, v4  }
0x31b: {  	v4, _, _ =	vpop (xrf1)  }
0x31c: {  	v4 =	vperm.xlane v4, v0;
	v6, _, _ =	vpop (xrf1)  }
0x31d: {  	v9, _, _ =	vpop (xrf1)  }
0x31e: {  	v6 =	vperm.xlane v6, v0;
	v4 =	vmax.f32 v9, v4  }
0x31f: {  	s25 =	simm.s32 $0xC100;
	v9, _, _ =	vpop (xrf1);
	(xrf1) =	vsort.dscd.msk.f32 $0xffff, v4, v4  }
0x320: {  	v16 =	vld [tilespmem:s25+$0xB0];
	v4 =	vmax.f32 v9, v6  }
0x321: {  	v20 =	vld [tilespmem:s25+$0x90];
	(xrf1) =	vsort.dscd.msk.f32 $0xffff, v4, v4  }
0x322: {  	v19 =	vld [tilespmem:s25+$0xA0];
	_ =	sdelay $0x1  }
0x323: {  	v21 =	vld [tilespmem:s25+$0x80]  }
0x324: {  	(xrf1) =	vsort.dscd.msk.f32 $0xffff, v16, v16  }
0x325: {  	(xrf1) =	vsort.dscd.msk.f32 $0xffff, v20, v20;
	v4, _, _ =	vpop (xrf1)  }
0x326: {  	(xrf1) =	vsort.dscd.msk.f32 $0xffff, v19, v19;
	v4 =	vperm.xlane v4, v0  }
0x327: {  	v6, _, _ =	vpop (xrf1)  }
0x328: {  	v15 =	vld [tilespmem:s25+$0x30];
	(xrf1) =	vsort.dscd.msk.f32 $0xffff, v21, v21;
	v4 =	vmax.f32 v6, v4  }
0x329: {  	v28 =	vld [tilespmem:s25+$0x10];
	(xrf1) =	vsort.dscd.msk.f32 $0xffff, v4, v4  }
0x32a: {  	v27 =	vld [tilespmem:s25+$0x20]  }
0x32b: {  	v29 =	vld [tilespmem:s25+$0x0]  }
0x32c: {  	v4, _, _ =	vpop (xrf1)  }
0x32d: {  	(xrf1) =	vsort.dscd.msk.f32 $0xffff, v15, v15;
	v4 =	vperm.xlane v4, v0  }
0x32e: {  	(xrf1) =	vsort.dscd.msk.f32 $0xffff, v28, v28;
	v6, _, _ =	vpop (xrf1)  }
0x32f: {  	(xrf1) =	vsort.dscd.msk.f32 $0xffff, v27, v27;
	v4 =	vmax.f32 v6, v4  }
0x330: {  	(xrf1) =	vsort.dscd.msk.f32 $0xffff, v29, v29  }
0x331: {  	(xrf1) =	vsort.dscd.msk.f32 $0xffff, v4, v4  }
0x332: {  	v4, _, _ =	vpop (xrf1)  }
0x333: {  	v4 =	vperm.xlane v4, v0;
	v6, _, _ =	vpop (xrf1)  }
0x334: {  	v9, _, _ =	vpop (xrf1)  }
0x335: {  	v6 =	vperm.xlane v6, v0;
	v4 =	vmax.f32 v9, v4  }
0x336: {  	v9, _, _ =	vpop (xrf1);
	(xrf1) =	vsort.dscd.msk.f32 $0xffff, v4, v4  }
0x337: {  	v4 =	vmax.f32 v9, v6;
	v13, _, _ =	vpop (xrf1)  }
0x338: {  	(xrf1) =	vsort.dscd.msk.f32 $0xffff, v4, v4;
	v4 =	vbroadcast v13, $0x0;
	_ =	sdelay $0x1  }
0x339: {  	v6 =	vsub.f32 v12, v4  }
0x33a: {  	v9, _, _ =	vpop (xrf1);
	v14 =	vsub.f32 v11, v4  }
0x33b: {  	v9 =	vperm.xlane v9, v0;
	v17, _, _ =	vpop (xrf1);
	v6 =	vmul.f32 $1.442695020e+00, v6  }
0x33c: {  	v17 =	vperm.xlane v17, v0;
	v22, _, _ =	vpop (xrf1);
	v14 =	vmul.f32 $1.442695020e+00, v14  }
0x33d: {  	v18 =	vsub.f32 v10, v4;
	v23, _, _ =	vpop (xrf1);
	v9 =	vmax.f32 v22, v9;
	(erf) = vpow2.f32 v6  }
0x33e: {  	v4 =	vsub.f32 v5, v4;
	(xrf1) =	vsort.dscd.msk.f32 $0xffff, v9, v9;
	v22, _, _ =	vpop (xrf1);
	(erf) = vpow2.f32 v14;
	v14 =	vmax.f32 v23, v17  }
0x33f: {  	s26 =	simm.s32 $0xC200;
	v18 =	vmul.f32 $1.442695020e+00, v18;
	(xrf1) =	vsort.dscd.msk.f32 $0xffff, v14, v14;
	v14 =	vbroadcast v22, $0x0  }
0x340: {  	v4 =	vmul.f32 $1.442695020e+00, v4;
	v6 =	vld [tilespmem:s26+$0xB0]  }
0x341: {  	v9 =	vld [tilespmem:s26+$0x90];
	(erf) = vpow2.f32 v18;
	v23 =	vsub.f32 v7, v14  }
0x342: {  	v17 =	vld [tilespmem:s26+$0xA0];
	(erf) = vpow2.f32 v4;
	v18 =	vsub.f32 v8, v14  }
0x343: {  	v24 =	vld [tilespmem:s26+$0x80];
	v25, _, _ =	vpop (xrf1)  }
0x344: {  	v18 =	vmul.f32 $1.442695020e+00, v18;
	v25 =	vperm.xlane v25, v0  }
0x345: {  	(xrf1) =	vsort.dscd.msk.f32 $0xffff, v6, v6;
	v26 =	vmul.f32 $1.442695020e+00, v23;
	v23, _, _ =	vpop (xrf1)  }
0x346: {  	(xrf1) =	vsort.dscd.msk.f32 $0xffff, v9, v9;
	(erf) = vpow2.f32 v18;
	v18 =	vmax.f32 v23, v25  }
0x347: {  	v13 =	vbroadcast v13, $0x7;
	v4 =	vld [tilespmem:s26+$0x30];
	v52 =	vsub.f32 v3, v14;
	(xrf1) =	vsort.dscd.msk.f32 $0xffff, v17, v17  }
0x348: {  	(xrf1) =	vsort.dscd.msk.f32 $0xffff, v24, v24;
	v30 =	vpop (erf)  }
0x349: {  	vm12 =	vge.f32 v12, v13;
	vm14 =	vge.f32 v10, v13;
	v10 =	vmul.f32 $1.442695020e+00, v52;
	(xrf1) =	vsort.dscd.msk.f32 $0xffff, v18, v18;
	v18 =	vpop (erf)  }
0x34a: {  	vm13 =	vge.f32 v11, v13;
	vm15 =	vge.f32 v5, v13;
	(erf) = vpow2.f32 v26;
	v11 =	vpop (erf)  }
0x34b: {  	v14 =	vsub.f32 v2, v14;
	v23 =	vld [tilespmem:s26+$0x10];
	v32 =	vnsel vm12, $0x0, v30;
	v5 =	vpop (erf);
	(erf) = vpow2.f32 v10  }
0x34c: {  	(xrf1) =	vsort.dscd.msk.f32 $0xffff, v4, v4;
	v31 =	vnsel vm13, $0x0, v18;
	v30 =	vnsel vm14, $0x0, v11;
	v53 =	vnsel vm15, $0x0, v5  }
0x34d: {  	v25 =	vld [tilespmem:s26+$0x20];
	v11 =	vadd.f32 v31, v32;
	v12 =	vadd.f32 v53, v30;
	_ =	sdelay $0x1  }
0x34e: {  	v13 =	vmul.f32 $1.442695020e+00, v14;
	v14, _, _ =	vpop (xrf1);
	v5 =	vld [tilespmem:s26+$0x0];
	v11 =	vadd.f32 v12, v11  }
0x34f: {  	(xrf1) =	vsort.dscd.msk.f32 $0xffff, v23, v23;
	v10 =	vperm.xlane v14, v0  }
0x350: {  	v12, _, _ =	vpop (xrf1);
	(xrf2) =	vadd.scan.msk.f32 $0xffff, v11  }
0x351: {  	v22 =	vbroadcast v22, $0x7;
	(xrf1) =	vsort.dscd.msk.f32 $0xffff, v25, v25;
	v14 =	vpop (erf);
	v10 =	vmax.f32 v12, v10  }
0x352: {  	v11 =	vpop (erf)  }
0x353: {  	vm5 =	vge.f32 v7, v22;
	(xrf1) =	vsort.dscd.msk.f32 $0xffff, v5, v5;
	v7 =	vpop (erf)  }
0x354: {  	(erf) = vpow2.f32 v13;
	(xrf1) =	vsort.dscd.msk.f32 $0xffff, v10, v10;
	v10, _, _ =	vpop (xrf1)  }
0x355: {  	v10 =	vperm.xlane v10, v0;
	v12, _, _ =	vpop (xrf1)  }
0x356: {  	v13, _, _ =	vpop (xrf1)  }
0x357: {  	v10 =	vmax.f32 v13, v10;
	v13, _, _ =	vpop (xrf1)  }
0x358: {  	vm4 =	vge.f32 v8, v22;
	v12 =	vperm.xlane v12, v0;
	v54, _, _ =	vpop (xrf1)  }
0x359: {  	vm6 =	vge.f32 v3, v22;
	(xrf1) =	vsort.dscd.msk.f32 $0xffff, v10, v10;
	v10 =	vnsel vm5, $0x0, v11;
	v8, _, _ =	vpop (xrf1);
	v11 =	vbroadcast v54, $0x0  }
0x35a: {  	vm7 =	vge.f32 v2, v22;
	v2 =	vnsel vm6, $0x0, v7;
	v12 =	vmax.f32 v13, v12;
	v13, _, _ =	vpop (xrf2)  }
0x35b: {  	(xrf1) =	vsort.dscd.msk.f32 $0xffff, v12, v12;
	v7 =	vperm.xlane v8, v0;
	v8 =	vsub.f32 v21, v11;
	v13 =	vbroadcast v13, $0xF;
	_ =	sdelay $0x1  }
0x35c: {  	v3 =	vpop (erf);
	v8 =	vmul.f32 $1.442695020e+00, v8  }
0x35d: {  	v18 =	vnsel vm4, $0x0, v14;
	v3 =	vnsel vm7, $0x0, v3;
	v14, _, _ =	vpop (xrf1)  }
0x35e: {  	v22 =	vsub.f32 v20, v11;
	v14 =	vperm.xlane v14, v0;
	(erf) = vrcp.f32 v13;
	v13, _, _ =	vpop (xrf1)  }
0x35f: {  	v26 =	vsub.f32 v19, v11;
	v11 =	vsub.f32 v16, v11;
	v13 =	vmax.f32 v13, v7  }
0x360: {  	s28 =	simm.s32 $0xC300;
	v55 =	vadd.f32 v3, v2;
	v22 =	vmul.f32 $1.442695020e+00, v22;
	(erf) = vpow2.f32 v8;
	v8, _, _ =	vpop (xrf1);
	(xrf1) =	vsort.dscd.msk.f32 $0xffff, v13, v13  }
0x361: {  	v12 =	vadd.f32 v10, v18;
	v26 =	vmul.f32 $1.442695020e+00, v26;
	v11 =	vmul.f32 $1.442695020e+00, v11;
	v7 =	vld [tilespmem:s28+$0xB0];
	v56, _, _ =	vpop (xrf1)  }
0x362: {  	(erf) = vpow2.f32 v22;
	v13 =	vld [tilespmem:s28+$0x90];
	v8 =	vmax.f32 v8, v14;
	v22 =	vbroadcast v56, $0x0  }
0x363: {  	v12 =	vadd.f32 v55, v12;
	(erf) = vpow2.f32 v26;
	(xrf1) =	vsort.dscd.msk.f32 $0xffff, v8, v8  }
0x364: {  	(erf) = vpow2.f32 v11;
	v8 =	vld [tilespmem:s28+$0xA0];
	v11 =	vsub.f32 v29, v22  }
0x365: {  	(xrf2) =	vadd.scan.msk.f32 $0xffff, v12;
	v14 =	vld [tilespmem:s28+$0x80];
	v12 =	vsub.f32 v28, v22  }
0x366: {  	(xrf1) =	vsort.dscd.msk.f32 $0xffff, v7, v7;
	v57, _, _ =	vpop (xrf1);
	v11 =	vmul.f32 $1.442695020e+00, v11  }
0x367: {  	v26 =	vld [tilespmem:s28+$0x30];
	(xrf1) =	vsort.dscd.msk.f32 $0xffff, v13, v13;
	v59 =	vpop (erf);
	v12 =	vmul.f32 $1.442695020e+00, v12  }
0x368: {  	v35 =	vperm.xlane v57, v0;
	v58, _, _ =	vpop (xrf1);
	(erf) = vpow2.f32 v11;
	v11 =	vld [tilespmem:s28+$0x10]  }
0x369: {  	v34 =	vbroadcast v54, $0x7;
	v61 =	vsub.f32 v27, v22;
	(xrf1) =	vsort.dscd.msk.f32 $0xffff, v8, v8;
	v60 =	vpop (erf);
	(erf) = vpow2.f32 v12;
	v12 =	vld [tilespmem:s28+$0x20]  }
0x36a: {  	(xrf1) =	vsort.dscd.msk.f32 $0xffff, v14, v14;
	v35 =	vmax.f32 v58, v35  }
0x36b: {  	vm8 =	vge.f32 v21, v34;
	vm9 =	vge.f32 v20, v34;
	v44 =	vmul.f32 $1.442695020e+00, v61;
	v62 =	vpop (erf);
	(xrf1) =	vsort.dscd.msk.f32 $0xffff, v35, v35  }
0x36c: {  	vm10 =	vge.f32 v19, v34;
	vm11 =	vge.f32 v16, v34;
	v21 =	vpop (erf);
	(xrf1) =	vsort.dscd.msk.f32 $0xffff, v26, v26  }
0x36d: {  	v63 =	vsub.f32 v15, v22;
	v22 =	vnsel vm8, $0x0, v60;
	v16 =	vpop (erf);
	(erf) = vpow2.f32 v44;
	(xrf1) =	vsort.dscd.msk.f32 $0xffff, v11, v11  }
0x36e: {  	v19 =	vnsel vm9, $0x0, v62;
	v21 =	vnsel vm10, $0x0, v21;
	v16 =	vnsel vm11, $0x0, v16;
	v47, _, _ =	vpop (xrf1);
	(xrf1) =	vsort.dscd.msk.f32 $0xffff, v12, v12  }
0x36f: {  	v20 =	vld [tilespmem:s28+$0x0];
	v35 =	vadd.f32 v19, v22;
	v45 =	vadd.f32 v16, v21  }
0x370: {  	v50 =	vbroadcast v56, $0x7;
	v46, _, _ =	vpop (xrf2)  }
0x371: {  	v35 =	vadd.f32 v45, v35;
	v48, _, _ =	vpop (xrf1)  }
0x372: {  	vm14 =	vge.f32 v27, v50;
	v27 =	vperm.xlane v47, v0;
	v49 =	vpop (erf)  }
0x373: {  	vm13 =	vge.f32 v28, v50;
	v40 =	vmul.f32 $1.442695020e+00, v63;
	(xrf2) =	vadd.scan.msk.f32 $0xffff, v35;
	v51 =	vpop (erf)  }
0x374: {  	v38 =	vmul.f32 v59, v1;
	v28 =	vbroadcast v46, $0xF;
	(xrf1) =	vsort.dscd.msk.f32 $0xffff, v20, v20;
	v34 =	vmax.f32 v48, v27;
	v52, _, _ =	vpop (xrf1)  }
0x375: {  	vm12 =	vge.f32 v29, v50;
	v29, _, _ =	vpop (xrf1);
	(xrf1) =	vsort.dscd.msk.f32 $0xffff, v34, v34  }
0x376: {  	v33 =	vmul.f32 v38, v53;
	(erf) = vpow2.f32 v40;
	v56 =	vpop (erf)  }
0x377: {  	v31 =	vmul.f32 v38, v31;
	v30 =	vmul.f32 v38, v30;
	v53, _, _ =	vpop (xrf1)  }
0x378: {  	(erf) = vrcp.f32 v28;
	v55 =	vperm.xlane v52, v0;
	v28, _, _ =	vpop (xrf1)  }
0x379: {  	v54 =	vmul.f32 v38, v32;
	v29 =	vperm.xlane v29, v0;
	v32, _, _ =	vpop (xrf1)  }
0x37a: {  	[tilespmem:s24+$0x90] =	vst v31;
	v36 =	vmax.f32 v53, v55;
	v57, _, _ =	vpop (xrf1)  }
0x37b: {  	vm15 =	vge.f32 v15, v50;
	[tilespmem:s24+$0xA0] =	vst v30;
	v59 =	vmax.f32 v28, v29;
	(xrf1) =	vsort.dscd.msk.f32 $0xffff, v36, v36;
	v31, _, _ =	vpop (xrf1)  }
0x37c: {  	v15 =	vnsel vm12, $0x0, v49;
	v27 =	vnsel vm13, $0x0, v51;
	v58 =	vbroadcast v32, $0x0;
	v30, _, _ =	vpop (xrf1);
	(xrf1) =	vsort.dscd.msk.f32 $0xffff, v59, v59  }
0x37d: {  	[tilespmem:s24+$0xB0] =	vst v33;
	v33 =	vadd.f32 v27, v15;
	v28 =	vnsel vm14, $0x0, v56;
	v62, _, _ =	vpop (xrf2)  }
0x37e: {  	v61 =	vsub.f32 v24, v58;
	v63 =	vsub.f32 v9, v58;
	v37 =	vbroadcast v62, $0xF  }
0x37f: {  	v60 =	vperm.xlane v57, v0;
	v29 =	vpop (erf);
	v43 =	vsub.f32 v17, v58;
	v38 =	vsub.f32 v6, v58  }
0x380: {  	v29 =	vnsel vm15, $0x0, v29;
	v31 =	vperm.xlane v31, v0;
	v42 =	vmul.f32 $1.442695020e+00, v61  }
0x381: {  	v35 =	vmul.f32 $1.442695020e+00, v63;
	(erf) = vrcp.f32 v37;
	v39 =	vmax.f32 v30, v60;
	v30 =	vpop (erf)  }
0x382: {  	s29 =	simm.s32 $0x186;
	s30 =	simm.s32 $0xC400;
	[tilespmem:s24+$0x80] =	vst v54;
	v34 =	vadd.f32 v29, v28;
	v36 =	vmul.f32 $1.442695020e+00, v43;
	(erf) = vpow2.f32 v42;
	v37, _, _ =	vpop (xrf1)  }
.LBB2_8:
0x383: {  	v37 =	vmax.f32 v37, v31;
	(xrf1) =	vsort.dscd.msk.f32 $0xffff, v39, v39;
	v38 =	vmul.f32 $1.442695020e+00, v38;
	v39, _, _ =	vpop (xrf1);
	(erf) = vpow2.f32 v35  }
0x384: {  	v40 =	vld [tilespmem:s30+$0xB0];
	v31 =	vmovc v27;
	v27 =	vmovc v2;
	v2 =	vmov v28;
	v28 =	vmov v3;
	v3 =	vmov v29  }
0x385: {  	v33 =	vadd.f32 v34, v33;
	v29 =	vld [tilespmem:s30+$0x90];
	(xrf1) =	vsort.dscd.msk.f32 $0xffff, v37, v37;
	v35 =	vbroadcast v39, $0x0;
	(erf) = vpow2.f32 v36  }
0x386: {  	v36 =	vbroadcast v39, $0x7;
	v34 =	vld [tilespmem:s30+$0xA0];
	(erf) = vpow2.f32 v38  }
0x387: {  	v30 =	vmul.f32 v30, v1;
	v37 =	vld [tilespmem:s30+$0x80];
	v38 =	vsub.f32 v5, v35;
	v39 =	vsub.f32 v23, v35;
	(xrf2) =	vadd.scan.msk.f32 $0xffff, v33  }
0x388: {  	s29 =	sadd.s32 $0x2, s29;
	vm3 =	vge.f32 v5, v36;
	v33 =	vsub.f32 v25, v35;
	v35 =	vsub.f32 v4, v35;
	v5 =	vmovc v20;
	v41 =	vld [tilespmem:s30+$0x30]  }
0x389: {  	p0 =	slt.u32 s29, $0x1FE;
	vm2 =	vge.f32 v23, v36;
	v42 =	vld [tilespmem:s30+$0x10];
	(xrf1) =	vsort.dscd.msk.f32 $0xffff, v40, v40;
	v20, _, _ =	vpop (xrf1);
	v38 =	vmul.f32 $1.442695020e+00, v38;
	v23 =	vmul.f32 $1.442695020e+00, v39  }
0x38a: {  	vm1 =	vge.f32 v25, v36;
	v25 =	vmul.f32 $1.442695020e+00, v33;
	v39 =	vld [tilespmem:s30+$0x20];
	(xrf1) =	vsort.dscd.msk.f32 $0xffff, v29, v29;
	v43 =	vperm.xlane v20, v0;
	v44, _, _ =	vpop (xrf1)  }
0x38b: {  	vm0 =	vge.f32 v4, v36;
	v33 =	vmul.f32 $1.442695020e+00, v35;
	v20 =	vld [tilespmem:s30+$0x0];
	(xrf1) =	vsort.dscd.msk.f32 $0xffff, v34, v34;
	(erf) = vpow2.f32 v38;
	v4 =	vpop (erf)  }
0x38c: {  	v32 =	vbroadcast v32, $0x7;
	(xrf1) =	vsort.dscd.msk.f32 $0xffff, v37, v37;
	v35 =	vmax.f32 v44, v43;
	v36 =	vpop (erf);
	v38 =	vmul.f32 v4, v1  }
0x38d: {  	v18 =	vmul.f32 v30, v18;
	v4 =	vmov v26;
	(xrf1) =	vsort.dscd.msk.f32 $0xffff, v35, v35;
	(erf) = vpow2.f32 v23;
	v23 =	vpop (erf)  }
0x38e: {  	vm4 =	vge.f32 v24, v32;
	vm5 =	vge.f32 v9, v32;
	v9 =	vpop (erf);
	v24 =	vmul.f32 v38, v16  }
0x38f: {  	vm6 =	vge.f32 v6, v32;
	v35 =	vnsel vm4, $0x0, v36;
	vm4 =	vge.f32 v17, v32;
	(xrf1) =	vsort.dscd.msk.f32 $0xffff, v41, v41;
	v6 =	vpop (erf)  }
0x390: {  	v36 =	vnsel vm5, $0x0, v23;
	v43 =	vnsel vm4, $0x0, v9;
	v16 =	vnsel vm6, $0x0, v6;
	[tilespmem:s25+$0xB0] =	vst v24;
	v6 =	vmovc v7;
	v7 =	vmovc v40  }
0x391: {  	v10 =	vmul.f32 v30, v10;
	v17 =	vadd.f32 v36, v35;
	v26 =	vadd.f32 v16, v43;
	v9, _, _ =	vpop (xrf2);
	[tilespmem:s24+$0x0] =	vst v18  }
0x392: {  	v24 =	vmul.f32 v30, v27;
	(xrf1) =	vsort.dscd.msk.f32 $0xffff, v42, v42;
	v18, _, _ =	vpop (xrf1);
	v32 =	vbroadcast v9, $0xF;
	v9 =	vmov v13  }
0x393: {  	(xrf1) =	vsort.dscd.msk.f32 $0xffff, v39, v39;
	v27 =	vperm.xlane v18, v0;
	v18, _, _ =	vpop (xrf1);
	v26 =	vadd.f32 v26, v17;
	(erf) = vpow2.f32 v25  }
0x394: {  	v22 =	vmul.f32 v38, v22;
	(xrf1) =	vsort.dscd.msk.f32 $0xffff, v20, v20;
	v23 =	vpop (erf);
	[tilespmem:s24+$0x10] =	vst v10;
	v10 =	vmul.f32 v30, v28  }
0x395: {  	v13 =	vmovc v29;
	v18 =	vmax.f32 v18, v27;
	v30 =	vnsel vm3, $0x0, v23;
	(erf) = vpow2.f32 v33;
	(xrf2) =	vadd.scan.msk.f32 $0xffff, v26  }
0x396: {  	(xrf1) =	vsort.dscd.msk.f32 $0xffff, v18, v18;
	v17 =	vpop (erf);
	v18 =	vmul.f32 v38, v19;
	v19 =	vmul.f32 v38, v21;
	[tilespmem:s24+$0x20] =	vst v24  }
0x397: {  	v21, _, _ =	vpop (xrf1);
	v27 =	vnsel vm2, $0x0, v17;
	[tilespmem:s24+$0x30] =	vst v10;
	v17 =	vmov v8;
	v8 =	vmov v34;
	s24 =	smov.u32 s25;
	s25 =	smov.u32 s26;
	s26 =	smov.u32 s28  }
0x398: {  	v24 =	vmov v14;
	s28 =	smov.u32 s30;
	v10 =	vperm.xlane v21, v0;
	v21, _, _ =	vpop (xrf1);
	v33 =	vadd.f32 v27, v30;
	[tilespmem:s24+$0x80] =	vst v22  }
0x399: {  	v14 =	vmov v37;
	v26 =	vmov v41;
	v21 =	vperm.xlane v21, v0;
	v22, _, _ =	vpop (xrf1);
	[tilespmem:s24+$0x90] =	vst v18  }
0x39a: {  	v23 =	vmov v11;
	v28 =	vmax.f32 v22, v10;
	v18, _, _ =	vpop (xrf1);
	[tilespmem:s24+$0xA0] =	vst v19;
	(erf) = vrcp.f32 v32  }
0x39b: {  	v25 =	vmov v12;
	v11 =	vmov v42;
	v29 =	vmax.f32 v18, v21;
	(xrf1) =	vsort.dscd.msk.f32 $0xffff, v28, v28;
	v32, _, _ =	vpop (xrf1)  }
0x39c: {  	v12 =	vmov v39;
	v22 =	vmov v35;
	v19 =	vmov v36;
	(xrf1) =	vsort.dscd.msk.f32 $0xffff, v29, v29;
	v10 =	vpop (erf)  }
0x39d: {  	v36 =	vbroadcast v32, $0x0;
	v18, _, _ =	vpop (xrf1);
	v28 =	vnsel vm1, $0x0, v10;
	v21 =	vmov v43  }
0x39e: {  	v39 =	vperm.xlane v18, v0;
	v10 =	vpop (erf);
	v18 =	vmov v15;
	v15 =	vmov v30  }
.Ltmp3:
0x39f: {  	v30 =	vsub.f32 v24, v36;
	v29 =	vnsel vm0, $0x0, v10;
	v35, _, _ =	vpop (xrf2);
	v10 =	vmov v31;
	(pc) =	sbr.rel @p0 .LBB2_8-.Ltmp3, $4  }
0x3a0: {  	v38 =	vsub.f32 v9, v36;
	v31, _, _ =	vpop (xrf1);
	v34 =	vadd.f32 v29, v28;
	v40 =	vbroadcast v35, $0xF  }
0x3a1: {  	v42 =	vsub.f32 v17, v36;
	v43 =	vmul.f32 $1.442695020e+00, v30;
	v31 =	vperm.xlane v31, v0;
	v41, _, _ =	vpop (xrf1)  }
0x3a2: {  	v35 =	vmul.f32 $1.442695020e+00, v38;
	v38 =	vsub.f32 v6, v36;
	v37, _, _ =	vpop (xrf1);
	(erf) = vrcp.f32 v40  }
0x3a3: {  	s30 =	sadd.s32 $0x100, s30;
	v36 =	vmul.f32 $1.442695020e+00, v42;
	v39 =	vmax.f32 v41, v39;
	(erf) = vpow2.f32 v43;
	v30 =	vpop (erf)  }
0x3a4: {  	(xrf1) =	vsort.dscd.msk.f32 $0xffff, v39, v39  }
0x3a5: {  	v31 =	vmax.f32 v37, v31  }
0x3a6: {  	(xrf1) =	vsort.dscd.msk.f32 $0xffff, v31, v31  }
0x3a7: {  	(erf) = vpow2.f32 v35  }
0x3a8: {  	v38 =	vmul.f32 $1.442695020e+00, v38;
	(erf) = vpow2.f32 v36;
	_ =	sdelay $0x1  }
0x3a9: {  	(erf) = vpow2.f32 v38  }
0x3aa: {  	v47, _, _ =	vpop (xrf1)  }
0x3ab: {  	v48, _, _ =	vpop (xrf1)  }
0x3ac: {  	v49, _, _ =	vpop (xrf1)  }
0x3ad: {  	v37 =	vpop (erf)  }
0x3ae: {  	v32 =	vbroadcast v32, $0x7;
	v35 =	vperm.xlane v48, v0;
	v50 =	vpop (erf)  }
0x3af: {  	v51 =	vpop (erf)  }
0x3b0: {  	v33 =	vadd.f32 v34, v33;
	vm0 =	vge.f32 v24, v32;
	v35 =	vmax.f32 v49, v35;
	v52 =	vpop (erf)  }
0x3b1: {  	vm1 =	vge.f32 v9, v32;
	vm14 =	vge.f32 v17, v32;
	(xrf1) =	vsort.dscd.msk.f32 $0xffff, v35, v35;
	v56, _, _ =	vpop (xrf1)  }
0x3b2: {  	vm2 =	vge.f32 v6, v32;
	v9 =	vnsel vm0, $0x0, v50;
	v53 =	vpop (erf);
	v34 =	vperm.xlane v56, v0  }
0x3b3: {  	v17 =	vnsel vm1, $0x0, v51;
	v6 =	vnsel vm14, $0x0, v52;
	v24 =	vnsel vm2, $0x0, v53;
	v57, _, _ =	vpop (xrf1)  }
0x3b4: {  	(xrf2) =	vadd.scan.msk.f32 $0xffff, v33;
	v54 =	vadd.f32 v17, v9;
	v55 =	vadd.f32 v24, v6;
	v33 =	vmax.f32 v57, v34  }
0x3b5: {  	(xrf1) =	vsort.dscd.msk.f32 $0xffff, v33, v33  }
0x3b6: {  	v32 =	vadd.f32 v55, v54;
	_ =	sdelay $0x1  }
0x3b7: {  	(xrf2) =	vadd.scan.msk.f32 $0xffff, v32  }
0x3b8: {  	v58 =	vbroadcast v47, $0x0;
	_ =	sdelay $0x1  }
0x3b9: {  	v59 =	vsub.f32 v5, v58  }
0x3ba: {  	v60 =	vsub.f32 v23, v58;
	v61 =	vsub.f32 v25, v58  }
0x3bb: {  	v31 =	vbroadcast v47, $0x7;
	v32 =	vsub.f32 v4, v58;
	v33 =	vmul.f32 $1.442695020e+00, v59  }
0x3bc: {  	v35 =	vmul.f32 $1.442695020e+00, v61;
	v34 =	vmul.f32 $1.442695020e+00, v60  }
0x3bd: {  	v32 =	vmul.f32 $1.442695020e+00, v32;
	(erf) = vpow2.f32 v33;
	v62, _, _ =	vpop (xrf1)  }
0x3be: {  	vm15 =	vge.f32 v5, v31;
	v40, _, _ =	vpop (xrf2);
	(erf) = vpow2.f32 v34;
	v63 =	vbroadcast v62, $0x0  }
0x3bf: {  	vm6 =	vge.f32 v23, v31;
	v34 =	vbroadcast v40, $0xF;
	(erf) = vpow2.f32 v35  }
0x3c0: {  	vm3 =	vge.f32 v4, v31;
	(erf) = vpow2.f32 v32;
	v41 =	vsub.f32 v14, v63;
	v42, _, _ =	vpop (xrf2)  }
0x3c1: {  	(erf) = vrcp.f32 v34;
	v43 =	vsub.f32 v13, v63;
	v38 =	vbroadcast v42, $0xF;
	v46, _, _ =	vpop (xrf1)  }
0x3c2: {  	v45 =	vsub.f32 v8, v63;
	v44 =	vmul.f32 $1.442695020e+00, v41;
	v47 =	vbroadcast v46, $0x0  }
0x3c3: {  	v33 =	vsub.f32 v7, v63;
	v32 =	vmul.f32 $1.442695020e+00, v43;
	(erf) = vrcp.f32 v38  }
0x3c4: {  	v35 =	vmul.f32 $1.442695020e+00, v45;
	(erf) = vpow2.f32 v44;
	v50 =	vsub.f32 v20, v47  }
0x3c5: {  	v33 =	vmul.f32 $1.442695020e+00, v33;
	(erf) = vpow2.f32 v32;
	v52 =	vsub.f32 v11, v47  }
0x3c6: {  	(erf) = vpow2.f32 v35;
	v53 =	vsub.f32 v12, v47;
	v23 =	vmul.f32 $1.442695020e+00, v50  }
0x3c7: {  	v48 =	vpop (erf);
	(erf) = vpow2.f32 v33;
	v32 =	vsub.f32 v26, v47;
	v4 =	vmul.f32 $1.442695020e+00, v52  }
0x3c8: {  	vm7 =	vge.f32 v25, v31;
	v49 =	vpop (erf);
	v31 =	vmul.f32 $1.442695020e+00, v53;
	(erf) = vpow2.f32 v23  }
0x3c9: {  	v51 =	vpop (erf);
	v32 =	vmul.f32 $1.442695020e+00, v32;
	(erf) = vpow2.f32 v4  }
0x3ca: {  	v54 =	vpop (erf);
	(erf) = vpow2.f32 v31  }
0x3cb: {  	v36 =	vbroadcast v62, $0x7;
	v5 =	vnsel vm15, $0x0, v48;
	v55 =	vpop (erf);
	(erf) = vpow2.f32 v32  }
0x3cc: {  	v25 =	vnsel vm7, $0x0, v51;
	v35 =	vnsel vm3, $0x0, v54;
	v33 =	vnsel vm6, $0x0, v49;
	v56 =	vpop (erf)  }
0x3cd: {  	v60 =	vadd.f32 v35, v25;
	v58 =	vadd.f32 v33, v5;
	v57 =	vpop (erf)  }
0x3ce: {  	vm8 =	vge.f32 v14, v36;
	v59 =	vpop (erf)  }
0x3cf: {  	vm9 =	vge.f32 v13, v36;
	vm10 =	vge.f32 v8, v36;
	v4 =	vadd.f32 v60, v58;
	v61 =	vpop (erf)  }
0x3d0: {  	vm11 =	vge.f32 v7, v36;
	v39 =	vbroadcast v46, $0x7;
	v14 =	vnsel vm8, $0x0, v57;
	v62 =	vpop (erf)  }
0x3d1: {  	v63 =	vnsel vm9, $0x0, v59;
	(xrf2) =	vadd.scan.msk.f32 $0xffff, v4;
	v36 =	vnsel vm10, $0x0, v61;
	v7 =	vnsel vm11, $0x0, v62;
	v40 =	vpop (erf)  }
0x3d2: {  	v31 =	vadd.f32 v63, v14;
	v32 =	vadd.f32 v7, v36;
	v41 =	vpop (erf)  }
0x3d3: {  	vm12 =	vge.f32 v20, v39;
	vm13 =	vge.f32 v11, v39;
	vm14 =	vge.f32 v12, v39;
	v42 =	vpop (erf)  }
0x3d4: {  	vm15 =	vge.f32 v26, v39;
	v31 =	vadd.f32 v32, v31;
	v4 =	vnsel vm12, $0x0, v40;
	v43 =	vpop (erf)  }
0x3d5: {  	v44 =	vnsel vm13, $0x0, v41;
	v11 =	vnsel vm14, $0x0, v42;
	v12 =	vnsel vm15, $0x0, v43  }
0x3d6: {  	(xrf2) =	vadd.scan.msk.f32 $0xffff, v31;
	v45 =	vadd.f32 v44, v4;
	v46 =	vadd.f32 v12, v11;
	_ =	sdelay $0x1  }
0x3d7: {  	v26 =	vadd.f32 v46, v45  }
0x3d8: {  	v30 =	vmul.f32 v30, v1  }
0x3d9: {  	(xrf2) =	vadd.scan.msk.f32 $0xffff, v26  }
0x3da: {  	v18 =	vmul.f32 v30, v18;
	v48, _, _ =	vpop (xrf2)  }
0x3db: {  	v10 =	vmul.f32 v30, v10;
	v26 =	vbroadcast v48, $0xF  }
0x3dc: {  	v2 =	vmul.f32 v30, v2;
	[tilespmem:s24+$0x0] =	vst v18;
	v47 =	vmul.f32 v37, v1  }
0x3dd: {  	v3 =	vmul.f32 v30, v3;
	[tilespmem:s24+$0x10] =	vst v10;
	(erf) = vrcp.f32 v26  }
0x3de: {  	[tilespmem:s24+$0x20] =	vst v2;
	v16 =	vmul.f32 v47, v16  }
0x3df: {  	[tilespmem:s24+$0x30] =	vst v3;
	v51 =	vmul.f32 v47, v22;
	v53 =	vmul.f32 v55, v1;
	v49, _, _ =	vpop (xrf2)  }
0x3e0: {  	v2 =	vmul.f32 v47, v19;
	[tilespmem:s25+$0xB0] =	vst v16;
	v50 =	vbroadcast v49, $0xF  }
0x3e1: {  	v52 =	vmul.f32 v47, v21;
	[tilespmem:s25+$0x80] =	vst v51;
	v15 =	vmul.f32 v53, v15  }
0x3e2: {  	[tilespmem:s25+$0x90] =	vst v2;
	v3 =	vmul.f32 v56, v1;
	(erf) = vrcp.f32 v50  }
0x3e3: {  	[tilespmem:s25+$0xA0] =	vst v52;
	v55 =	vmul.f32 v53, v28;
	v54, _, _ =	vpop (xrf2)  }
0x3e4: {  	[tilespmem:s25+$0x0] =	vst v15;
	v2 =	vmul.f32 v3, v24;
	v16 =	vbroadcast v54, $0xF  }
0x3e5: {  	[tilespmem:s25+$0x20] =	vst v55;
	v9 =	vmul.f32 v3, v9  }
0x3e6: {  	v58 =	vmul.f32 v3, v17;
	[tilespmem:s26+$0xB0] =	vst v2;
	v56 =	vpop (erf);
	(erf) = vrcp.f32 v16  }
0x3e7: {  	v3 =	vmul.f32 v3, v6;
	[tilespmem:s26+$0x80] =	vst v9;
	v59 =	vmul.f32 v56, v1  }
0x3e8: {  	v2 =	vmul.f32 v53, v27;
	[tilespmem:s26+$0x90] =	vst v58  }
0x3e9: {  	[tilespmem:s26+$0xA0] =	vst v3;
	v3 =	vmul.f32 v59, v5  }
0x3ea: {  	[tilespmem:s25+$0x10] =	vst v2;
	v2 =	vmul.f32 v53, v29  }
0x3eb: {  	v57 =	vpop (erf);
	v60 =	vmul.f32 v59, v33;
	[tilespmem:s26+$0x0] =	vst v3;
	v3 =	vmul.f32 v59, v25  }
0x3ec: {  	[tilespmem:s25+$0x30] =	vst v2;
	v61 =	vmul.f32 v59, v35;
	v2 =	vmul.f32 v57, v1  }
0x3ed: {  	[tilespmem:s26+$0x10] =	vst v60  }
0x3ee: {  	[tilespmem:s26+$0x30] =	vst v61;
	v7 =	vmul.f32 v2, v7  }
0x3ef: {  	v62 =	vmul.f32 v2, v14;
	[tilespmem:s26+$0x20] =	vst v3;
	v3 =	vpop (erf)  }
0x3f0: {  	v63 =	vmul.f32 v2, v63;
	[tilespmem:s28+$0xB0] =	vst v7;
	v1 =	vmul.f32 v3, v1  }
0x3f1: {  	v2 =	vmul.f32 v2, v36;
	[tilespmem:s28+$0x80] =	vst v62  }
0x3f2: {  	[tilespmem:s28+$0x90] =	vst v63;
	v3 =	vmul.f32 v1, v4  }
0x3f3: {  	[tilespmem:s28+$0xA0] =	vst v2;
	v2 =	vmul.f32 v1, v44  }
0x3f4: {  	[tilespmem:s28+$0x0] =	vst v3;
	v3 =	vmul.f32 v1, v11  }
0x3f5: {  	[tilespmem:s28+$0x10] =	vst v2;
	v1 =	vmul.f32 v1, v12  }
0x3f6: {  	[tilespmem:s28+$0x20] =	vst v3  }
0x3f7: {  	[tilespmem:s28+$0x30] =	vst v1  }
0x3f8: {  	[hbm4b:s11+s2] =	stream.linear.scatter [tilespmem:s15], [sflag:$0x5], $0x4000, $0x38;
	[tilespmem:$0x10080] =	vst v63  }
0x3f9: {  	_ =	swait.ge [sflag:s22], $0x4000  }
0x3fa: {  	[sflag:s22] =	ssyncset.done $0x0  }
0x3fb: {  	[sflag:s22] =	ssyncadd.s32 $0xFFFFC000  }
0x3fc: {  	_ =	swait.ge [sflag:s22], $0x4000  }
0x3fd: {  	[sflag:s22] =	ssyncset.done $0x0  }
0x3fe: {  	s23 =	sadd.s32 $0x1, s23;
	[sflag:s22] =	ssyncadd.s32 $0xFFFFC000  }
0x3ff: {  	p0 =	sne.s32 s23, s12;
	_ =	swait.ge [sflag:s22], $0x4000  }
.Ltmp4:
0x400: {  	[sflag:s22] =	ssyncset.done $0x0;
	(pc) =	sbr.rel @p0 .LBB2_1-.Ltmp4, $4  }
0x401: {  	[sflag:s22] =	ssyncadd.s32 $0xFFFFC000  }
0x402: {  	_ =	swait.ge [sflag:s22], $0x4000  }
0x403: {  	[sflag:s22] =	ssyncset.done $0x0  }
0x404: {  	[sflag:s22] =	ssyncadd.s32 $0xFFFFC000  }
0x405: {  	_ =	sfence.sel $0x180000  }
0x406: {  	[bflag:$0x0] =	sbarrier.arrive $0xFFFF  }
0x407: {  	p0 =	sne.s32 s3, $0x0;
	_ =	strace $0x90000047  }
0x408: {  	s0 =	sadd.s32 @!p0 $0x100000, s0;
	[bflag:$0x2] =	sbarrier.arrive $0xFFFF  }
0x409: {  	[sflag:s0] =	ssyncadd.tile.s32 @!p0 $0x1;
	_ =	shalt  }
.Lfunc_end2:
_tile_overlayer_lowered:
.L_overlay_start_2:
0x40a: {  	(tag) =	ssettag $0x2  }
0x40b: {  	s0 =	rddreg [dreg:$0x0];
	s2 =	stileid.u32  }
0x40c: {  	s1 =	rddreg [dreg:$0x1];
	p0 =	sne.s32 s2, $0x0  }
0x40d: {  	s3 =	rddreg [dreg:$0x2];
	[bflag:$0x3] =	sbarrier.arrive $0xFFFF;
	s2 =	simm.s32 @!p0 $0x1C06  }
0x40e: {  	[timem:s3], [sflag:s2] =	dma.local @!p0 [hbm:s0], s1  }
0x40f: {  	s0 =	simm.s32 @!p0 $0x6  }
0x410: {  	_ =	swait.ge @!p0 [sflag:s0], s1  }
0x411: {  	s1 =	ssub.s32 @!p0 $0x0, s1;
	[sflag:s0] =	ssyncset.done @!p0 $0x0  }
0x412: {  	[sflag:s0] =	ssyncadd.s32 @!p0 s1  }
0x413: {  	[bflag:$0x3] =	sbarrier.arrive $0xFFFF  }
0x414: {  	_ =	shalt  }

</sc_bundles>
